<compile_context>
chip_gen: v7x
topology: tpu7x:2x2x1
jax: 0.10.2.dev20260603
libtpu: 0.0.44.dev20260713+nightly
codegen_flags: <defaults>
</compile_context>

<pallas_src>
import functools

import jax
import jax.numpy as jnp
from jax import lax
from jax.experimental import pallas as pl
from jax.experimental.pallas import tpu as pltpu
from jax.experimental.pallas import tpu_sc as plsc

B = 16384
D = 32
NC, NS, L = 2, 16, 16
NW = NC * NS
B_PER_W = B // NW
GROUPS = B_PER_W // L


def _body(vid_hbm, gid_hbm, vtab_hbm, gtab_hbm, wv_hbm, bv_hbm, out_hbm,
          vidx_v, gidx_v, vdst, gdst, wv, bv, outs, sem_v, sem_g):
    wid = lax.axis_index("s") * NC + lax.axis_index("c")
    base = wid * B_PER_W

    pltpu.sync_copy(vid_hbm.at[pl.ds(base, B_PER_W)], vidx_v)
    pltpu.sync_copy(gid_hbm.at[pl.ds(base, B_PER_W)], gidx_v)
    pltpu.sync_copy(wv_hbm, wv)
    pltpu.sync_copy(bv_hbm, bv)

    def chunk_body(c, carry):
        vv = vidx_v[pl.ds(c * L, L)]
        gv = gidx_v[pl.ds(c * L, L)]
        for k in range(L):
            r = c * (L // 4) + k // 4
            col = (k % 4) * D
            pltpu.async_copy(vtab_hbm.at[vv[k]], vdst.at[r, pl.ds(col, D)],
                             sem_v)
            pltpu.async_copy(gtab_hbm.at[gv[k]], gdst.at[r, pl.ds(col, D)],
                             sem_g)
        return carry

    lax.fori_loop(0, GROUPS, chunk_body, 0)
    pltpu.make_async_copy(vtab_hbm.at[pl.ds(0, B_PER_W // 4)], vdst, sem_v).wait()
    pltpu.make_async_copy(gtab_hbm.at[pl.ds(0, B_PER_W // 4)], gdst, sem_g).wait()

    lanes = lax.iota(jnp.int32, L)
    w = wv[...]
    bb = bv[...]

    def group_body(g, carry):
        rows = g * L + lanes
        rvec = rows >> 2
        cvec0 = (rows & 3) * D
        dot = jnp.zeros((L,), jnp.float32)
        mm = jnp.zeros((L,), jnp.float32)
        gg = jnp.zeros((L,), jnp.float32)
        for d in range(D):
            m = plsc.load_gather(vdst, [rvec, cvec0 + d])
            ge = plsc.load_gather(gdst, [rvec, cvec0 + d])
            dot = dot + m * ge
            mm = mm + m * m
            gg = gg + ge * ge
        x = jnp.maximum(mm, 1e-12) * jnp.maximum(gg, 1e-12)
        i = plsc.bitcast(x, jnp.int32)
        y = plsc.bitcast(jnp.int32(0x5F3759DF) - (i >> 1), jnp.float32)
        for _ in range(3):
            y = y * (1.5 - 0.5 * x * y * y)
        logit = dot * y * w + bb
        prob = 1.0 / (1.0 + jnp.exp(-logit))
        outs[pl.ds(g * L, L)] = prob
        return carry

    lax.fori_loop(0, GROUPS, group_body, 0)
    pltpu.sync_copy(outs, out_hbm.at[pl.ds(base, B_PER_W)])


@jax.jit
def _run(vid, gid, vtab, gtab, wv, bv):
    mesh = plsc.VectorSubcoreMesh(
        core_axis_name="c", subcore_axis_name="s",
        num_cores=NC, num_subcores=NS)
    f = functools.partial(
        pl.kernel,
        out_type=jax.ShapeDtypeStruct((B,), jnp.float32),
        mesh=mesh,
        compiler_params=pltpu.CompilerParams(
            needs_layout_passes=False, use_tc_tiling_on_sc=True),
        scratch_types=[
            pltpu.VMEM((B_PER_W,), jnp.int32),
            pltpu.VMEM((B_PER_W,), jnp.int32),
            pltpu.VMEM((B_PER_W // 4, 4 * D), jnp.float32),
            pltpu.VMEM((B_PER_W // 4, 4 * D), jnp.float32),
            pltpu.VMEM((L,), jnp.float32),
            pltpu.VMEM((L,), jnp.float32),
            pltpu.VMEM((B_PER_W,), jnp.float32),
            pltpu.SemaphoreType.DMA,
            pltpu.SemaphoreType.DMA,
        ],
    )(_body)
    return f(vid, gid, vtab, gtab, wv, bv)


def kernel(video_ids, genre_ids, video_table, genre_table, W, b):
    vid = video_ids.astype(jnp.int32)
    gid = genre_ids.astype(jnp.int32)
    wv = jnp.full((L,), W[0, 0], dtype=jnp.float32)
    bv = jnp.full((L,), b[0], dtype=jnp.float32)
    out = _run(vid, gid, video_table, genre_table, wv, bv)
    return out.reshape(B, 1)

# --- scband reference (transcript-rebuilt; emitter-appended) ---
"""Pipeline reference for scband-video-genre-embedding-87179246174519 (READ-ONLY COPY).

The authoritative reference and input builder live on the scoring server;
editing this copy changes nothing except your own understanding.
"""

import jax, jax.numpy as jnp
import numpy as np

LEN_VIDEOS = 1000000
LEN_GENRES = 1000
EMBED_DIM = 32
BATCH = 16384


def setup_inputs(seed: int = 0) -> dict:
    key = jax.random.key(seed)
    k1, k2, k3, k4, k5, k6 = jax.random.split(key, 6)
    video_ids = jax.random.randint(k1, (BATCH,), 0, LEN_VIDEOS, dtype=jnp.int32).astype(jnp.int64)
    genre_ids = jax.random.randint(k2, (BATCH,), 0, LEN_GENRES, dtype=jnp.int32).astype(jnp.int64)
    video_table = jax.random.normal(k3, (LEN_VIDEOS, EMBED_DIM), dtype=jnp.float32) * 0.05
    genre_table = jax.random.normal(k4, (LEN_GENRES, EMBED_DIM), dtype=jnp.float32) * 0.05
    W = jax.random.normal(k5, (1, 1), dtype=jnp.float32) * 0.5
    b = jnp.zeros((1,), dtype=jnp.float32)
    return {"video_ids": video_ids, "genre_ids": genre_ids,
            "video_table": video_table, "genre_table": genre_table,
            "W": W, "b": b}


def _l2_normalize(x, axis, eps=1e-12):
    # matches tf.nn.l2_normalize used by keras Dot(normalize=True)
    sq = jnp.sum(jnp.square(x), axis=axis, keepdims=True)
    return x * jax.lax.rsqrt(jnp.maximum(sq, eps))


def reference(video_ids, genre_ids, video_table, genre_table, W, b):
    # embedding lookups (SparseCore gathers)
    memb = jnp.take(video_table, video_ids, axis=0)   # [B, D]
    gemb = jnp.take(genre_table, genre_ids, axis=0)   # [B, D]
    # Dot(normalize=True, axes=1): cosine similarity along feature axis
    mn = _l2_normalize(memb, axis=1)
    gn = _l2_normalize(gemb, axis=1)
    dot = jnp.sum(mn * gn, axis=1, keepdims=True)     # [B, 1]
    # Dense(1, sigmoid)
    logits = dot @ W + b                              # [B, 1]
    return jax.nn.sigmoid(logits)


if False:  # reference __main__ guard neutralized (emitter)
    out = reference(**setup_inputs())
    print(out.shape, out.dtype)

if __name__ == "__main__":
    import jax
    _d = setup_inputs()
    print(jax.jit(kernel)(*tuple(_d.values())))

</pallas_src>

<mosaic_0001>
#map = affine_map<(d0, d1) -> (0)>
#map1 = affine_map<(d0, d1) -> (0, 0)>
module attributes {stable_mosaic.version = 14 : i64} {
  func.func @_body(%arg0: i32, %arg1: i32, %arg2: memref<16384xi32, #tpu.memory_space<hbm>>, %arg3: memref<16384xi32, #tpu.memory_space<hbm>>, %arg4: memref<1000000x32xf32, #tpu.memory_space<hbm>>, %arg5: memref<1000x32xf32, #tpu.memory_space<hbm>>, %arg6: memref<16xf32, #tpu.memory_space<hbm>>, %arg7: memref<16xf32, #tpu.memory_space<hbm>>, %arg8: memref<16384xf32, #tpu.memory_space<hbm>>, %arg9: memref<512xi32, #tpu.memory_space<vmem>>, %arg10: memref<512xi32, #tpu.memory_space<vmem>>, %arg11: memref<128x128xf32, #tpu.memory_space<vmem>>, %arg12: memref<128x128xf32, #tpu.memory_space<vmem>>, %arg13: memref<16xf32, #tpu.memory_space<vmem>>, %arg14: memref<16xf32, #tpu.memory_space<vmem>>, %arg15: memref<512xf32, #tpu.memory_space<vmem>>, %arg16: memref<!tpu.dma_semaphore, #tpu.memory_space<semaphore_mem>>, %arg17: memref<!tpu.dma_semaphore, #tpu.memory_space<semaphore_mem>>) attributes {dimension_semantics = [#tpu.dimension_semantics<core_parallel>, #tpu.dimension_semantics<subcore_parallel>], iteration_bounds = array<i64: 2, 16>, scalar_prefetch = 0 : i64, scratch_operands = 9 : i64, tpu.core_type = #tpu.core_type<sc_vector_subcore>, window_params = [{transform_indices = #map}, {transform_indices = #map}, {transform_indices = #map1}, {transform_indices = #map1}, {transform_indices = #map}, {transform_indices = #map}, {transform_indices = #map}]} {
    %mul3A = arith.constant 2 : i32
    %mul3A_0 = arith.muli %arg1, %mul3A : i32
    %add3A = arith.addi %mul3A_0, %arg0 : i32
    %mul3A_1 = arith.constant 512 : i32
    %mul3A_2 = arith.muli %add3A, %mul3A_1 : i32
    "tpu.region"() ({
      %run_scoped3A = tpu.sem_alloc : memref<!tpu.dma_semaphore, #tpu.memory_space<semaphore_mem>>
      %dma_start3A = tpu.memref_slice %arg2[%mul3A_2] : memref<16384xi32, #tpu.memory_space<hbm>> -> memref<512xi32, #tpu.memory_space<hbm>>
      %dma_start3A_28 = tpu.memref_slice %arg2[%mul3A_2] : memref<16384xi32, #tpu.memory_space<hbm>> -> memref<512xi32, #tpu.memory_space<hbm>>
      tpu.enqueue_dma source(%dma_start3A_28 : memref<512xi32, #tpu.memory_space<hbm>>) target(%arg9 : memref<512xi32, #tpu.memory_space<vmem>>) target_semaphore(%run_scoped3A : memref<!tpu.dma_semaphore, #tpu.memory_space<semaphore_mem>>)
      %dma_wait3A_29 = tpu.memref_slice %arg2[%mul3A_2] : memref<16384xi32, #tpu.memory_space<hbm>> -> memref<512xi32, #tpu.memory_space<hbm>>
      %dma_wait3A_30 = tpu.memref_slice %arg2[%mul3A_2] : memref<16384xi32, #tpu.memory_space<hbm>> -> memref<512xi32, #tpu.memory_space<hbm>>
      tpu.wait_dma2 semaphore(%run_scoped3A : memref<!tpu.dma_semaphore, #tpu.memory_space<semaphore_mem>>) src(%dma_wait3A_30 : memref<512xi32, #tpu.memory_space<hbm>>) dst(%arg9 : memref<512xi32, #tpu.memory_space<vmem>>)
      tpu.yield
    }) : () -> ()
    "tpu.region"() ({
      %run_scoped3A = tpu.sem_alloc : memref<!tpu.dma_semaphore, #tpu.memory_space<semaphore_mem>>
      %dma_start3A = tpu.memref_slice %arg3[%mul3A_2] : memref<16384xi32, #tpu.memory_space<hbm>> -> memref<512xi32, #tpu.memory_space<hbm>>
      %dma_start3A_28 = tpu.memref_slice %arg3[%mul3A_2] : memref<16384xi32, #tpu.memory_space<hbm>> -> memref<512xi32, #tpu.memory_space<hbm>>
      tpu.enqueue_dma source(%dma_start3A_28 : memref<512xi32, #tpu.memory_space<hbm>>) target(%arg10 : memref<512xi32, #tpu.memory_space<vmem>>) target_semaphore(%run_scoped3A : memref<!tpu.dma_semaphore, #tpu.memory_space<semaphore_mem>>)
      %dma_wait3A_29 = tpu.memref_slice %arg3[%mul3A_2] : memref<16384xi32, #tpu.memory_space<hbm>> -> memref<512xi32, #tpu.memory_space<hbm>>
      %dma_wait3A_30 = tpu.memref_slice %arg3[%mul3A_2] : memref<16384xi32, #tpu.memory_space<hbm>> -> memref<512xi32, #tpu.memory_space<hbm>>
      tpu.wait_dma2 semaphore(%run_scoped3A : memref<!tpu.dma_semaphore, #tpu.memory_space<semaphore_mem>>) src(%dma_wait3A_30 : memref<512xi32, #tpu.memory_space<hbm>>) dst(%arg10 : memref<512xi32, #tpu.memory_space<vmem>>)
      tpu.yield
    }) : () -> ()
    "tpu.region"() ({
      %run_scoped3A = tpu.sem_alloc : memref<!tpu.dma_semaphore, #tpu.memory_space<semaphore_mem>>
      tpu.enqueue_dma source(%arg6 : memref<16xf32, #tpu.memory_space<hbm>>) target(%arg13 : memref<16xf32, #tpu.memory_space<vmem>>) target_semaphore(%run_scoped3A : memref<!tpu.dma_semaphore, #tpu.memory_space<semaphore_mem>>)
      tpu.wait_dma2 semaphore(%run_scoped3A : memref<!tpu.dma_semaphore, #tpu.memory_space<semaphore_mem>>) src(%arg6 : memref<16xf32, #tpu.memory_space<hbm>>) dst(%arg13 : memref<16xf32, #tpu.memory_space<vmem>>)
      tpu.yield
    }) : () -> ()
    "tpu.region"() ({
      %run_scoped3A = tpu.sem_alloc : memref<!tpu.dma_semaphore, #tpu.memory_space<semaphore_mem>>
      tpu.enqueue_dma source(%arg7 : memref<16xf32, #tpu.memory_space<hbm>>) target(%arg14 : memref<16xf32, #tpu.memory_space<vmem>>) target_semaphore(%run_scoped3A : memref<!tpu.dma_semaphore, #tpu.memory_space<semaphore_mem>>)
      tpu.wait_dma2 semaphore(%run_scoped3A : memref<!tpu.dma_semaphore, #tpu.memory_space<semaphore_mem>>) src(%arg7 : memref<16xf32, #tpu.memory_space<hbm>>) dst(%arg14 : memref<16xf32, #tpu.memory_space<vmem>>)
      tpu.yield
    }) : () -> ()
    %scan3A = arith.constant 0 : i32
    %scan3A_3 = arith.constant 0 : i32
    %scan3A_4 = arith.constant 32 : i32
    %scan3A_5 = arith.addi %scan3A_3, %scan3A_4 : i32
    %scan3A_6 = arith.constant 1 : i32
    scf.for %scan3A_28 = %scan3A_3 to %scan3A_5 step %scan3A_6  : i32 {
      %mul3A_29 = arith.constant 16 : i32
      %mul3A_30 = arith.muli %scan3A_28, %mul3A_29 : i32
      %get3A_31 = arith.index_cast %mul3A_30 : i32 to index
      %get3A_32 = tpu.vector_load %arg9[%get3A_31] {strides = array<i32>} : memref<512xi32, #tpu.memory_space<vmem>>, vector<16xi32>,
      %mul3A_33 = arith.constant 16 : i32
      %mul3A_34 = arith.muli %scan3A_28, %mul3A_33 : i32
      %get3A_35 = arith.index_cast %mul3A_34 : i32 to index
      %get3A_36 = tpu.vector_load %arg10[%get3A_35] {strides = array<i32>} : memref<512xi32, #tpu.memory_space<vmem>>, vector<16xi32>,
      %mul3A_37 = arith.constant 4 : i32
      %mul3A_38 = arith.muli %scan3A_28, %mul3A_37 : i32
      %add3A_39 = arith.constant 0 : i32
      %add3A_40 = arith.addi %mul3A_38, %add3A_39 : i32
      %slice3A = vector.extract_strided_slice %get3A_32 {offsets = [0], sizes = [1], strides = [1]} : vector<16xi32> to vector<1xi32>
      %squeeze3A = vector.extract %slice3A[0] : i32 from vector<1xi32>
      %dma_start3A = arith.constant 0 : i32
      %dma_start3A_41 = tpu.memref_slice %arg11[%add3A_40, %dma_start3A] : memref<128x128xf32, #tpu.memory_space<vmem>> -> memref<1x32xf32, #tpu.memory_space<vmem>>
      %dma_start3A_42 = tpu.memref_squeeze %dma_start3A_41 : memref<1x32xf32, #tpu.memory_space<vmem>> -> memref<32xf32, #tpu.memory_space<vmem>>
      %dma_start3A_43 = arith.constant 0 : i32
      %dma_start3A_44 = tpu.memref_slice %arg4[%squeeze3A, %dma_start3A_43] : memref<1000000x32xf32, #tpu.memory_space<hbm>> -> memref<1x32xf32, #tpu.memory_space<hbm>>
      %dma_start3A_45 = tpu.memref_squeeze %dma_start3A_44 : memref<1x32xf32, #tpu.memory_space<hbm>> -> memref<32xf32, #tpu.memory_space<hbm>>
      %dma_start3A_46 = arith.constant 0 : i32
      %dma_start3A_47 = tpu.memref_slice %arg11[%add3A_40, %dma_start3A_46] : memref<128x128xf32, #tpu.memory_space<vmem>> -> memref<1x32xf32, #tpu.memory_space<vmem>>
      %dma_start3A_48 = tpu.memref_squeeze %dma_start3A_47 : memref<1x32xf32, #tpu.memory_space<vmem>> -> memref<32xf32, #tpu.memory_space<vmem>>
      %dma_start3A_49 = arith.constant 0 : i32
      %dma_start3A_50 = tpu.memref_slice %arg4[%squeeze3A, %dma_start3A_49] : memref<1000000x32xf32, #tpu.memory_space<hbm>> -> memref<1x32xf32, #tpu.memory_space<hbm>>
      %dma_start3A_51 = tpu.memref_squeeze %dma_start3A_50 : memref<1x32xf32, #tpu.memory_space<hbm>> -> memref<32xf32, #tpu.memory_space<hbm>>
      tpu.enqueue_dma source(%dma_start3A_51 : memref<32xf32, #tpu.memory_space<hbm>>) target(%dma_start3A_48 : memref<32xf32, #tpu.memory_space<vmem>>) target_semaphore(%arg16 : memref<!tpu.dma_semaphore, #tpu.memory_space<semaphore_mem>>)
      %slice3A_52 = vector.extract_strided_slice %get3A_36 {offsets = [0], sizes = [1], strides = [1]} : vector<16xi32> to vector<1xi32>
      %squeeze3A_53 = vector.extract %slice3A_52[0] : i32 from vector<1xi32>
      %dma_start3A_54 = arith.constant 0 : i32
      %dma_start3A_55 = tpu.memref_slice %arg12[%add3A_40, %dma_start3A_54] : memref<128x128xf32, #tpu.memory_space<vmem>> -> memref<1x32xf32, #tpu.memory_space<vmem>>
      %dma_start3A_56 = tpu.memref_squeeze %dma_start3A_55 : memref<1x32xf32, #tpu.memory_space<vmem>> -> memref<32xf32, #tpu.memory_space<vmem>>
      %dma_start3A_57 = arith.constant 0 : i32
      %dma_start3A_58 = tpu.memref_slice %arg5[%squeeze3A_53, %dma_start3A_57] : memref<1000x32xf32, #tpu.memory_space<hbm>> -> memref<1x32xf32, #tpu.memory_space<hbm>>
      %dma_start3A_59 = tpu.memref_squeeze %dma_start3A_58 : memref<1x32xf32, #tpu.memory_space<hbm>> -> memref<32xf32, #tpu.memory_space<hbm>>
      %dma_start3A_60 = arith.constant 0 : i32
      %dma_start3A_61 = tpu.memref_slice %arg12[%add3A_40, %dma_start3A_60] : memref<128x128xf32, #tpu.memory_space<vmem>> -> memref<1x32xf32, #tpu.memory_space<vmem>>
      %dma_start3A_62 = tpu.memref_squeeze %dma_start3A_61 : memref<1x32xf32, #tpu.memory_space<vmem>> -> memref<32xf32, #tpu.memory_space<vmem>>
      %dma_start3A_63 = arith.constant 0 : i32
      %dma_start3A_64 = tpu.memref_slice %arg5[%squeeze3A_53, %dma_start3A_63] : memref<1000x32xf32, #tpu.memory_space<hbm>> -> memref<1x32xf32, #tpu.memory_space<hbm>>
      %dma_start3A_65 = tpu.memref_squeeze %dma_start3A_64 : memref<1x32xf32, #tpu.memory_space<hbm>> -> memref<32xf32, #tpu.memory_space<hbm>>
      tpu.enqueue_dma source(%dma_start3A_65 : memref<32xf32, #tpu.memory_space<hbm>>) target(%dma_start3A_62 : memref<32xf32, #tpu.memory_space<vmem>>) target_semaphore(%arg17 : memref<!tpu.dma_semaphore, #tpu.memory_space<semaphore_mem>>)
      %mul3A_66 = arith.constant 4 : i32
      %mul3A_67 = arith.muli %scan3A_28, %mul3A_66 : i32
      %add3A_68 = arith.constant 0 : i32
      %add3A_69 = arith.addi %mul3A_67, %add3A_68 : i32
      %slice3A_70 = vector.extract_strided_slice %get3A_32 {offsets = [1], sizes = [1], strides = [1]} : vector<16xi32> to vector<1xi32>
      %squeeze3A_71 = vector.extract %slice3A_70[0] : i32 from vector<1xi32>
      %dma_start3A_72 = arith.constant 32 : i32
      %dma_start3A_73 = tpu.memref_slice %arg11[%add3A_69, %dma_start3A_72] : memref<128x128xf32, #tpu.memory_space<vmem>> -> memref<1x32xf32, #tpu.memory_space<vmem>>
      %dma_start3A_74 = tpu.memref_squeeze %dma_start3A_73 : memref<1x32xf32, #tpu.memory_space<vmem>> -> memref<32xf32, #tpu.memory_space<vmem>>
      %dma_start3A_75 = arith.constant 0 : i32
      %dma_start3A_76 = tpu.memref_slice %arg4[%squeeze3A_71, %dma_start3A_75] : memref<1000000x32xf32, #tpu.memory_space<hbm>> -> memref<1x32xf32, #tpu.memory_space<hbm>>
      %dma_start3A_77 = tpu.memref_squeeze %dma_start3A_76 : memref<1x32xf32, #tpu.memory_space<hbm>> -> memref<32xf32, #tpu.memory_space<hbm>>
      %dma_start3A_78 = arith.constant 32 : i32
      %dma_start3A_79 = tpu.memref_slice %arg11[%add3A_69, %dma_start3A_78] : memref<128x128xf32, #tpu.memory_space<vmem>> -> memref<1x32xf32, #tpu.memory_space<vmem>>
      %dma_start3A_80 = tpu.memref_squeeze %dma_start3A_79 : memref<1x32xf32, #tpu.memory_space<vmem>> -> memref<32xf32, #tpu.memory_space<vmem>>
      %dma_start3A_81 = arith.constant 0 : i32
      %dma_start3A_82 = tpu.memref_slice %arg4[%squeeze3A_71, %dma_start3A_81] : memref<1000000x32xf32, #tpu.memory_space<hbm>> -> memref<1x32xf32, #tpu.memory_space<hbm>>
      %dma_start3A_83 = tpu.memref_squeeze %dma_start3A_82 : memref<1x32xf32, #tpu.memory_space<hbm>> -> memref<32xf32, #tpu.memory_space<hbm>>
      tpu.enqueue_dma source(%dma_start3A_83 : memref<32xf32, #tpu.memory_space<hbm>>) target(%dma_start3A_80 : memref<32xf32, #tpu.memory_space<vmem>>) target_semaphore(%arg16 : memref<!tpu.dma_semaphore, #tpu.memory_space<semaphore_mem>>)
      %slice3A_84 = vector.extract_strided_slice %get3A_36 {offsets = [1], sizes = [1], strides = [1]} : vector<16xi32> to vector<1xi32>
      %squeeze3A_85 = vector.extract %slice3A_84[0] : i32 from vector<1xi32>
      %dma_start3A_86 = arith.constant 32 : i32
      %dma_start3A_87 = tpu.memref_slice %arg12[%add3A_69, %dma_start3A_86] : memref<128x128xf32, #tpu.memory_space<vmem>> -> memref<1x32xf32, #tpu.memory_space<vmem>>
      %dma_start3A_88 = tpu.memref_squeeze %dma_start3A_87 : memref<1x32xf32, #tpu.memory_space<vmem>> -> memref<32xf32, #tpu.memory_space<vmem>>
      %dma_start3A_89 = arith.constant 0 : i32
      %dma_start3A_90 = tpu.memref_slice %arg5[%squeeze3A_85, %dma_start3A_89] : memref<1000x32xf32, #tpu.memory_space<hbm>> -> memref<1x32xf32, #tpu.memory_space<hbm>>
      %dma_start3A_91 = tpu.memref_squeeze %dma_start3A_90 : memref<1x32xf32, #tpu.memory_space<hbm>> -> memref<32xf32, #tpu.memory_space<hbm>>
      %dma_start3A_92 = arith.constant 32 : i32
      %dma_start3A_93 = tpu.memref_slice %arg12[%add3A_69, %dma_start3A_92] : memref<128x128xf32, #tpu.memory_space<vmem>> -> memref<1x32xf32, #tpu.memory_space<vmem>>
      %dma_start3A_94 = tpu.memref_squeeze %dma_start3A_93 : memref<1x32xf32, #tpu.memory_space<vmem>> -> memref<32xf32, #tpu.memory_space<vmem>>
      %dma_start3A_95 = arith.constant 0 : i32
      %dma_start3A_96 = tpu.memref_slice %arg5[%squeeze3A_85, %dma_start3A_95] : memref<1000x32xf32, #tpu.memory_space<hbm>> -> memref<1x32xf32, #tpu.memory_space<hbm>>
      %dma_start3A_97 = tpu.memref_squeeze %dma_start3A_96 : memref<1x32xf32, #tpu.memory_space<hbm>> -> memref<32xf32, #tpu.memory_space<hbm>>
      tpu.enqueue_dma source(%dma_start3A_97 : memref<32xf32, #tpu.memory_space<hbm>>) target(%dma_start3A_94 : memref<32xf32, #tpu.memory_space<vmem>>) target_semaphore(%arg17 : memref<!tpu.dma_semaphore, #tpu.memory_space<semaphore_mem>>)
      %mul3A_98 = arith.constant 4 : i32
      %mul3A_99 = arith.muli %scan3A_28, %mul3A_98 : i32
      %add3A_100 = arith.constant 0 : i32
      %add3A_101 = arith.addi %mul3A_99, %add3A_100 : i32
      %slice3A_102 = vector.extract_strided_slice %get3A_32 {offsets = [2], sizes = [1], strides = [1]} : vector<16xi32> to vector<1xi32>
      %squeeze3A_103 = vector.extract %slice3A_102[0] : i32 from vector<1xi32>
      %dma_start3A_104 = arith.constant 64 : i32
      %dma_start3A_105 = tpu.memref_slice %arg11[%add3A_101, %dma_start3A_104] : memref<128x128xf32, #tpu.memory_space<vmem>> -> memref<1x32xf32, #tpu.memory_space<vmem>>
      %dma_start3A_106 = tpu.memref_squeeze %dma_start3A_105 : memref<1x32xf32, #tpu.memory_space<vmem>> -> memref<32xf32, #tpu.memory_space<vmem>>
      %dma_start3A_107 = arith.constant 0 : i32
      %dma_start3A_108 = tpu.memref_slice %arg4[%squeeze3A_103, %dma_start3A_107] : memref<1000000x32xf32, #tpu.memory_space<hbm>> -> memref<1x32xf32, #tpu.memory_space<hbm>>
      %dma_start3A_109 = tpu.memref_squeeze %dma_start3A_108 : memref<1x32xf32, #tpu.memory_space<hbm>> -> memref<32xf32, #tpu.memory_space<hbm>>
      %dma_start3A_110 = arith.constant 64 : i32
      %dma_start3A_111 = tpu.memref_slice %arg11[%add3A_101, %dma_start3A_110] : memref<128x128xf32, #tpu.memory_space<vmem>> -> memref<1x32xf32, #tpu.memory_space<vmem>>
      %dma_start3A_112 = tpu.memref_squeeze %dma_start3A_111 : memref<1x32xf32, #tpu.memory_space<vmem>> -> memref<32xf32, #tpu.memory_space<vmem>>
      %dma_start3A_113 = arith.constant 0 : i32
      %dma_start3A_114 = tpu.memref_slice %arg4[%squeeze3A_103, %dma_start3A_113] : memref<1000000x32xf32, #tpu.memory_space<hbm>> -> memref<1x32xf32, #tpu.memory_space<hbm>>
      %dma_start3A_115 = tpu.memref_squeeze %dma_start3A_114 : memref<1x32xf32, #tpu.memory_space<hbm>> -> memref<32xf32, #tpu.memory_space<hbm>>
      tpu.enqueue_dma source(%dma_start3A_115 : memref<32xf32, #tpu.memory_space<hbm>>) target(%dma_start3A_112 : memref<32xf32, #tpu.memory_space<vmem>>) target_semaphore(%arg16 : memref<!tpu.dma_semaphore, #tpu.memory_space<semaphore_mem>>)
      %slice3A_116 = vector.extract_strided_slice %get3A_36 {offsets = [2], sizes = [1], strides = [1]} : vector<16xi32> to vector<1xi32>
      %squeeze3A_117 = vector.extract %slice3A_116[0] : i32 from vector<1xi32>
      %dma_start3A_118 = arith.constant 64 : i32
      %dma_start3A_119 = tpu.memref_slice %arg12[%add3A_101, %dma_start3A_118] : memref<128x128xf32, #tpu.memory_space<vmem>> -> memref<1x32xf32, #tpu.memory_space<vmem>>
      %dma_start3A_120 = tpu.memref_squeeze %dma_start3A_119 : memref<1x32xf32, #tpu.memory_space<vmem>> -> memref<32xf32, #tpu.memory_space<vmem>>
      %dma_start3A_121 = arith.constant 0 : i32
      %dma_start3A_122 = tpu.memref_slice %arg5[%squeeze3A_117, %dma_start3A_121] : memref<1000x32xf32, #tpu.memory_space<hbm>> -> memref<1x32xf32, #tpu.memory_space<hbm>>
      %dma_start3A_123 = tpu.memref_squeeze %dma_start3A_122 : memref<1x32xf32, #tpu.memory_space<hbm>> -> memref<32xf32, #tpu.memory_space<hbm>>
      %dma_start3A_124 = arith.constant 64 : i32
      %dma_start3A_125 = tpu.memref_slice %arg12[%add3A_101, %dma_start3A_124] : memref<128x128xf32, #tpu.memory_space<vmem>> -> memref<1x32xf32, #tpu.memory_space<vmem>>
      %dma_start3A_126 = tpu.memref_squeeze %dma_start3A_125 : memref<1x32xf32, #tpu.memory_space<vmem>> -> memref<32xf32, #tpu.memory_space<vmem>>
      %dma_start3A_127 = arith.constant 0 : i32
      %dma_start3A_128 = tpu.memref_slice %arg5[%squeeze3A_117, %dma_start3A_127] : memref<1000x32xf32, #tpu.memory_space<hbm>> -> memref<1x32xf32, #tpu.memory_space<hbm>>
      %dma_start3A_129 = tpu.memref_squeeze %dma_start3A_128 : memref<1x32xf32, #tpu.memory_space<hbm>> -> memref<32xf32, #tpu.memory_space<hbm>>
      tpu.enqueue_dma source(%dma_start3A_129 : memref<32xf32, #tpu.memory_space<hbm>>) target(%dma_start3A_126 : memref<32xf32, #tpu.memory_space<vmem>>) target_semaphore(%arg17 : memref<!tpu.dma_semaphore, #tpu.memory_space<semaphore_mem>>)
      %mul3A_130 = arith.constant 4 : i32
      %mul3A_131 = arith.muli %scan3A_28, %mul3A_130 : i32
      %add3A_132 = arith.constant 0 : i32
      %add3A_133 = arith.addi %mul3A_131, %add3A_132 : i32
      %slice3A_134 = vector.extract_strided_slice %get3A_32 {offsets = [3], sizes = [1], strides = [1]} : vector<16xi32> to vector<1xi32>
      %squeeze3A_135 = vector.extract %slice3A_134[0] : i32 from vector<1xi32>
      %dma_start3A_136 = arith.constant 96 : i32
      %dma_start3A_137 = tpu.memref_slice %arg11[%add3A_133, %dma_start3A_136] : memref<128x128xf32, #tpu.memory_space<vmem>> -> memref<1x32xf32, #tpu.memory_space<vmem>>
      %dma_start3A_138 = tpu.memref_squeeze %dma_start3A_137 : memref<1x32xf32, #tpu.memory_space<vmem>> -> memref<32xf32, #tpu.memory_space<vmem>>
      %dma_start3A_139 = arith.constant 0 : i32
      %dma_start3A_140 = tpu.memref_slice %arg4[%squeeze3A_135, %dma_start3A_139] : memref<1000000x32xf32, #tpu.memory_space<hbm>> -> memref<1x32xf32, #tpu.memory_space<hbm>>
      %dma_start3A_141 = tpu.memref_squeeze %dma_start3A_140 : memref<1x32xf32, #tpu.memory_space<hbm>> -> memref<32xf32, #tpu.memory_space<hbm>>
      %dma_start3A_142 = arith.constant 96 : i32
      %dma_start3A_143 = tpu.memref_slice %arg11[%add3A_133, %dma_start3A_142] : memref<128x128xf32, #tpu.memory_space<vmem>> -> memref<1x32xf32, #tpu.memory_space<vmem>>
      %dma_start3A_144 = tpu.memref_squeeze %dma_start3A_143 : memref<1x32xf32, #tpu.memory_space<vmem>> -> memref<32xf32, #tpu.memory_space<vmem>>
      %dma_start3A_145 = arith.constant 0 : i32
      %dma_start3A_146 = tpu.memref_slice %arg4[%squeeze3A_135, %dma_start3A_145] : memref<1000000x32xf32, #tpu.memory_space<hbm>> -> memref<1x32xf32, #tpu.memory_space<hbm>>
      %dma_start3A_147 = tpu.memref_squeeze %dma_start3A_146 : memref<1x32xf32, #tpu.memory_space<hbm>> -> memref<32xf32, #tpu.memory_space<hbm>>
      tpu.enqueue_dma source(%dma_start3A_147 : memref<32xf32, #tpu.memory_space<hbm>>) target(%dma_start3A_144 : memref<32xf32, #tpu.memory_space<vmem>>) target_semaphore(%arg16 : memref<!tpu.dma_semaphore, #tpu.memory_space<semaphore_mem>>)
      %slice3A_148 = vector.extract_strided_slice %get3A_36 {offsets = [3], sizes = [1], strides = [1]} : vector<16xi32> to vector<1xi32>
      %squeeze3A_149 = vector.extract %slice3A_148[0] : i32 from vector<1xi32>
      %dma_start3A_150 = arith.constant 96 : i32
      %dma_start3A_151 = tpu.memref_slice %arg12[%add3A_133, %dma_start3A_150] : memref<128x128xf32, #tpu.memory_space<vmem>> -> memref<1x32xf32, #tpu.memory_space<vmem>>
      %dma_start3A_152 = tpu.memref_squeeze %dma_start3A_151 : memref<1x32xf32, #tpu.memory_space<vmem>> -> memref<32xf32, #tpu.memory_space<vmem>>
      %dma_start3A_153 = arith.constant 0 : i32
      %dma_start3A_154 = tpu.memref_slice %arg5[%squeeze3A_149, %dma_start3A_153] : memref<1000x32xf32, #tpu.memory_space<hbm>> -> memref<1x32xf32, #tpu.memory_space<hbm>>
      %dma_start3A_155 = tpu.memref_squeeze %dma_start3A_154 : memref<1x32xf32, #tpu.memory_space<hbm>> -> memref<32xf32, #tpu.memory_space<hbm>>
      %dma_start3A_156 = arith.constant 96 : i32
      %dma_start3A_157 = tpu.memref_slice %arg12[%add3A_133, %dma_start3A_156] : memref<128x128xf32, #tpu.memory_space<vmem>> -> memref<1x32xf32, #tpu.memory_space<vmem>>
      %dma_start3A_158 = tpu.memref_squeeze %dma_start3A_157 : memref<1x32xf32, #tpu.memory_space<vmem>> -> memref<32xf32, #tpu.memory_space<vmem>>
      %dma_start3A_159 = arith.constant 0 : i32
      %dma_start3A_160 = tpu.memref_slice %arg5[%squeeze3A_149, %dma_start3A_159] : memref<1000x32xf32, #tpu.memory_space<hbm>> -> memref<1x32xf32, #tpu.memory_space<hbm>>
      %dma_start3A_161 = tpu.memref_squeeze %dma_start3A_160 : memref<1x32xf32, #tpu.memory_space<hbm>> -> memref<32xf32, #tpu.memory_space<hbm>>
      tpu.enqueue_dma source(%dma_start3A_161 : memref<32xf32, #tpu.memory_space<hbm>>) target(%dma_start3A_158 : memref<32xf32, #tpu.memory_space<vmem>>) target_semaphore(%arg17 : memref<!tpu.dma_semaphore, #tpu.memory_space<semaphore_mem>>)
      %mul3A_162 = arith.constant 4 : i32
      %mul3A_163 = arith.muli %scan3A_28, %mul3A_162 : i32
      %add3A_164 = arith.constant 1 : i32
      %add3A_165 = arith.addi %mul3A_163, %add3A_164 : i32
      %slice3A_166 = vector.extract_strided_slice %get3A_32 {offsets = [4], sizes = [1], strides = [1]} : vector<16xi32> to vector<1xi32>
      %squeeze3A_167 = vector.extract %slice3A_166[0] : i32 from vector<1xi32>
      %dma_start3A_168 = arith.constant 0 : i32
      %dma_start3A_169 = tpu.memref_slice %arg11[%add3A_165, %dma_start3A_168] : memref<128x128xf32, #tpu.memory_space<vmem>> -> memref<1x32xf32, #tpu.memory_space<vmem>>
      %dma_start3A_170 = tpu.memref_squeeze %dma_start3A_169 : memref<1x32xf32, #tpu.memory_space<vmem>> -> memref<32xf32, #tpu.memory_space<vmem>>
      %dma_start3A_171 = arith.constant 0 : i32
      %dma_start3A_172 = tpu.memref_slice %arg4[%squeeze3A_167, %dma_start3A_171] : memref<1000000x32xf32, #tpu.memory_space<hbm>> -> memref<1x32xf32, #tpu.memory_space<hbm>>
      %dma_start3A_173 = tpu.memref_squeeze %dma_start3A_172 : memref<1x32xf32, #tpu.memory_space<hbm>> -> memref<32xf32, #tpu.memory_space<hbm>>
      %dma_start3A_174 = arith.constant 0 : i32
      %dma_start3A_175 = tpu.memref_slice %arg11[%add3A_165, %dma_start3A_174] : memref<128x128xf32, #tpu.memory_space<vmem>> -> memref<1x32xf32, #tpu.memory_space<vmem>>
      %dma_start3A_176 = tpu.memref_squeeze %dma_start3A_175 : memref<1x32xf32, #tpu.memory_space<vmem>> -> memref<32xf32, #tpu.memory_space<vmem>>
      %dma_start3A_177 = arith.constant 0 : i32
      %dma_start3A_178 = tpu.memref_slice %arg4[%squeeze3A_167, %dma_start3A_177] : memref<1000000x32xf32, #tpu.memory_space<hbm>> -> memref<1x32xf32, #tpu.memory_space<hbm>>
      %dma_start3A_179 = tpu.memref_squeeze %dma_start3A_178 : memref<1x32xf32, #tpu.memory_space<hbm>> -> memref<32xf32, #tpu.memory_space<hbm>>
      tpu.enqueue_dma source(%dma_start3A_179 : memref<32xf32, #tpu.memory_space<hbm>>) target(%dma_start3A_176 : memref<32xf32, #tpu.memory_space<vmem>>) target_semaphore(%arg16 : memref<!tpu.dma_semaphore, #tpu.memory_space<semaphore_mem>>)
      %slice3A_180 = vector.extract_strided_slice %get3A_36 {offsets = [4], sizes = [1], strides = [1]} : vector<16xi32> to vector<1xi32>
      %squeeze3A_181 = vector.extract %slice3A_180[0] : i32 from vector<1xi32>
      %dma_start3A_182 = arith.constant 0 : i32
      %dma_start3A_183 = tpu.memref_slice %arg12[%add3A_165, %dma_start3A_182] : memref<128x128xf32, #tpu.memory_space<vmem>> -> memref<1x32xf32, #tpu.memory_space<vmem>>
      %dma_start3A_184 = tpu.memref_squeeze %dma_start3A_183 : memref<1x32xf32, #tpu.memory_space<vmem>> -> memref<32xf32, #tpu.memory_space<vmem>>
      %dma_start3A_185 = arith.constant 0 : i32
      %dma_start3A_186 = tpu.memref_slice %arg5[%squeeze3A_181, %dma_start3A_185] : memref<1000x32xf32, #tpu.memory_space<hbm>> -> memref<1x32xf32, #tpu.memory_space<hbm>>
      %dma_start3A_187 = tpu.memref_squeeze %dma_start3A_186 : memref<1x32xf32, #tpu.memory_space<hbm>> -> memref<32xf32, #tpu.memory_space<hbm>>
      %dma_start3A_188 = arith.constant 0 : i32
      %dma_start3A_189 = tpu.memref_slice %arg12[%add3A_165, %dma_start3A_188] : memref<128x128xf32, #tpu.memory_space<vmem>> -> memref<1x32xf32, #tpu.memory_space<vmem>>
      %dma_start3A_190 = tpu.memref_squeeze %dma_start3A_189 : memref<1x32xf32, #tpu.memory_space<vmem>> -> memref<32xf32, #tpu.memory_space<vmem>>
      %dma_start3A_191 = arith.constant 0 : i32
      %dma_start3A_192 = tpu.memref_slice %arg5[%squeeze3A_181, %dma_start3A_191] : memref<1000x32xf32, #tpu.memory_space<hbm>> -> memref<1x32xf32, #tpu.memory_space<hbm>>
      %dma_start3A_193 = tpu.memref_squeeze %dma_start3A_192 : memref<1x32xf32, #tpu.memory_space<hbm>> -> memref<32xf32, #tpu.memory_space<hbm>>
      tpu.enqueue_dma source(%dma_start3A_193 : memref<32xf32, #tpu.memory_space<hbm>>) target(%dma_start3A_190 : memref<32xf32, #tpu.memory_space<vmem>>) target_semaphore(%arg17 : memref<!tpu.dma_semaphore, #tpu.memory_space<semaphore_mem>>)
      %mul3A_194 = arith.constant 4 : i32
      %mul3A_195 = arith.muli %scan3A_28, %mul3A_194 : i32
      %add3A_196 = arith.constant 1 : i32
      %add3A_197 = arith.addi %mul3A_195, %add3A_196 : i32
      %slice3A_198 = vector.extract_strided_slice %get3A_32 {offsets = [5], sizes = [1], strides = [1]} : vector<16xi32> to vector<1xi32>
      %squeeze3A_199 = vector.extract %slice3A_198[0] : i32 from vector<1xi32>
      %dma_start3A_200 = arith.constant 32 : i32
      %dma_start3A_201 = tpu.memref_slice %arg11[%add3A_197, %dma_start3A_200] : memref<128x128xf32, #tpu.memory_space<vmem>> -> memref<1x32xf32, #tpu.memory_space<vmem>>
      %dma_start3A_202 = tpu.memref_squeeze %dma_start3A_201 : memref<1x32xf32, #tpu.memory_space<vmem>> -> memref<32xf32, #tpu.memory_space<vmem>>
      %dma_start3A_203 = arith.constant 0 : i32
      %dma_start3A_204 = tpu.memref_slice %arg4[%squeeze3A_199, %dma_start3A_203] : memref<1000000x32xf32, #tpu.memory_space<hbm>> -> memref<1x32xf32, #tpu.memory_space<hbm>>
      %dma_start3A_205 = tpu.memref_squeeze %dma_start3A_204 : memref<1x32xf32, #tpu.memory_space<hbm>> -> memref<32xf32, #tpu.memory_space<hbm>>
      %dma_start3A_206 = arith.constant 32 : i32
      %dma_start3A_207 = tpu.memref_slice %arg11[%add3A_197, %dma_start3A_206] : memref<128x128xf32, #tpu.memory_space<vmem>> -> memref<1x32xf32, #tpu.memory_space<vmem>>
      %dma_start3A_208 = tpu.memref_squeeze %dma_start3A_207 : memref<1x32xf32, #tpu.memory_space<vmem>> -> memref<32xf32, #tpu.memory_space<vmem>>
      %dma_start3A_209 = arith.constant 0 : i32
      %dma_start3A_210 = tpu.memref_slice %arg4[%squeeze3A_199, %dma_start3A_209] : memref<1000000x32xf32, #tpu.memory_space<hbm>> -> memref<1x32xf32, #tpu.memory_space<hbm>>
      %dma_start3A_211 = tpu.memref_squeeze %dma_start3A_210 : memref<1x32xf32, #tpu.memory_space<hbm>> -> memref<32xf32, #tpu.memory_space<hbm>>
      tpu.enqueue_dma source(%dma_start3A_211 : memref<32xf32, #tpu.memory_space<hbm>>) target(%dma_start3A_208 : memref<32xf32, #tpu.memory_space<vmem>>) target_semaphore(%arg16 : memref<!tpu.dma_semaphore, #tpu.memory_space<semaphore_mem>>)
      %slice3A_212 = vector.extract_strided_slice %get3A_36 {offsets = [5], sizes = [1], strides = [1]} : vector<16xi32> to vector<1xi32>
      %squeeze3A_213 = vector.extract %slice3A_212[0] : i32 from vector<1xi32>
      %dma_start3A_214 = arith.constant 32 : i32
      %dma_start3A_215 = tpu.memref_slice %arg12[%add3A_197, %dma_start3A_214] : memref<128x128xf32, #tpu.memory_space<vmem>> -> memref<1x32xf32, #tpu.memory_space<vmem>>
      %dma_start3A_216 = tpu.memref_squeeze %dma_start3A_215 : memref<1x32xf32, #tpu.memory_space<vmem>> -> memref<32xf32, #tpu.memory_space<vmem>>
      %dma_start3A_217 = arith.constant 0 : i32
      %dma_start3A_218 = tpu.memref_slice %arg5[%squeeze3A_213, %dma_start3A_217] : memref<1000x32xf32, #tpu.memory_space<hbm>> -> memref<1x32xf32, #tpu.memory_space<hbm>>
      %dma_start3A_219 = tpu.memref_squeeze %dma_start3A_218 : memref<1x32xf32, #tpu.memory_space<hbm>> -> memref<32xf32, #tpu.memory_space<hbm>>
      %dma_start3A_220 = arith.constant 32 : i32
      %dma_start3A_221 = tpu.memref_slice %arg12[%add3A_197, %dma_start3A_220] : memref<128x128xf32, #tpu.memory_space<vmem>> -> memref<1x32xf32, #tpu.memory_space<vmem>>
      %dma_start3A_222 = tpu.memref_squeeze %dma_start3A_221 : memref<1x32xf32, #tpu.memory_space<vmem>> -> memref<32xf32, #tpu.memory_space<vmem>>
      %dma_start3A_223 = arith.constant 0 : i32
      %dma_start3A_224 = tpu.memref_slice %arg5[%squeeze3A_213, %dma_start3A_223] : memref<1000x32xf32, #tpu.memory_space<hbm>> -> memref<1x32xf32, #tpu.memory_space<hbm>>
      %dma_start3A_225 = tpu.memref_squeeze %dma_start3A_224 : memref<1x32xf32, #tpu.memory_space<hbm>> -> memref<32xf32, #tpu.memory_space<hbm>>
      tpu.enqueue_dma source(%dma_start3A_225 : memref<32xf32, #tpu.memory_space<hbm>>) target(%dma_start3A_222 : memref<32xf32, #tpu.memory_space<vmem>>) target_semaphore(%arg17 : memref<!tpu.dma_semaphore, #tpu.memory_space<semaphore_mem>>)
      %mul3A_226 = arith.constant 4 : i32
      %mul3A_227 = arith.muli %scan3A_28, %mul3A_226 : i32
      %add3A_228 = arith.constant 1 : i32
      %add3A_229 = arith.addi %mul3A_227, %add3A_228 : i32
      %slice3A_230 = vector.extract_strided_slice %get3A_32 {offsets = [6], sizes = [1], strides = [1]} : vector<16xi32> to vector<1xi32>
      %squeeze3A_231 = vector.extract %slice3A_230[0] : i32 from vector<1xi32>
      %dma_start3A_232 = arith.constant 64 : i32
      %dma_start3A_233 = tpu.memref_slice %arg11[%add3A_229, %dma_start3A_232] : memref<128x128xf32, #tpu.memory_space<vmem>> -> memref<1x32xf32, #tpu.memory_space<vmem>>
      %dma_start3A_234 = tpu.memref_squeeze %dma_start3A_233 : memref<1x32xf32, #tpu.memory_space<vmem>> -> memref<32xf32, #tpu.memory_space<vmem>>
      %dma_start3A_235 = arith.constant 0 : i32
      %dma_start3A_236 = tpu.memref_slice %arg4[%squeeze3A_231, %dma_start3A_235] : memref<1000000x32xf32, #tpu.memory_space<hbm>> -> memref<1x32xf32, #tpu.memory_space<hbm>>
      %dma_start3A_237 = tpu.memref_squeeze %dma_start3A_236 : memref<1x32xf32, #tpu.memory_space<hbm>> -> memref<32xf32, #tpu.memory_space<hbm>>
      %dma_start3A_238 = arith.constant 64 : i32
      %dma_start3A_239 = tpu.memref_slice %arg11[%add3A_229, %dma_start3A_238] : memref<128x128xf32, #tpu.memory_space<vmem>> -> memref<1x32xf32, #tpu.memory_space<vmem>>
      %dma_start3A_240 = tpu.memref_squeeze %dma_start3A_239 : memref<1x32xf32, #tpu.memory_space<vmem>> -> memref<32xf32, #tpu.memory_space<vmem>>
      %dma_start3A_241 = arith.constant 0 : i32
      %dma_start3A_242 = tpu.memref_slice %arg4[%squeeze3A_231, %dma_start3A_241] : memref<1000000x32xf32, #tpu.memory_space<hbm>> -> memref<1x32xf32, #tpu.memory_space<hbm>>
      %dma_start3A_243 = tpu.memref_squeeze %dma_start3A_242 : memref<1x32xf32, #tpu.memory_space<hbm>> -> memref<32xf32, #tpu.memory_space<hbm>>
      tpu.enqueue_dma source(%dma_start3A_243 : memref<32xf32, #tpu.memory_space<hbm>>) target(%dma_start3A_240 : memref<32xf32, #tpu.memory_space<vmem>>) target_semaphore(%arg16 : memref<!tpu.dma_semaphore, #tpu.memory_space<semaphore_mem>>)
      %slice3A_244 = vector.extract_strided_slice %get3A_36 {offsets = [6], sizes = [1], strides = [1]} : vector<16xi32> to vector<1xi32>
      %squeeze3A_245 = vector.extract %slice3A_244[0] : i32 from vector<1xi32>
      %dma_start3A_246 = arith.constant 64 : i32
      %dma_start3A_247 = tpu.memref_slice %arg12[%add3A_229, %dma_start3A_246] : memref<128x128xf32, #tpu.memory_space<vmem>> -> memref<1x32xf32, #tpu.memory_space<vmem>>
      %dma_start3A_248 = tpu.memref_squeeze %dma_start3A_247 : memref<1x32xf32, #tpu.memory_space<vmem>> -> memref<32xf32, #tpu.memory_space<vmem>>
      %dma_start3A_249 = arith.constant 0 : i32
      %dma_start3A_250 = tpu.memref_slice %arg5[%squeeze3A_245, %dma_start3A_249] : memref<1000x32xf32, #tpu.memory_space<hbm>> -> memref<1x32xf32, #tpu.memory_space<hbm>>
      %dma_start3A_251 = tpu.memref_squeeze %dma_start3A_250 : memref<1x32xf32, #tpu.memory_space<hbm>> -> memref<32xf32, #tpu.memory_space<hbm>>
      %dma_start3A_252 = arith.constant 64 : i32
      %dma_start3A_253 = tpu.memref_slice %arg12[%add3A_229, %dma_start3A_252] : memref<128x128xf32, #tpu.memory_space<vmem>> -> memref<1x32xf32, #tpu.memory_space<vmem>>
      %dma_start3A_254 = tpu.memref_squeeze %dma_start3A_253 : memref<1x32xf32, #tpu.memory_space<vmem>> -> memref<32xf32, #tpu.memory_space<vmem>>
      %dma_start3A_255 = arith.constant 0 : i32
      %dma_start3A_256 = tpu.memref_slice %arg5[%squeeze3A_245, %dma_start3A_255] : memref<1000x32xf32, #tpu.memory_space<hbm>> -> memref<1x32xf32, #tpu.memory_space<hbm>>
      %dma_start3A_257 = tpu.memref_squeeze %dma_start3A_256 : memref<1x32xf32, #tpu.memory_space<hbm>> -> memref<32xf32, #tpu.memory_space<hbm>>
      tpu.enqueue_dma source(%dma_start3A_257 : memref<32xf32, #tpu.memory_space<hbm>>) target(%dma_start3A_254 : memref<32xf32, #tpu.memory_space<vmem>>) target_semaphore(%arg17 : memref<!tpu.dma_semaphore, #tpu.memory_space<semaphore_mem>>)
      %mul3A_258 = arith.constant 4 : i32
      %mul3A_259 = arith.muli %scan3A_28, %mul3A_258 : i32
      %add3A_260 = arith.constant 1 : i32
      %add3A_261 = arith.addi %mul3A_259, %add3A_260 : i32
      %slice3A_262 = vector.extract_strided_slice %get3A_32 {offsets = [7], sizes = [1], strides = [1]} : vector<16xi32> to vector<1xi32>
      %squeeze3A_263 = vector.extract %slice3A_262[0] : i32 from vector<1xi32>
      %dma_start3A_264 = arith.constant 96 : i32
      %dma_start3A_265 = tpu.memref_slice %arg11[%add3A_261, %dma_start3A_264] : memref<128x128xf32, #tpu.memory_space<vmem>> -> memref<1x32xf32, #tpu.memory_space<vmem>>
      %dma_start3A_266 = tpu.memref_squeeze %dma_start3A_265 : memref<1x32xf32, #tpu.memory_space<vmem>> -> memref<32xf32, #tpu.memory_space<vmem>>
      %dma_start3A_267 = arith.constant 0 : i32
      %dma_start3A_268 = tpu.memref_slice %arg4[%squeeze3A_263, %dma_start3A_267] : memref<1000000x32xf32, #tpu.memory_space<hbm>> -> memref<1x32xf32, #tpu.memory_space<hbm>>
      %dma_start3A_269 = tpu.memref_squeeze %dma_start3A_268 : memref<1x32xf32, #tpu.memory_space<hbm>> -> memref<32xf32, #tpu.memory_space<hbm>>
      %dma_start3A_270 = arith.constant 96 : i32
      %dma_start3A_271 = tpu.memref_slice %arg11[%add3A_261, %dma_start3A_270] : memref<128x128xf32, #tpu.memory_space<vmem>> -> memref<1x32xf32, #tpu.memory_space<vmem>>
      %dma_start3A_272 = tpu.memref_squeeze %dma_start3A_271 : memref<1x32xf32, #tpu.memory_space<vmem>> -> memref<32xf32, #tpu.memory_space<vmem>>
      %dma_start3A_273 = arith.constant 0 : i32
      %dma_start3A_274 = tpu.memref_slice %arg4[%squeeze3A_263, %dma_start3A_273] : memref<1000000x32xf32, #tpu.memory_space<hbm>> -> memref<1x32xf32, #tpu.memory_space<hbm>>
      %dma_start3A_275 = tpu.memref_squeeze %dma_start3A_274 : memref<1x32xf32, #tpu.memory_space<hbm>> -> memref<32xf32, #tpu.memory_space<hbm>>
      tpu.enqueue_dma source(%dma_start3A_275 : memref<32xf32, #tpu.memory_space<hbm>>) target(%dma_start3A_272 : memref<32xf32, #tpu.memory_space<vmem>>) target_semaphore(%arg16 : memref<!tpu.dma_semaphore, #tpu.memory_space<semaphore_mem>>)
      %slice3A_276 = vector.extract_strided_slice %get3A_36 {offsets = [7], sizes = [1], strides = [1]} : vector<16xi32> to vector<1xi32>
      %squeeze3A_277 = vector.extract %slice3A_276[0] : i32 from vector<1xi32>
      %dma_start3A_278 = arith.constant 96 : i32
      %dma_start3A_279 = tpu.memref_slice %arg12[%add3A_261, %dma_start3A_278] : memref<128x128xf32, #tpu.memory_space<vmem>> -> memref<1x32xf32, #tpu.memory_space<vmem>>
      %dma_start3A_280 = tpu.memref_squeeze %dma_start3A_279 : memref<1x32xf32, #tpu.memory_space<vmem>> -> memref<32xf32, #tpu.memory_space<vmem>>
      %dma_start3A_281 = arith.constant 0 : i32
      %dma_start3A_282 = tpu.memref_slice %arg5[%squeeze3A_277, %dma_start3A_281] : memref<1000x32xf32, #tpu.memory_space<hbm>> -> memref<1x32xf32, #tpu.memory_space<hbm>>
      %dma_start3A_283 = tpu.memref_squeeze %dma_start3A_282 : memref<1x32xf32, #tpu.memory_space<hbm>> -> memref<32xf32, #tpu.memory_space<hbm>>
      %dma_start3A_284 = arith.constant 96 : i32
      %dma_start3A_285 = tpu.memref_slice %arg12[%add3A_261, %dma_start3A_284] : memref<128x128xf32, #tpu.memory_space<vmem>> -> memref<1x32xf32, #tpu.memory_space<vmem>>
      %dma_start3A_286 = tpu.memref_squeeze %dma_start3A_285 : memref<1x32xf32, #tpu.memory_space<vmem>> -> memref<32xf32, #tpu.memory_space<vmem>>
      %dma_start3A_287 = arith.constant 0 : i32
      %dma_start3A_288 = tpu.memref_slice %arg5[%squeeze3A_277, %dma_start3A_287] : memref<1000x32xf32, #tpu.memory_space<hbm>> -> memref<1x32xf32, #tpu.memory_space<hbm>>
      %dma_start3A_289 = tpu.memref_squeeze %dma_start3A_288 : memref<1x32xf32, #tpu.memory_space<hbm>> -> memref<32xf32, #tpu.memory_space<hbm>>
      tpu.enqueue_dma source(%dma_start3A_289 : memref<32xf32, #tpu.memory_space<hbm>>) target(%dma_start3A_286 : memref<32xf32, #tpu.memory_space<vmem>>) target_semaphore(%arg17 : memref<!tpu.dma_semaphore, #tpu.memory_space<semaphore_mem>>)
      %mul3A_290 = arith.constant 4 : i32
      %mul3A_291 = arith.muli %scan3A_28, %mul3A_290 : i32
      %add3A_292 = arith.constant 2 : i32
      %add3A_293 = arith.addi %mul3A_291, %add3A_292 : i32
      %slice3A_294 = vector.extract_strided_slice %get3A_32 {offsets = [8], sizes = [1], strides = [1]} : vector<16xi32> to vector<1xi32>
      %squeeze3A_295 = vector.extract %slice3A_294[0] : i32 from vector<1xi32>
      %dma_start3A_296 = arith.constant 0 : i32
      %dma_start3A_297 = tpu.memref_slice %arg11[%add3A_293, %dma_start3A_296] : memref<128x128xf32, #tpu.memory_space<vmem>> -> memref<1x32xf32, #tpu.memory_space<vmem>>
      %dma_start3A_298 = tpu.memref_squeeze %dma_start3A_297 : memref<1x32xf32, #tpu.memory_space<vmem>> -> memref<32xf32, #tpu.memory_space<vmem>>
      %dma_start3A_299 = arith.constant 0 : i32
      %dma_start3A_300 = tpu.memref_slice %arg4[%squeeze3A_295, %dma_start3A_299] : memref<1000000x32xf32, #tpu.memory_space<hbm>> -> memref<1x32xf32, #tpu.memory_space<hbm>>
      %dma_start3A_301 = tpu.memref_squeeze %dma_start3A_300 : memref<1x32xf32, #tpu.memory_space<hbm>> -> memref<32xf32, #tpu.memory_space<hbm>>
      %dma_start3A_302 = arith.constant 0 : i32
      %dma_start3A_303 = tpu.memref_slice %arg11[%add3A_293, %dma_start3A_302] : memref<128x128xf32, #tpu.memory_space<vmem>> -> memref<1x32xf32, #tpu.memory_space<vmem>>
      %dma_start3A_304 = tpu.memref_squeeze %dma_start3A_303 : memref<1x32xf32, #tpu.memory_space<vmem>> -> memref<32xf32, #tpu.memory_space<vmem>>
      %dma_start3A_305 = arith.constant 0 : i32
      %dma_start3A_306 = tpu.memref_slice %arg4[%squeeze3A_295, %dma_start3A_305] : memref<1000000x32xf32, #tpu.memory_space<hbm>> -> memref<1x32xf32, #tpu.memory_space<hbm>>
      %dma_start3A_307 = tpu.memref_squeeze %dma_start3A_306 : memref<1x32xf32, #tpu.memory_space<hbm>> -> memref<32xf32, #tpu.memory_space<hbm>>
      tpu.enqueue_dma source(%dma_start3A_307 : memref<32xf32, #tpu.memory_space<hbm>>) target(%dma_start3A_304 : memref<32xf32, #tpu.memory_space<vmem>>) target_semaphore(%arg16 : memref<!tpu.dma_semaphore, #tpu.memory_space<semaphore_mem>>)
      %slice3A_308 = vector.extract_strided_slice %get3A_36 {offsets = [8], sizes = [1], strides = [1]} : vector<16xi32> to vector<1xi32>
      %squeeze3A_309 = vector.extract %slice3A_308[0] : i32 from vector<1xi32>
      %dma_start3A_310 = arith.constant 0 : i32
      %dma_start3A_311 = tpu.memref_slice %arg12[%add3A_293, %dma_start3A_310] : memref<128x128xf32, #tpu.memory_space<vmem>> -> memref<1x32xf32, #tpu.memory_space<vmem>>
      %dma_start3A_312 = tpu.memref_squeeze %dma_start3A_311 : memref<1x32xf32, #tpu.memory_space<vmem>> -> memref<32xf32, #tpu.memory_space<vmem>>
      %dma_start3A_313 = arith.constant 0 : i32
      %dma_start3A_314 = tpu.memref_slice %arg5[%squeeze3A_309, %dma_start3A_313] : memref<1000x32xf32, #tpu.memory_space<hbm>> -> memref<1x32xf32, #tpu.memory_space<hbm>>
      %dma_start3A_315 = tpu.memref_squeeze %dma_start3A_314 : memref<1x32xf32, #tpu.memory_space<hbm>> -> memref<32xf32, #tpu.memory_space<hbm>>
      %dma_start3A_316 = arith.constant 0 : i32
      %dma_start3A_317 = tpu.memref_slice %arg12[%add3A_293, %dma_start3A_316] : memref<128x128xf32, #tpu.memory_space<vmem>> -> memref<1x32xf32, #tpu.memory_space<vmem>>
      %dma_start3A_318 = tpu.memref_squeeze %dma_start3A_317 : memref<1x32xf32, #tpu.memory_space<vmem>> -> memref<32xf32, #tpu.memory_space<vmem>>
      %dma_start3A_319 = arith.constant 0 : i32
      %dma_start3A_320 = tpu.memref_slice %arg5[%squeeze3A_309, %dma_start3A_319] : memref<1000x32xf32, #tpu.memory_space<hbm>> -> memref<1x32xf32, #tpu.memory_space<hbm>>
      %dma_start3A_321 = tpu.memref_squeeze %dma_start3A_320 : memref<1x32xf32, #tpu.memory_space<hbm>> -> memref<32xf32, #tpu.memory_space<hbm>>
      tpu.enqueue_dma source(%dma_start3A_321 : memref<32xf32, #tpu.memory_space<hbm>>) target(%dma_start3A_318 : memref<32xf32, #tpu.memory_space<vmem>>) target_semaphore(%arg17 : memref<!tpu.dma_semaphore, #tpu.memory_space<semaphore_mem>>)
      %mul3A_322 = arith.constant 4 : i32
      %mul3A_323 = arith.muli %scan3A_28, %mul3A_322 : i32
      %add3A_324 = arith.constant 2 : i32
      %add3A_325 = arith.addi %mul3A_323, %add3A_324 : i32
      %slice3A_326 = vector.extract_strided_slice %get3A_32 {offsets = [9], sizes = [1], strides = [1]} : vector<16xi32> to vector<1xi32>
      %squeeze3A_327 = vector.extract %slice3A_326[0] : i32 from vector<1xi32>
      %dma_start3A_328 = arith.constant 32 : i32
      %dma_start3A_329 = tpu.memref_slice %arg11[%add3A_325, %dma_start3A_328] : memref<128x128xf32, #tpu.memory_space<vmem>> -> memref<1x32xf32, #tpu.memory_space<vmem>>
      %dma_start3A_330 = tpu.memref_squeeze %dma_start3A_329 : memref<1x32xf32, #tpu.memory_space<vmem>> -> memref<32xf32, #tpu.memory_space<vmem>>
      %dma_start3A_331 = arith.constant 0 : i32
      %dma_start3A_332 = tpu.memref_slice %arg4[%squeeze3A_327, %dma_start3A_331] : memref<1000000x32xf32, #tpu.memory_space<hbm>> -> memref<1x32xf32, #tpu.memory_space<hbm>>
      %dma_start3A_333 = tpu.memref_squeeze %dma_start3A_332 : memref<1x32xf32, #tpu.memory_space<hbm>> -> memref<32xf32, #tpu.memory_space<hbm>>
      %dma_start3A_334 = arith.constant 32 : i32
      %dma_start3A_335 = tpu.memref_slice %arg11[%add3A_325, %dma_start3A_334] : memref<128x128xf32, #tpu.memory_space<vmem>> -> memref<1x32xf32, #tpu.memory_space<vmem>>
      %dma_start3A_336 = tpu.memref_squeeze %dma_start3A_335 : memref<1x32xf32, #tpu.memory_space<vmem>> -> memref<32xf32, #tpu.memory_space<vmem>>
      %dma_start3A_337 = arith.constant 0 : i32
      %dma_start3A_338 = tpu.memref_slice %arg4[%squeeze3A_327, %dma_start3A_337] : memref<1000000x32xf32, #tpu.memory_space<hbm>> -> memref<1x32xf32, #tpu.memory_space<hbm>>
      %dma_start3A_339 = tpu.memref_squeeze %dma_start3A_338 : memref<1x32xf32, #tpu.memory_space<hbm>> -> memref<32xf32, #tpu.memory_space<hbm>>
      tpu.enqueue_dma source(%dma_start3A_339 : memref<32xf32, #tpu.memory_space<hbm>>) target(%dma_start3A_336 : memref<32xf32, #tpu.memory_space<vmem>>) target_semaphore(%arg16 : memref<!tpu.dma_semaphore, #tpu.memory_space<semaphore_mem>>)
      %slice3A_340 = vector.extract_strided_slice %get3A_36 {offsets = [9], sizes = [1], strides = [1]} : vector<16xi32> to vector<1xi32>
      %squeeze3A_341 = vector.extract %slice3A_340[0] : i32 from vector<1xi32>
      %dma_start3A_342 = arith.constant 32 : i32
      %dma_start3A_343 = tpu.memref_slice %arg12[%add3A_325, %dma_start3A_342] : memref<128x128xf32, #tpu.memory_space<vmem>> -> memref<1x32xf32, #tpu.memory_space<vmem>>
      %dma_start3A_344 = tpu.memref_squeeze %dma_start3A_343 : memref<1x32xf32, #tpu.memory_space<vmem>> -> memref<32xf32, #tpu.memory_space<vmem>>
      %dma_start3A_345 = arith.constant 0 : i32
      %dma_start3A_346 = tpu.memref_slice %arg5[%squeeze3A_341, %dma_start3A_345] : memref<1000x32xf32, #tpu.memory_space<hbm>> -> memref<1x32xf32, #tpu.memory_space<hbm>>
      %dma_start3A_347 = tpu.memref_squeeze %dma_start3A_346 : memref<1x32xf32, #tpu.memory_space<hbm>> -> memref<32xf32, #tpu.memory_space<hbm>>
      %dma_start3A_348 = arith.constant 32 : i32
      %dma_start3A_349 = tpu.memref_slice %arg12[%add3A_325, %dma_start3A_348] : memref<128x128xf32, #tpu.memory_space<vmem>> -> memref<1x32xf32, #tpu.memory_space<vmem>>
      %dma_start3A_350 = tpu.memref_squeeze %dma_start3A_349 : memref<1x32xf32, #tpu.memory_space<vmem>> -> memref<32xf32, #tpu.memory_space<vmem>>
      %dma_start3A_351 = arith.constant 0 : i32
      %dma_start3A_352 = tpu.memref_slice %arg5[%squeeze3A_341, %dma_start3A_351] : memref<1000x32xf32, #tpu.memory_space<hbm>> -> memref<1x32xf32, #tpu.memory_space<hbm>>
      %dma_start3A_353 = tpu.memref_squeeze %dma_start3A_352 : memref<1x32xf32, #tpu.memory_space<hbm>> -> memref<32xf32, #tpu.memory_space<hbm>>
      tpu.enqueue_dma source(%dma_start3A_353 : memref<32xf32, #tpu.memory_space<hbm>>) target(%dma_start3A_350 : memref<32xf32, #tpu.memory_space<vmem>>) target_semaphore(%arg17 : memref<!tpu.dma_semaphore, #tpu.memory_space<semaphore_mem>>)
      %mul3A_354 = arith.constant 4 : i32
      %mul3A_355 = arith.muli %scan3A_28, %mul3A_354 : i32
      %add3A_356 = arith.constant 2 : i32
      %add3A_357 = arith.addi %mul3A_355, %add3A_356 : i32
      %slice3A_358 = vector.extract_strided_slice %get3A_32 {offsets = [10], sizes = [1], strides = [1]} : vector<16xi32> to vector<1xi32>
      %squeeze3A_359 = vector.extract %slice3A_358[0] : i32 from vector<1xi32>
      %dma_start3A_360 = arith.constant 64 : i32
      %dma_start3A_361 = tpu.memref_slice %arg11[%add3A_357, %dma_start3A_360] : memref<128x128xf32, #tpu.memory_space<vmem>> -> memref<1x32xf32, #tpu.memory_space<vmem>>
      %dma_start3A_362 = tpu.memref_squeeze %dma_start3A_361 : memref<1x32xf32, #tpu.memory_space<vmem>> -> memref<32xf32, #tpu.memory_space<vmem>>
      %dma_start3A_363 = arith.constant 0 : i32
      %dma_start3A_364 = tpu.memref_slice %arg4[%squeeze3A_359, %dma_start3A_363] : memref<1000000x32xf32, #tpu.memory_space<hbm>> -> memref<1x32xf32, #tpu.memory_space<hbm>>
      %dma_start3A_365 = tpu.memref_squeeze %dma_start3A_364 : memref<1x32xf32, #tpu.memory_space<hbm>> -> memref<32xf32, #tpu.memory_space<hbm>>
      %dma_start3A_366 = arith.constant 64 : i32
      %dma_start3A_367 = tpu.memref_slice %arg11[%add3A_357, %dma_start3A_366] : memref<128x128xf32, #tpu.memory_space<vmem>> -> memref<1x32xf32, #tpu.memory_space<vmem>>
      %dma_start3A_368 = tpu.memref_squeeze %dma_start3A_367 : memref<1x32xf32, #tpu.memory_space<vmem>> -> memref<32xf32, #tpu.memory_space<vmem>>
      %dma_start3A_369 = arith.constant 0 : i32
      %dma_start3A_370 = tpu.memref_slice %arg4[%squeeze3A_359, %dma_start3A_369] : memref<1000000x32xf32, #tpu.memory_space<hbm>> -> memref<1x32xf32, #tpu.memory_space<hbm>>
      %dma_start3A_371 = tpu.memref_squeeze %dma_start3A_370 : memref<1x32xf32, #tpu.memory_space<hbm>> -> memref<32xf32, #tpu.memory_space<hbm>>
      tpu.enqueue_dma source(%dma_start3A_371 : memref<32xf32, #tpu.memory_space<hbm>>) target(%dma_start3A_368 : memref<32xf32, #tpu.memory_space<vmem>>) target_semaphore(%arg16 : memref<!tpu.dma_semaphore, #tpu.memory_space<semaphore_mem>>)
      %slice3A_372 = vector.extract_strided_slice %get3A_36 {offsets = [10], sizes = [1], strides = [1]} : vector<16xi32> to vector<1xi32>
      %squeeze3A_373 = vector.extract %slice3A_372[0] : i32 from vector<1xi32>
      %dma_start3A_374 = arith.constant 64 : i32
      %dma_start3A_375 = tpu.memref_slice %arg12[%add3A_357, %dma_start3A_374] : memref<128x128xf32, #tpu.memory_space<vmem>> -> memref<1x32xf32, #tpu.memory_space<vmem>>
      %dma_start3A_376 = tpu.memref_squeeze %dma_start3A_375 : memref<1x32xf32, #tpu.memory_space<vmem>> -> memref<32xf32, #tpu.memory_space<vmem>>
      %dma_start3A_377 = arith.constant 0 : i32
      %dma_start3A_378 = tpu.memref_slice %arg5[%squeeze3A_373, %dma_start3A_377] : memref<1000x32xf32, #tpu.memory_space<hbm>> -> memref<1x32xf32, #tpu.memory_space<hbm>>
      %dma_start3A_379 = tpu.memref_squeeze %dma_start3A_378 : memref<1x32xf32, #tpu.memory_space<hbm>> -> memref<32xf32, #tpu.memory_space<hbm>>
      %dma_start3A_380 = arith.constant 64 : i32
      %dma_start3A_381 = tpu.memref_slice %arg12[%add3A_357, %dma_start3A_380] : memref<128x128xf32, #tpu.memory_space<vmem>> -> memref<1x32xf32, #tpu.memory_space<vmem>>
      %dma_start3A_382 = tpu.memref_squeeze %dma_start3A_381 : memref<1x32xf32, #tpu.memory_space<vmem>> -> memref<32xf32, #tpu.memory_space<vmem>>
      %dma_start3A_383 = arith.constant 0 : i32
      %dma_start3A_384 = tpu.memref_slice %arg5[%squeeze3A_373, %dma_start3A_383] : memref<1000x32xf32, #tpu.memory_space<hbm>> -> memref<1x32xf32, #tpu.memory_space<hbm>>
      %dma_start3A_385 = tpu.memref_squeeze %dma_start3A_384 : memref<1x32xf32, #tpu.memory_space<hbm>> -> memref<32xf32, #tpu.memory_space<hbm>>
      tpu.enqueue_dma source(%dma_start3A_385 : memref<32xf32, #tpu.memory_space<hbm>>) target(%dma_start3A_382 : memref<32xf32, #tpu.memory_space<vmem>>) target_semaphore(%arg17 : memref<!tpu.dma_semaphore, #tpu.memory_space<semaphore_mem>>)
      %mul3A_386 = arith.constant 4 : i32
      %mul3A_387 = arith.muli %scan3A_28, %mul3A_386 : i32
      %add3A_388 = arith.constant 2 : i32
      %add3A_389 = arith.addi %mul3A_387, %add3A_388 : i32
      %slice3A_390 = vector.extract_strided_slice %get3A_32 {offsets = [11], sizes = [1], strides = [1]} : vector<16xi32> to vector<1xi32>
      %squeeze3A_391 = vector.extract %slice3A_390[0] : i32 from vector<1xi32>
      %dma_start3A_392 = arith.constant 96 : i32
      %dma_start3A_393 = tpu.memref_slice %arg11[%add3A_389, %dma_start3A_392] : memref<128x128xf32, #tpu.memory_space<vmem>> -> memref<1x32xf32, #tpu.memory_space<vmem>>
      %dma_start3A_394 = tpu.memref_squeeze %dma_start3A_393 : memref<1x32xf32, #tpu.memory_space<vmem>> -> memref<32xf32, #tpu.memory_space<vmem>>
      %dma_start3A_395 = arith.constant 0 : i32
      %dma_start3A_396 = tpu.memref_slice %arg4[%squeeze3A_391, %dma_start3A_395] : memref<1000000x32xf32, #tpu.memory_space<hbm>> -> memref<1x32xf32, #tpu.memory_space<hbm>>
      %dma_start3A_397 = tpu.memref_squeeze %dma_start3A_396 : memref<1x32xf32, #tpu.memory_space<hbm>> -> memref<32xf32, #tpu.memory_space<hbm>>
      %dma_start3A_398 = arith.constant 96 : i32
      %dma_start3A_399 = tpu.memref_slice %arg11[%add3A_389, %dma_start3A_398] : memref<128x128xf32, #tpu.memory_space<vmem>> -> memref<1x32xf32, #tpu.memory_space<vmem>>
      %dma_start3A_400 = tpu.memref_squeeze %dma_start3A_399 : memref<1x32xf32, #tpu.memory_space<vmem>> -> memref<32xf32, #tpu.memory_space<vmem>>
      %dma_start3A_401 = arith.constant 0 : i32
      %dma_start3A_402 = tpu.memref_slice %arg4[%squeeze3A_391, %dma_start3A_401] : memref<1000000x32xf32, #tpu.memory_space<hbm>> -> memref<1x32xf32, #tpu.memory_space<hbm>>
      %dma_start3A_403 = tpu.memref_squeeze %dma_start3A_402 : memref<1x32xf32, #tpu.memory_space<hbm>> -> memref<32xf32, #tpu.memory_space<hbm>>
      tpu.enqueue_dma source(%dma_start3A_403 : memref<32xf32, #tpu.memory_space<hbm>>) target(%dma_start3A_400 : memref<32xf32, #tpu.memory_space<vmem>>) target_semaphore(%arg16 : memref<!tpu.dma_semaphore, #tpu.memory_space<semaphore_mem>>)
      %slice3A_404 = vector.extract_strided_slice %get3A_36 {offsets = [11], sizes = [1], strides = [1]} : vector<16xi32> to vector<1xi32>
      %squeeze3A_405 = vector.extract %slice3A_404[0] : i32 from vector<1xi32>
      %dma_start3A_406 = arith.constant 96 : i32
      %dma_start3A_407 = tpu.memref_slice %arg12[%add3A_389, %dma_start3A_406] : memref<128x128xf32, #tpu.memory_space<vmem>> -> memref<1x32xf32, #tpu.memory_space<vmem>>
      %dma_start3A_408 = tpu.memref_squeeze %dma_start3A_407 : memref<1x32xf32, #tpu.memory_space<vmem>> -> memref<32xf32, #tpu.memory_space<vmem>>
      %dma_start3A_409 = arith.constant 0 : i32
      %dma_start3A_410 = tpu.memref_slice %arg5[%squeeze3A_405, %dma_start3A_409] : memref<1000x32xf32, #tpu.memory_space<hbm>> -> memref<1x32xf32, #tpu.memory_space<hbm>>
      %dma_start3A_411 = tpu.memref_squeeze %dma_start3A_410 : memref<1x32xf32, #tpu.memory_space<hbm>> -> memref<32xf32, #tpu.memory_space<hbm>>
      %dma_start3A_412 = arith.constant 96 : i32
      %dma_start3A_413 = tpu.memref_slice %arg12[%add3A_389, %dma_start3A_412] : memref<128x128xf32, #tpu.memory_space<vmem>> -> memref<1x32xf32, #tpu.memory_space<vmem>>
      %dma_start3A_414 = tpu.memref_squeeze %dma_start3A_413 : memref<1x32xf32, #tpu.memory_space<vmem>> -> memref<32xf32, #tpu.memory_space<vmem>>
      %dma_start3A_415 = arith.constant 0 : i32
      %dma_start3A_416 = tpu.memref_slice %arg5[%squeeze3A_405, %dma_start3A_415] : memref<1000x32xf32, #tpu.memory_space<hbm>> -> memref<1x32xf32, #tpu.memory_space<hbm>>
      %dma_start3A_417 = tpu.memref_squeeze %dma_start3A_416 : memref<1x32xf32, #tpu.memory_space<hbm>> -> memref<32xf32, #tpu.memory_space<hbm>>
      tpu.enqueue_dma source(%dma_start3A_417 : memref<32xf32, #tpu.memory_space<hbm>>) target(%dma_start3A_414 : memref<32xf32, #tpu.memory_space<vmem>>) target_semaphore(%arg17 : memref<!tpu.dma_semaphore, #tpu.memory_space<semaphore_mem>>)
      %mul3A_418 = arith.constant 4 : i32
      %mul3A_419 = arith.muli %scan3A_28, %mul3A_418 : i32
      %add3A_420 = arith.constant 3 : i32
      %add3A_421 = arith.addi %mul3A_419, %add3A_420 : i32
      %slice3A_422 = vector.extract_strided_slice %get3A_32 {offsets = [12], sizes = [1], strides = [1]} : vector<16xi32> to vector<1xi32>
      %squeeze3A_423 = vector.extract %slice3A_422[0] : i32 from vector<1xi32>
      %dma_start3A_424 = arith.constant 0 : i32
      %dma_start3A_425 = tpu.memref_slice %arg11[%add3A_421, %dma_start3A_424] : memref<128x128xf32, #tpu.memory_space<vmem>> -> memref<1x32xf32, #tpu.memory_space<vmem>>
      %dma_start3A_426 = tpu.memref_squeeze %dma_start3A_425 : memref<1x32xf32, #tpu.memory_space<vmem>> -> memref<32xf32, #tpu.memory_space<vmem>>
      %dma_start3A_427 = arith.constant 0 : i32
      %dma_start3A_428 = tpu.memref_slice %arg4[%squeeze3A_423, %dma_start3A_427] : memref<1000000x32xf32, #tpu.memory_space<hbm>> -> memref<1x32xf32, #tpu.memory_space<hbm>>
      %dma_start3A_429 = tpu.memref_squeeze %dma_start3A_428 : memref<1x32xf32, #tpu.memory_space<hbm>> -> memref<32xf32, #tpu.memory_space<hbm>>
      %dma_start3A_430 = arith.constant 0 : i32
      %dma_start3A_431 = tpu.memref_slice %arg11[%add3A_421, %dma_start3A_430] : memref<128x128xf32, #tpu.memory_space<vmem>> -> memref<1x32xf32, #tpu.memory_space<vmem>>
      %dma_start3A_432 = tpu.memref_squeeze %dma_start3A_431 : memref<1x32xf32, #tpu.memory_space<vmem>> -> memref<32xf32, #tpu.memory_space<vmem>>
      %dma_start3A_433 = arith.constant 0 : i32
      %dma_start3A_434 = tpu.memref_slice %arg4[%squeeze3A_423, %dma_start3A_433] : memref<1000000x32xf32, #tpu.memory_space<hbm>> -> memref<1x32xf32, #tpu.memory_space<hbm>>
      %dma_start3A_435 = tpu.memref_squeeze %dma_start3A_434 : memref<1x32xf32, #tpu.memory_space<hbm>> -> memref<32xf32, #tpu.memory_space<hbm>>
      tpu.enqueue_dma source(%dma_start3A_435 : memref<32xf32, #tpu.memory_space<hbm>>) target(%dma_start3A_432 : memref<32xf32, #tpu.memory_space<vmem>>) target_semaphore(%arg16 : memref<!tpu.dma_semaphore, #tpu.memory_space<semaphore_mem>>)
      %slice3A_436 = vector.extract_strided_slice %get3A_36 {offsets = [12], sizes = [1], strides = [1]} : vector<16xi32> to vector<1xi32>
      %squeeze3A_437 = vector.extract %slice3A_436[0] : i32 from vector<1xi32>
      %dma_start3A_438 = arith.constant 0 : i32
      %dma_start3A_439 = tpu.memref_slice %arg12[%add3A_421, %dma_start3A_438] : memref<128x128xf32, #tpu.memory_space<vmem>> -> memref<1x32xf32, #tpu.memory_space<vmem>>
      %dma_start3A_440 = tpu.memref_squeeze %dma_start3A_439 : memref<1x32xf32, #tpu.memory_space<vmem>> -> memref<32xf32, #tpu.memory_space<vmem>>
      %dma_start3A_441 = arith.constant 0 : i32
      %dma_start3A_442 = tpu.memref_slice %arg5[%squeeze3A_437, %dma_start3A_441] : memref<1000x32xf32, #tpu.memory_space<hbm>> -> memref<1x32xf32, #tpu.memory_space<hbm>>
      %dma_start3A_443 = tpu.memref_squeeze %dma_start3A_442 : memref<1x32xf32, #tpu.memory_space<hbm>> -> memref<32xf32, #tpu.memory_space<hbm>>
      %dma_start3A_444 = arith.constant 0 : i32
      %dma_start3A_445 = tpu.memref_slice %arg12[%add3A_421, %dma_start3A_444] : memref<128x128xf32, #tpu.memory_space<vmem>> -> memref<1x32xf32, #tpu.memory_space<vmem>>
      %dma_start3A_446 = tpu.memref_squeeze %dma_start3A_445 : memref<1x32xf32, #tpu.memory_space<vmem>> -> memref<32xf32, #tpu.memory_space<vmem>>
      %dma_start3A_447 = arith.constant 0 : i32
      %dma_start3A_448 = tpu.memref_slice %arg5[%squeeze3A_437, %dma_start3A_447] : memref<1000x32xf32, #tpu.memory_space<hbm>> -> memref<1x32xf32, #tpu.memory_space<hbm>>
      %dma_start3A_449 = tpu.memref_squeeze %dma_start3A_448 : memref<1x32xf32, #tpu.memory_space<hbm>> -> memref<32xf32, #tpu.memory_space<hbm>>
      tpu.enqueue_dma source(%dma_start3A_449 : memref<32xf32, #tpu.memory_space<hbm>>) target(%dma_start3A_446 : memref<32xf32, #tpu.memory_space<vmem>>) target_semaphore(%arg17 : memref<!tpu.dma_semaphore, #tpu.memory_space<semaphore_mem>>)
      %mul3A_450 = arith.constant 4 : i32
      %mul3A_451 = arith.muli %scan3A_28, %mul3A_450 : i32
      %add3A_452 = arith.constant 3 : i32
      %add3A_453 = arith.addi %mul3A_451, %add3A_452 : i32
      %slice3A_454 = vector.extract_strided_slice %get3A_32 {offsets = [13], sizes = [1], strides = [1]} : vector<16xi32> to vector<1xi32>
      %squeeze3A_455 = vector.extract %slice3A_454[0] : i32 from vector<1xi32>
      %dma_start3A_456 = arith.constant 32 : i32
      %dma_start3A_457 = tpu.memref_slice %arg11[%add3A_453, %dma_start3A_456] : memref<128x128xf32, #tpu.memory_space<vmem>> -> memref<1x32xf32, #tpu.memory_space<vmem>>
      %dma_start3A_458 = tpu.memref_squeeze %dma_start3A_457 : memref<1x32xf32, #tpu.memory_space<vmem>> -> memref<32xf32, #tpu.memory_space<vmem>>
      %dma_start3A_459 = arith.constant 0 : i32
      %dma_start3A_460 = tpu.memref_slice %arg4[%squeeze3A_455, %dma_start3A_459] : memref<1000000x32xf32, #tpu.memory_space<hbm>> -> memref<1x32xf32, #tpu.memory_space<hbm>>
      %dma_start3A_461 = tpu.memref_squeeze %dma_start3A_460 : memref<1x32xf32, #tpu.memory_space<hbm>> -> memref<32xf32, #tpu.memory_space<hbm>>
      %dma_start3A_462 = arith.constant 32 : i32
      %dma_start3A_463 = tpu.memref_slice %arg11[%add3A_453, %dma_start3A_462] : memref<128x128xf32, #tpu.memory_space<vmem>> -> memref<1x32xf32, #tpu.memory_space<vmem>>
      %dma_start3A_464 = tpu.memref_squeeze %dma_start3A_463 : memref<1x32xf32, #tpu.memory_space<vmem>> -> memref<32xf32, #tpu.memory_space<vmem>>
      %dma_start3A_465 = arith.constant 0 : i32
      %dma_start3A_466 = tpu.memref_slice %arg4[%squeeze3A_455, %dma_start3A_465] : memref<1000000x32xf32, #tpu.memory_space<hbm>> -> memref<1x32xf32, #tpu.memory_space<hbm>>
      %dma_start3A_467 = tpu.memref_squeeze %dma_start3A_466 : memref<1x32xf32, #tpu.memory_space<hbm>> -> memref<32xf32, #tpu.memory_space<hbm>>
      tpu.enqueue_dma source(%dma_start3A_467 : memref<32xf32, #tpu.memory_space<hbm>>) target(%dma_start3A_464 : memref<32xf32, #tpu.memory_space<vmem>>) target_semaphore(%arg16 : memref<!tpu.dma_semaphore, #tpu.memory_space<semaphore_mem>>)
      %slice3A_468 = vector.extract_strided_slice %get3A_36 {offsets = [13], sizes = [1], strides = [1]} : vector<16xi32> to vector<1xi32>
      %squeeze3A_469 = vector.extract %slice3A_468[0] : i32 from vector<1xi32>
      %dma_start3A_470 = arith.constant 32 : i32
      %dma_start3A_471 = tpu.memref_slice %arg12[%add3A_453, %dma_start3A_470] : memref<128x128xf32, #tpu.memory_space<vmem>> -> memref<1x32xf32, #tpu.memory_space<vmem>>
      %dma_start3A_472 = tpu.memref_squeeze %dma_start3A_471 : memref<1x32xf32, #tpu.memory_space<vmem>> -> memref<32xf32, #tpu.memory_space<vmem>>
      %dma_start3A_473 = arith.constant 0 : i32
      %dma_start3A_474 = tpu.memref_slice %arg5[%squeeze3A_469, %dma_start3A_473] : memref<1000x32xf32, #tpu.memory_space<hbm>> -> memref<1x32xf32, #tpu.memory_space<hbm>>
      %dma_start3A_475 = tpu.memref_squeeze %dma_start3A_474 : memref<1x32xf32, #tpu.memory_space<hbm>> -> memref<32xf32, #tpu.memory_space<hbm>>
      %dma_start3A_476 = arith.constant 32 : i32
      %dma_start3A_477 = tpu.memref_slice %arg12[%add3A_453, %dma_start3A_476] : memref<128x128xf32, #tpu.memory_space<vmem>> -> memref<1x32xf32, #tpu.memory_space<vmem>>
      %dma_start3A_478 = tpu.memref_squeeze %dma_start3A_477 : memref<1x32xf32, #tpu.memory_space<vmem>> -> memref<32xf32, #tpu.memory_space<vmem>>
      %dma_start3A_479 = arith.constant 0 : i32
      %dma_start3A_480 = tpu.memref_slice %arg5[%squeeze3A_469, %dma_start3A_479] : memref<1000x32xf32, #tpu.memory_space<hbm>> -> memref<1x32xf32, #tpu.memory_space<hbm>>
      %dma_start3A_481 = tpu.memref_squeeze %dma_start3A_480 : memref<1x32xf32, #tpu.memory_space<hbm>> -> memref<32xf32, #tpu.memory_space<hbm>>
      tpu.enqueue_dma source(%dma_start3A_481 : memref<32xf32, #tpu.memory_space<hbm>>) target(%dma_start3A_478 : memref<32xf32, #tpu.memory_space<vmem>>) target_semaphore(%arg17 : memref<!tpu.dma_semaphore, #tpu.memory_space<semaphore_mem>>)
      %mul3A_482 = arith.constant 4 : i32
      %mul3A_483 = arith.muli %scan3A_28, %mul3A_482 : i32
      %add3A_484 = arith.constant 3 : i32
      %add3A_485 = arith.addi %mul3A_483, %add3A_484 : i32
      %slice3A_486 = vector.extract_strided_slice %get3A_32 {offsets = [14], sizes = [1], strides = [1]} : vector<16xi32> to vector<1xi32>
      %squeeze3A_487 = vector.extract %slice3A_486[0] : i32 from vector<1xi32>
      %dma_start3A_488 = arith.constant 64 : i32
      %dma_start3A_489 = tpu.memref_slice %arg11[%add3A_485, %dma_start3A_488] : memref<128x128xf32, #tpu.memory_space<vmem>> -> memref<1x32xf32, #tpu.memory_space<vmem>>
      %dma_start3A_490 = tpu.memref_squeeze %dma_start3A_489 : memref<1x32xf32, #tpu.memory_space<vmem>> -> memref<32xf32, #tpu.memory_space<vmem>>
      %dma_start3A_491 = arith.constant 0 : i32
      %dma_start3A_492 = tpu.memref_slice %arg4[%squeeze3A_487, %dma_start3A_491] : memref<1000000x32xf32, #tpu.memory_space<hbm>> -> memref<1x32xf32, #tpu.memory_space<hbm>>
      %dma_start3A_493 = tpu.memref_squeeze %dma_start3A_492 : memref<1x32xf32, #tpu.memory_space<hbm>> -> memref<32xf32, #tpu.memory_space<hbm>>
      %dma_start3A_494 = arith.constant 64 : i32
      %dma_start3A_495 = tpu.memref_slice %arg11[%add3A_485, %dma_start3A_494] : memref<128x128xf32, #tpu.memory_space<vmem>> -> memref<1x32xf32, #tpu.memory_space<vmem>>
      %dma_start3A_496 = tpu.memref_squeeze %dma_start3A_495 : memref<1x32xf32, #tpu.memory_space<vmem>> -> memref<32xf32, #tpu.memory_space<vmem>>
      %dma_start3A_497 = arith.constant 0 : i32
      %dma_start3A_498 = tpu.memref_slice %arg4[%squeeze3A_487, %dma_start3A_497] : memref<1000000x32xf32, #tpu.memory_space<hbm>> -> memref<1x32xf32, #tpu.memory_space<hbm>>
      %dma_start3A_499 = tpu.memref_squeeze %dma_start3A_498 : memref<1x32xf32, #tpu.memory_space<hbm>> -> memref<32xf32, #tpu.memory_space<hbm>>
      tpu.enqueue_dma source(%dma_start3A_499 : memref<32xf32, #tpu.memory_space<hbm>>) target(%dma_start3A_496 : memref<32xf32, #tpu.memory_space<vmem>>) target_semaphore(%arg16 : memref<!tpu.dma_semaphore, #tpu.memory_space<semaphore_mem>>)
      %slice3A_500 = vector.extract_strided_slice %get3A_36 {offsets = [14], sizes = [1], strides = [1]} : vector<16xi32> to vector<1xi32>
      %squeeze3A_501 = vector.extract %slice3A_500[0] : i32 from vector<1xi32>
      %dma_start3A_502 = arith.constant 64 : i32
      %dma_start3A_503 = tpu.memref_slice %arg12[%add3A_485, %dma_start3A_502] : memref<128x128xf32, #tpu.memory_space<vmem>> -> memref<1x32xf32, #tpu.memory_space<vmem>>
      %dma_start3A_504 = tpu.memref_squeeze %dma_start3A_503 : memref<1x32xf32, #tpu.memory_space<vmem>> -> memref<32xf32, #tpu.memory_space<vmem>>
      %dma_start3A_505 = arith.constant 0 : i32
      %dma_start3A_506 = tpu.memref_slice %arg5[%squeeze3A_501, %dma_start3A_505] : memref<1000x32xf32, #tpu.memory_space<hbm>> -> memref<1x32xf32, #tpu.memory_space<hbm>>
      %dma_start3A_507 = tpu.memref_squeeze %dma_start3A_506 : memref<1x32xf32, #tpu.memory_space<hbm>> -> memref<32xf32, #tpu.memory_space<hbm>>
      %dma_start3A_508 = arith.constant 64 : i32
      %dma_start3A_509 = tpu.memref_slice %arg12[%add3A_485, %dma_start3A_508] : memref<128x128xf32, #tpu.memory_space<vmem>> -> memref<1x32xf32, #tpu.memory_space<vmem>>
      %dma_start3A_510 = tpu.memref_squeeze %dma_start3A_509 : memref<1x32xf32, #tpu.memory_space<vmem>> -> memref<32xf32, #tpu.memory_space<vmem>>
      %dma_start3A_511 = arith.constant 0 : i32
      %dma_start3A_512 = tpu.memref_slice %arg5[%squeeze3A_501, %dma_start3A_511] : memref<1000x32xf32, #tpu.memory_space<hbm>> -> memref<1x32xf32, #tpu.memory_space<hbm>>
      %dma_start3A_513 = tpu.memref_squeeze %dma_start3A_512 : memref<1x32xf32, #tpu.memory_space<hbm>> -> memref<32xf32, #tpu.memory_space<hbm>>
      tpu.enqueue_dma source(%dma_start3A_513 : memref<32xf32, #tpu.memory_space<hbm>>) target(%dma_start3A_510 : memref<32xf32, #tpu.memory_space<vmem>>) target_semaphore(%arg17 : memref<!tpu.dma_semaphore, #tpu.memory_space<semaphore_mem>>)
      %mul3A_514 = arith.constant 4 : i32
      %mul3A_515 = arith.muli %scan3A_28, %mul3A_514 : i32
      %add3A_516 = arith.constant 3 : i32
      %add3A_517 = arith.addi %mul3A_515, %add3A_516 : i32
      %slice3A_518 = vector.extract_strided_slice %get3A_32 {offsets = [15], sizes = [1], strides = [1]} : vector<16xi32> to vector<1xi32>
      %squeeze3A_519 = vector.extract %slice3A_518[0] : i32 from vector<1xi32>
      %dma_start3A_520 = arith.constant 96 : i32
      %dma_start3A_521 = tpu.memref_slice %arg11[%add3A_517, %dma_start3A_520] : memref<128x128xf32, #tpu.memory_space<vmem>> -> memref<1x32xf32, #tpu.memory_space<vmem>>
      %dma_start3A_522 = tpu.memref_squeeze %dma_start3A_521 : memref<1x32xf32, #tpu.memory_space<vmem>> -> memref<32xf32, #tpu.memory_space<vmem>>
      %dma_start3A_523 = arith.constant 0 : i32
      %dma_start3A_524 = tpu.memref_slice %arg4[%squeeze3A_519, %dma_start3A_523] : memref<1000000x32xf32, #tpu.memory_space<hbm>> -> memref<1x32xf32, #tpu.memory_space<hbm>>
      %dma_start3A_525 = tpu.memref_squeeze %dma_start3A_524 : memref<1x32xf32, #tpu.memory_space<hbm>> -> memref<32xf32, #tpu.memory_space<hbm>>
      %dma_start3A_526 = arith.constant 96 : i32
      %dma_start3A_527 = tpu.memref_slice %arg11[%add3A_517, %dma_start3A_526] : memref<128x128xf32, #tpu.memory_space<vmem>> -> memref<1x32xf32, #tpu.memory_space<vmem>>
      %dma_start3A_528 = tpu.memref_squeeze %dma_start3A_527 : memref<1x32xf32, #tpu.memory_space<vmem>> -> memref<32xf32, #tpu.memory_space<vmem>>
      %dma_start3A_529 = arith.constant 0 : i32
      %dma_start3A_530 = tpu.memref_slice %arg4[%squeeze3A_519, %dma_start3A_529] : memref<1000000x32xf32, #tpu.memory_space<hbm>> -> memref<1x32xf32, #tpu.memory_space<hbm>>
      %dma_start3A_531 = tpu.memref_squeeze %dma_start3A_530 : memref<1x32xf32, #tpu.memory_space<hbm>> -> memref<32xf32, #tpu.memory_space<hbm>>
      tpu.enqueue_dma source(%dma_start3A_531 : memref<32xf32, #tpu.memory_space<hbm>>) target(%dma_start3A_528 : memref<32xf32, #tpu.memory_space<vmem>>) target_semaphore(%arg16 : memref<!tpu.dma_semaphore, #tpu.memory_space<semaphore_mem>>)
      %slice3A_532 = vector.extract_strided_slice %get3A_36 {offsets = [15], sizes = [1], strides = [1]} : vector<16xi32> to vector<1xi32>
      %squeeze3A_533 = vector.extract %slice3A_532[0] : i32 from vector<1xi32>
      %dma_start3A_534 = arith.constant 96 : i32
      %dma_start3A_535 = tpu.memref_slice %arg12[%add3A_517, %dma_start3A_534] : memref<128x128xf32, #tpu.memory_space<vmem>> -> memref<1x32xf32, #tpu.memory_space<vmem>>
      %dma_start3A_536 = tpu.memref_squeeze %dma_start3A_535 : memref<1x32xf32, #tpu.memory_space<vmem>> -> memref<32xf32, #tpu.memory_space<vmem>>
      %dma_start3A_537 = arith.constant 0 : i32
      %dma_start3A_538 = tpu.memref_slice %arg5[%squeeze3A_533, %dma_start3A_537] : memref<1000x32xf32, #tpu.memory_space<hbm>> -> memref<1x32xf32, #tpu.memory_space<hbm>>
      %dma_start3A_539 = tpu.memref_squeeze %dma_start3A_538 : memref<1x32xf32, #tpu.memory_space<hbm>> -> memref<32xf32, #tpu.memory_space<hbm>>
      %dma_start3A_540 = arith.constant 96 : i32
      %dma_start3A_541 = tpu.memref_slice %arg12[%add3A_517, %dma_start3A_540] : memref<128x128xf32, #tpu.memory_space<vmem>> -> memref<1x32xf32, #tpu.memory_space<vmem>>
      %dma_start3A_542 = tpu.memref_squeeze %dma_start3A_541 : memref<1x32xf32, #tpu.memory_space<vmem>> -> memref<32xf32, #tpu.memory_space<vmem>>
      %dma_start3A_543 = arith.constant 0 : i32
      %dma_start3A_544 = tpu.memref_slice %arg5[%squeeze3A_533, %dma_start3A_543] : memref<1000x32xf32, #tpu.memory_space<hbm>> -> memref<1x32xf32, #tpu.memory_space<hbm>>
      %dma_start3A_545 = tpu.memref_squeeze %dma_start3A_544 : memref<1x32xf32, #tpu.memory_space<hbm>> -> memref<32xf32, #tpu.memory_space<hbm>>
      tpu.enqueue_dma source(%dma_start3A_545 : memref<32xf32, #tpu.memory_space<hbm>>) target(%dma_start3A_542 : memref<32xf32, #tpu.memory_space<vmem>>) target_semaphore(%arg17 : memref<!tpu.dma_semaphore, #tpu.memory_space<semaphore_mem>>)
    }
    %scan3A_7 = arith.constant 32 : i32
    %dma_wait3A = arith.constant 0 : i32
    %dma_wait3A_8 = arith.constant 0 : i32
    %dma_wait3A_9 = tpu.memref_slice %arg4[%dma_wait3A, %dma_wait3A_8] : memref<1000000x32xf32, #tpu.memory_space<hbm>> -> memref<128x32xf32, #tpu.memory_space<hbm>>
    %dma_wait3A_10 = arith.constant 0 : i32
    %dma_wait3A_11 = arith.constant 0 : i32
    %dma_wait3A_12 = tpu.memref_slice %arg4[%dma_wait3A_10, %dma_wait3A_11] : memref<1000000x32xf32, #tpu.memory_space<hbm>> -> memref<128x32xf32, #tpu.memory_space<hbm>>
    tpu.wait_dma2 semaphore(%arg16 : memref<!tpu.dma_semaphore, #tpu.memory_space<semaphore_mem>>) src(%dma_wait3A_12 : memref<128x32xf32, #tpu.memory_space<hbm>>) dst(%arg11 : memref<128x128xf32, #tpu.memory_space<vmem>>)
    %dma_wait3A_13 = arith.constant 0 : i32
    %dma_wait3A_14 = arith.constant 0 : i32
    %dma_wait3A_15 = tpu.memref_slice %arg5[%dma_wait3A_13, %dma_wait3A_14] : memref<1000x32xf32, #tpu.memory_space<hbm>> -> memref<128x32xf32, #tpu.memory_space<hbm>>
    %dma_wait3A_16 = arith.constant 0 : i32
    %dma_wait3A_17 = arith.constant 0 : i32
    %dma_wait3A_18 = tpu.memref_slice %arg5[%dma_wait3A_16, %dma_wait3A_17] : memref<1000x32xf32, #tpu.memory_space<hbm>> -> memref<128x32xf32, #tpu.memory_space<hbm>>
    tpu.wait_dma2 semaphore(%arg17 : memref<!tpu.dma_semaphore, #tpu.memory_space<semaphore_mem>>) src(%dma_wait3A_18 : memref<128x32xf32, #tpu.memory_space<hbm>>) dst(%arg12 : memref<128x128xf32, #tpu.memory_space<vmem>>)
    %iota3A = tpu.iota {dimensions = array<i32: 0>} : vector<16xi32>
    %get3A = arith.constant 0 : index
    %get3A_19 = tpu.vector_load %arg13[%get3A] {strides = array<i32>} : memref<16xf32, #tpu.memory_space<vmem>>, vector<16xf32>,
    %get3A_20 = arith.constant 0 : index
    %get3A_21 = tpu.vector_load %arg14[%get3A_20] {strides = array<i32>} : memref<16xf32, #tpu.memory_space<vmem>>, vector<16xf32>,
    %scan3A_22 = arith.constant 0 : i32
    %scan3A_23 = arith.constant 0 : i32
    %scan3A_24 = arith.constant 32 : i32
    %scan3A_25 = arith.addi %scan3A_23, %scan3A_24 : i32
    %scan3A_26 = arith.constant 1 : i32
    scf.for %scan3A_28 = %scan3A_23 to %scan3A_25 step %scan3A_26  : i32 {
      %mul3A_29 = arith.constant 16 : i32
      %mul3A_30 = arith.muli %scan3A_28, %mul3A_29 : i32
      %add3A_31 = vector.broadcast %mul3A_30 : i32 to vector<16xi32>
      %add3A_32 = arith.addi %add3A_31, %iota3A : vector<16xi32>
      %shift_right_arithmetic3A = arith.constant 2 : i32
      %shift_right_arithmetic3A_33 = vector.broadcast %shift_right_arithmetic3A : i32 to vector<16xi32>
      %shift_right_arithmetic3A_34 = arith.shrsi %add3A_32, %shift_right_arithmetic3A_33 : vector<16xi32>
      %and3A = arith.constant 3 : i32
      %and3A_35 = vector.broadcast %and3A : i32 to vector<16xi32>
      %and3A_36 = arith.andi %add3A_32, %and3A_35 : vector<16xi32>
      %mul3A_37 = arith.constant 32 : i32
      %mul3A_38 = vector.broadcast %mul3A_37 : i32 to vector<16xi32>
      %mul3A_39 = arith.muli %and3A_36, %mul3A_38 : vector<16xi32>
      %broadcast_in_dim3A = arith.constant 0.000000e+00 : f32
      %broadcast_in_dim3A_40 = vector.broadcast %broadcast_in_dim3A : f32 to vector<16xf32>
      %broadcast_in_dim3A_41 = arith.constant 0.000000e+00 : f32
      %broadcast_in_dim3A_42 = vector.broadcast %broadcast_in_dim3A_41 : f32 to vector<16xf32>
      %broadcast_in_dim3A_43 = arith.constant 0.000000e+00 : f32
      %broadcast_in_dim3A_44 = vector.broadcast %broadcast_in_dim3A_43 : f32 to vector<16xf32>
      %add3A_45 = arith.constant 0 : i32
      %add3A_46 = vector.broadcast %add3A_45 : i32 to vector<16xi32>
      %add3A_47 = arith.addi %mul3A_39, %add3A_46 : vector<16xi32>
      %gather3A = tpu.vector_load_idx %arg11[%shift_right_arithmetic3A_34, %add3A_47] : memref<128x128xf32, #tpu.memory_space<vmem>>[vector<16xi32>, vector<16xi32>], vector<16xf32>,
      %add3A_48 = arith.constant 0 : i32
      %add3A_49 = vector.broadcast %add3A_48 : i32 to vector<16xi32>
      %add3A_50 = arith.addi %mul3A_39, %add3A_49 : vector<16xi32>
      %gather3A_51 = tpu.vector_load_idx %arg12[%shift_right_arithmetic3A_34, %add3A_50] : memref<128x128xf32, #tpu.memory_space<vmem>>[vector<16xi32>, vector<16xi32>], vector<16xf32>,
      %mul3A_52 = arith.mulf %gather3A, %gather3A_51 : vector<16xf32>
      %add3A_53 = arith.addf %broadcast_in_dim3A_40, %mul3A_52 : vector<16xf32>
      %mul3A_54 = arith.mulf %gather3A, %gather3A : vector<16xf32>
      %add3A_55 = arith.addf %broadcast_in_dim3A_42, %mul3A_54 : vector<16xf32>
      %mul3A_56 = arith.mulf %gather3A_51, %gather3A_51 : vector<16xf32>
      %add3A_57 = arith.addf %broadcast_in_dim3A_44, %mul3A_56 : vector<16xf32>
      %add3A_58 = arith.constant 1 : i32
      %add3A_59 = vector.broadcast %add3A_58 : i32 to vector<16xi32>
      %add3A_60 = arith.addi %mul3A_39, %add3A_59 : vector<16xi32>
      %gather3A_61 = tpu.vector_load_idx %arg11[%shift_right_arithmetic3A_34, %add3A_60] : memref<128x128xf32, #tpu.memory_space<vmem>>[vector<16xi32>, vector<16xi32>], vector<16xf32>,
      %add3A_62 = arith.constant 1 : i32
      %add3A_63 = vector.broadcast %add3A_62 : i32 to vector<16xi32>
      %add3A_64 = arith.addi %mul3A_39, %add3A_63 : vector<16xi32>
      %gather3A_65 = tpu.vector_load_idx %arg12[%shift_right_arithmetic3A_34, %add3A_64] : memref<128x128xf32, #tpu.memory_space<vmem>>[vector<16xi32>, vector<16xi32>], vector<16xf32>,
      %mul3A_66 = arith.mulf %gather3A_61, %gather3A_65 : vector<16xf32>
      %add3A_67 = arith.addf %add3A_53, %mul3A_66 : vector<16xf32>
      %mul3A_68 = arith.mulf %gather3A_61, %gather3A_61 : vector<16xf32>
      %add3A_69 = arith.addf %add3A_55, %mul3A_68 : vector<16xf32>
      %mul3A_70 = arith.mulf %gather3A_65, %gather3A_65 : vector<16xf32>
      %add3A_71 = arith.addf %add3A_57, %mul3A_70 : vector<16xf32>
      %add3A_72 = arith.constant 2 : i32
      %add3A_73 = vector.broadcast %add3A_72 : i32 to vector<16xi32>
      %add3A_74 = arith.addi %mul3A_39, %add3A_73 : vector<16xi32>
      %gather3A_75 = tpu.vector_load_idx %arg11[%shift_right_arithmetic3A_34, %add3A_74] : memref<128x128xf32, #tpu.memory_space<vmem>>[vector<16xi32>, vector<16xi32>], vector<16xf32>,
      %add3A_76 = arith.constant 2 : i32
      %add3A_77 = vector.broadcast %add3A_76 : i32 to vector<16xi32>
      %add3A_78 = arith.addi %mul3A_39, %add3A_77 : vector<16xi32>
      %gather3A_79 = tpu.vector_load_idx %arg12[%shift_right_arithmetic3A_34, %add3A_78] : memref<128x128xf32, #tpu.memory_space<vmem>>[vector<16xi32>, vector<16xi32>], vector<16xf32>,
      %mul3A_80 = arith.mulf %gather3A_75, %gather3A_79 : vector<16xf32>
      %add3A_81 = arith.addf %add3A_67, %mul3A_80 : vector<16xf32>
      %mul3A_82 = arith.mulf %gather3A_75, %gather3A_75 : vector<16xf32>
      %add3A_83 = arith.addf %add3A_69, %mul3A_82 : vector<16xf32>
      %mul3A_84 = arith.mulf %gather3A_79, %gather3A_79 : vector<16xf32>
      %add3A_85 = arith.addf %add3A_71, %mul3A_84 : vector<16xf32>
      %add3A_86 = arith.constant 3 : i32
      %add3A_87 = vector.broadcast %add3A_86 : i32 to vector<16xi32>
      %add3A_88 = arith.addi %mul3A_39, %add3A_87 : vector<16xi32>
      %gather3A_89 = tpu.vector_load_idx %arg11[%shift_right_arithmetic3A_34, %add3A_88] : memref<128x128xf32, #tpu.memory_space<vmem>>[vector<16xi32>, vector<16xi32>], vector<16xf32>,
      %add3A_90 = arith.constant 3 : i32
      %add3A_91 = vector.broadcast %add3A_90 : i32 to vector<16xi32>
      %add3A_92 = arith.addi %mul3A_39, %add3A_91 : vector<16xi32>
      %gather3A_93 = tpu.vector_load_idx %arg12[%shift_right_arithmetic3A_34, %add3A_92] : memref<128x128xf32, #tpu.memory_space<vmem>>[vector<16xi32>, vector<16xi32>], vector<16xf32>,
      %mul3A_94 = arith.mulf %gather3A_89, %gather3A_93 : vector<16xf32>
      %add3A_95 = arith.addf %add3A_81, %mul3A_94 : vector<16xf32>
      %mul3A_96 = arith.mulf %gather3A_89, %gather3A_89 : vector<16xf32>
      %add3A_97 = arith.addf %add3A_83, %mul3A_96 : vector<16xf32>
      %mul3A_98 = arith.mulf %gather3A_93, %gather3A_93 : vector<16xf32>
      %add3A_99 = arith.addf %add3A_85, %mul3A_98 : vector<16xf32>
      %add3A_100 = arith.constant 4 : i32
      %add3A_101 = vector.broadcast %add3A_100 : i32 to vector<16xi32>
      %add3A_102 = arith.addi %mul3A_39, %add3A_101 : vector<16xi32>
      %gather3A_103 = tpu.vector_load_idx %arg11[%shift_right_arithmetic3A_34, %add3A_102] : memref<128x128xf32, #tpu.memory_space<vmem>>[vector<16xi32>, vector<16xi32>], vector<16xf32>,
      %add3A_104 = arith.constant 4 : i32
      %add3A_105 = vector.broadcast %add3A_104 : i32 to vector<16xi32>
      %add3A_106 = arith.addi %mul3A_39, %add3A_105 : vector<16xi32>
      %gather3A_107 = tpu.vector_load_idx %arg12[%shift_right_arithmetic3A_34, %add3A_106] : memref<128x128xf32, #tpu.memory_space<vmem>>[vector<16xi32>, vector<16xi32>], vector<16xf32>,
      %mul3A_108 = arith.mulf %gather3A_103, %gather3A_107 : vector<16xf32>
      %add3A_109 = arith.addf %add3A_95, %mul3A_108 : vector<16xf32>
      %mul3A_110 = arith.mulf %gather3A_103, %gather3A_103 : vector<16xf32>
      %add3A_111 = arith.addf %add3A_97, %mul3A_110 : vector<16xf32>
      %mul3A_112 = arith.mulf %gather3A_107, %gather3A_107 : vector<16xf32>
      %add3A_113 = arith.addf %add3A_99, %mul3A_112 : vector<16xf32>
      %add3A_114 = arith.constant 5 : i32
      %add3A_115 = vector.broadcast %add3A_114 : i32 to vector<16xi32>
      %add3A_116 = arith.addi %mul3A_39, %add3A_115 : vector<16xi32>
      %gather3A_117 = tpu.vector_load_idx %arg11[%shift_right_arithmetic3A_34, %add3A_116] : memref<128x128xf32, #tpu.memory_space<vmem>>[vector<16xi32>, vector<16xi32>], vector<16xf32>,
      %add3A_118 = arith.constant 5 : i32
      %add3A_119 = vector.broadcast %add3A_118 : i32 to vector<16xi32>
      %add3A_120 = arith.addi %mul3A_39, %add3A_119 : vector<16xi32>
      %gather3A_121 = tpu.vector_load_idx %arg12[%shift_right_arithmetic3A_34, %add3A_120] : memref<128x128xf32, #tpu.memory_space<vmem>>[vector<16xi32>, vector<16xi32>], vector<16xf32>,
      %mul3A_122 = arith.mulf %gather3A_117, %gather3A_121 : vector<16xf32>
      %add3A_123 = arith.addf %add3A_109, %mul3A_122 : vector<16xf32>
      %mul3A_124 = arith.mulf %gather3A_117, %gather3A_117 : vector<16xf32>
      %add3A_125 = arith.addf %add3A_111, %mul3A_124 : vector<16xf32>
      %mul3A_126 = arith.mulf %gather3A_121, %gather3A_121 : vector<16xf32>
      %add3A_127 = arith.addf %add3A_113, %mul3A_126 : vector<16xf32>
      %add3A_128 = arith.constant 6 : i32
      %add3A_129 = vector.broadcast %add3A_128 : i32 to vector<16xi32>
      %add3A_130 = arith.addi %mul3A_39, %add3A_129 : vector<16xi32>
      %gather3A_131 = tpu.vector_load_idx %arg11[%shift_right_arithmetic3A_34, %add3A_130] : memref<128x128xf32, #tpu.memory_space<vmem>>[vector<16xi32>, vector<16xi32>], vector<16xf32>,
      %add3A_132 = arith.constant 6 : i32
      %add3A_133 = vector.broadcast %add3A_132 : i32 to vector<16xi32>
      %add3A_134 = arith.addi %mul3A_39, %add3A_133 : vector<16xi32>
      %gather3A_135 = tpu.vector_load_idx %arg12[%shift_right_arithmetic3A_34, %add3A_134] : memref<128x128xf32, #tpu.memory_space<vmem>>[vector<16xi32>, vector<16xi32>], vector<16xf32>,
      %mul3A_136 = arith.mulf %gather3A_131, %gather3A_135 : vector<16xf32>
      %add3A_137 = arith.addf %add3A_123, %mul3A_136 : vector<16xf32>
      %mul3A_138 = arith.mulf %gather3A_131, %gather3A_131 : vector<16xf32>
      %add3A_139 = arith.addf %add3A_125, %mul3A_138 : vector<16xf32>
      %mul3A_140 = arith.mulf %gather3A_135, %gather3A_135 : vector<16xf32>
      %add3A_141 = arith.addf %add3A_127, %mul3A_140 : vector<16xf32>
      %add3A_142 = arith.constant 7 : i32
      %add3A_143 = vector.broadcast %add3A_142 : i32 to vector<16xi32>
      %add3A_144 = arith.addi %mul3A_39, %add3A_143 : vector<16xi32>
      %gather3A_145 = tpu.vector_load_idx %arg11[%shift_right_arithmetic3A_34, %add3A_144] : memref<128x128xf32, #tpu.memory_space<vmem>>[vector<16xi32>, vector<16xi32>], vector<16xf32>,
      %add3A_146 = arith.constant 7 : i32
      %add3A_147 = vector.broadcast %add3A_146 : i32 to vector<16xi32>
      %add3A_148 = arith.addi %mul3A_39, %add3A_147 : vector<16xi32>
      %gather3A_149 = tpu.vector_load_idx %arg12[%shift_right_arithmetic3A_34, %add3A_148] : memref<128x128xf32, #tpu.memory_space<vmem>>[vector<16xi32>, vector<16xi32>], vector<16xf32>,
      %mul3A_150 = arith.mulf %gather3A_145, %gather3A_149 : vector<16xf32>
      %add3A_151 = arith.addf %add3A_137, %mul3A_150 : vector<16xf32>
      %mul3A_152 = arith.mulf %gather3A_145, %gather3A_145 : vector<16xf32>
      %add3A_153 = arith.addf %add3A_139, %mul3A_152 : vector<16xf32>
      %mul3A_154 = arith.mulf %gather3A_149, %gather3A_149 : vector<16xf32>
      %add3A_155 = arith.addf %add3A_141, %mul3A_154 : vector<16xf32>
      %add3A_156 = arith.constant 8 : i32
      %add3A_157 = vector.broadcast %add3A_156 : i32 to vector<16xi32>
      %add3A_158 = arith.addi %mul3A_39, %add3A_157 : vector<16xi32>
      %gather3A_159 = tpu.vector_load_idx %arg11[%shift_right_arithmetic3A_34, %add3A_158] : memref<128x128xf32, #tpu.memory_space<vmem>>[vector<16xi32>, vector<16xi32>], vector<16xf32>,
      %add3A_160 = arith.constant 8 : i32
      %add3A_161 = vector.broadcast %add3A_160 : i32 to vector<16xi32>
      %add3A_162 = arith.addi %mul3A_39, %add3A_161 : vector<16xi32>
      %gather3A_163 = tpu.vector_load_idx %arg12[%shift_right_arithmetic3A_34, %add3A_162] : memref<128x128xf32, #tpu.memory_space<vmem>>[vector<16xi32>, vector<16xi32>], vector<16xf32>,
      %mul3A_164 = arith.mulf %gather3A_159, %gather3A_163 : vector<16xf32>
      %add3A_165 = arith.addf %add3A_151, %mul3A_164 : vector<16xf32>
      %mul3A_166 = arith.mulf %gather3A_159, %gather3A_159 : vector<16xf32>
      %add3A_167 = arith.addf %add3A_153, %mul3A_166 : vector<16xf32>
      %mul3A_168 = arith.mulf %gather3A_163, %gather3A_163 : vector<16xf32>
      %add3A_169 = arith.addf %add3A_155, %mul3A_168 : vector<16xf32>
      %add3A_170 = arith.constant 9 : i32
      %add3A_171 = vector.broadcast %add3A_170 : i32 to vector<16xi32>
      %add3A_172 = arith.addi %mul3A_39, %add3A_171 : vector<16xi32>
      %gather3A_173 = tpu.vector_load_idx %arg11[%shift_right_arithmetic3A_34, %add3A_172] : memref<128x128xf32, #tpu.memory_space<vmem>>[vector<16xi32>, vector<16xi32>], vector<16xf32>,
      %add3A_174 = arith.constant 9 : i32
      %add3A_175 = vector.broadcast %add3A_174 : i32 to vector<16xi32>
      %add3A_176 = arith.addi %mul3A_39, %add3A_175 : vector<16xi32>
      %gather3A_177 = tpu.vector_load_idx %arg12[%shift_right_arithmetic3A_34, %add3A_176] : memref<128x128xf32, #tpu.memory_space<vmem>>[vector<16xi32>, vector<16xi32>], vector<16xf32>,
      %mul3A_178 = arith.mulf %gather3A_173, %gather3A_177 : vector<16xf32>
      %add3A_179 = arith.addf %add3A_165, %mul3A_178 : vector<16xf32>
      %mul3A_180 = arith.mulf %gather3A_173, %gather3A_173 : vector<16xf32>
      %add3A_181 = arith.addf %add3A_167, %mul3A_180 : vector<16xf32>
      %mul3A_182 = arith.mulf %gather3A_177, %gather3A_177 : vector<16xf32>
      %add3A_183 = arith.addf %add3A_169, %mul3A_182 : vector<16xf32>
      %add3A_184 = arith.constant 10 : i32
      %add3A_185 = vector.broadcast %add3A_184 : i32 to vector<16xi32>
      %add3A_186 = arith.addi %mul3A_39, %add3A_185 : vector<16xi32>
      %gather3A_187 = tpu.vector_load_idx %arg11[%shift_right_arithmetic3A_34, %add3A_186] : memref<128x128xf32, #tpu.memory_space<vmem>>[vector<16xi32>, vector<16xi32>], vector<16xf32>,
      %add3A_188 = arith.constant 10 : i32
      %add3A_189 = vector.broadcast %add3A_188 : i32 to vector<16xi32>
      %add3A_190 = arith.addi %mul3A_39, %add3A_189 : vector<16xi32>
      %gather3A_191 = tpu.vector_load_idx %arg12[%shift_right_arithmetic3A_34, %add3A_190] : memref<128x128xf32, #tpu.memory_space<vmem>>[vector<16xi32>, vector<16xi32>], vector<16xf32>,
      %mul3A_192 = arith.mulf %gather3A_187, %gather3A_191 : vector<16xf32>
      %add3A_193 = arith.addf %add3A_179, %mul3A_192 : vector<16xf32>
      %mul3A_194 = arith.mulf %gather3A_187, %gather3A_187 : vector<16xf32>
      %add3A_195 = arith.addf %add3A_181, %mul3A_194 : vector<16xf32>
      %mul3A_196 = arith.mulf %gather3A_191, %gather3A_191 : vector<16xf32>
      %add3A_197 = arith.addf %add3A_183, %mul3A_196 : vector<16xf32>
      %add3A_198 = arith.constant 11 : i32
      %add3A_199 = vector.broadcast %add3A_198 : i32 to vector<16xi32>
      %add3A_200 = arith.addi %mul3A_39, %add3A_199 : vector<16xi32>
      %gather3A_201 = tpu.vector_load_idx %arg11[%shift_right_arithmetic3A_34, %add3A_200] : memref<128x128xf32, #tpu.memory_space<vmem>>[vector<16xi32>, vector<16xi32>], vector<16xf32>,
      %add3A_202 = arith.constant 11 : i32
      %add3A_203 = vector.broadcast %add3A_202 : i32 to vector<16xi32>
      %add3A_204 = arith.addi %mul3A_39, %add3A_203 : vector<16xi32>
      %gather3A_205 = tpu.vector_load_idx %arg12[%shift_right_arithmetic3A_34, %add3A_204] : memref<128x128xf32, #tpu.memory_space<vmem>>[vector<16xi32>, vector<16xi32>], vector<16xf32>,
      %mul3A_206 = arith.mulf %gather3A_201, %gather3A_205 : vector<16xf32>
      %add3A_207 = arith.addf %add3A_193, %mul3A_206 : vector<16xf32>
      %mul3A_208 = arith.mulf %gather3A_201, %gather3A_201 : vector<16xf32>
      %add3A_209 = arith.addf %add3A_195, %mul3A_208 : vector<16xf32>
      %mul3A_210 = arith.mulf %gather3A_205, %gather3A_205 : vector<16xf32>
      %add3A_211 = arith.addf %add3A_197, %mul3A_210 : vector<16xf32>
      %add3A_212 = arith.constant 12 : i32
      %add3A_213 = vector.broadcast %add3A_212 : i32 to vector<16xi32>
      %add3A_214 = arith.addi %mul3A_39, %add3A_213 : vector<16xi32>
      %gather3A_215 = tpu.vector_load_idx %arg11[%shift_right_arithmetic3A_34, %add3A_214] : memref<128x128xf32, #tpu.memory_space<vmem>>[vector<16xi32>, vector<16xi32>], vector<16xf32>,
      %add3A_216 = arith.constant 12 : i32
      %add3A_217 = vector.broadcast %add3A_216 : i32 to vector<16xi32>
      %add3A_218 = arith.addi %mul3A_39, %add3A_217 : vector<16xi32>
      %gather3A_219 = tpu.vector_load_idx %arg12[%shift_right_arithmetic3A_34, %add3A_218] : memref<128x128xf32, #tpu.memory_space<vmem>>[vector<16xi32>, vector<16xi32>], vector<16xf32>,
      %mul3A_220 = arith.mulf %gather3A_215, %gather3A_219 : vector<16xf32>
      %add3A_221 = arith.addf %add3A_207, %mul3A_220 : vector<16xf32>
      %mul3A_222 = arith.mulf %gather3A_215, %gather3A_215 : vector<16xf32>
      %add3A_223 = arith.addf %add3A_209, %mul3A_222 : vector<16xf32>
      %mul3A_224 = arith.mulf %gather3A_219, %gather3A_219 : vector<16xf32>
      %add3A_225 = arith.addf %add3A_211, %mul3A_224 : vector<16xf32>
      %add3A_226 = arith.constant 13 : i32
      %add3A_227 = vector.broadcast %add3A_226 : i32 to vector<16xi32>
      %add3A_228 = arith.addi %mul3A_39, %add3A_227 : vector<16xi32>
      %gather3A_229 = tpu.vector_load_idx %arg11[%shift_right_arithmetic3A_34, %add3A_228] : memref<128x128xf32, #tpu.memory_space<vmem>>[vector<16xi32>, vector<16xi32>], vector<16xf32>,
      %add3A_230 = arith.constant 13 : i32
      %add3A_231 = vector.broadcast %add3A_230 : i32 to vector<16xi32>
      %add3A_232 = arith.addi %mul3A_39, %add3A_231 : vector<16xi32>
      %gather3A_233 = tpu.vector_load_idx %arg12[%shift_right_arithmetic3A_34, %add3A_232] : memref<128x128xf32, #tpu.memory_space<vmem>>[vector<16xi32>, vector<16xi32>], vector<16xf32>,
      %mul3A_234 = arith.mulf %gather3A_229, %gather3A_233 : vector<16xf32>
      %add3A_235 = arith.addf %add3A_221, %mul3A_234 : vector<16xf32>
      %mul3A_236 = arith.mulf %gather3A_229, %gather3A_229 : vector<16xf32>
      %add3A_237 = arith.addf %add3A_223, %mul3A_236 : vector<16xf32>
      %mul3A_238 = arith.mulf %gather3A_233, %gather3A_233 : vector<16xf32>
      %add3A_239 = arith.addf %add3A_225, %mul3A_238 : vector<16xf32>
      %add3A_240 = arith.constant 14 : i32
      %add3A_241 = vector.broadcast %add3A_240 : i32 to vector<16xi32>
      %add3A_242 = arith.addi %mul3A_39, %add3A_241 : vector<16xi32>
      %gather3A_243 = tpu.vector_load_idx %arg11[%shift_right_arithmetic3A_34, %add3A_242] : memref<128x128xf32, #tpu.memory_space<vmem>>[vector<16xi32>, vector<16xi32>], vector<16xf32>,
      %add3A_244 = arith.constant 14 : i32
      %add3A_245 = vector.broadcast %add3A_244 : i32 to vector<16xi32>
      %add3A_246 = arith.addi %mul3A_39, %add3A_245 : vector<16xi32>
      %gather3A_247 = tpu.vector_load_idx %arg12[%shift_right_arithmetic3A_34, %add3A_246] : memref<128x128xf32, #tpu.memory_space<vmem>>[vector<16xi32>, vector<16xi32>], vector<16xf32>,
      %mul3A_248 = arith.mulf %gather3A_243, %gather3A_247 : vector<16xf32>
      %add3A_249 = arith.addf %add3A_235, %mul3A_248 : vector<16xf32>
      %mul3A_250 = arith.mulf %gather3A_243, %gather3A_243 : vector<16xf32>
      %add3A_251 = arith.addf %add3A_237, %mul3A_250 : vector<16xf32>
      %mul3A_252 = arith.mulf %gather3A_247, %gather3A_247 : vector<16xf32>
      %add3A_253 = arith.addf %add3A_239, %mul3A_252 : vector<16xf32>
      %add3A_254 = arith.constant 15 : i32
      %add3A_255 = vector.broadcast %add3A_254 : i32 to vector<16xi32>
      %add3A_256 = arith.addi %mul3A_39, %add3A_255 : vector<16xi32>
      %gather3A_257 = tpu.vector_load_idx %arg11[%shift_right_arithmetic3A_34, %add3A_256] : memref<128x128xf32, #tpu.memory_space<vmem>>[vector<16xi32>, vector<16xi32>], vector<16xf32>,
      %add3A_258 = arith.constant 15 : i32
      %add3A_259 = vector.broadcast %add3A_258 : i32 to vector<16xi32>
      %add3A_260 = arith.addi %mul3A_39, %add3A_259 : vector<16xi32>
      %gather3A_261 = tpu.vector_load_idx %arg12[%shift_right_arithmetic3A_34, %add3A_260] : memref<128x128xf32, #tpu.memory_space<vmem>>[vector<16xi32>, vector<16xi32>], vector<16xf32>,
      %mul3A_262 = arith.mulf %gather3A_257, %gather3A_261 : vector<16xf32>
      %add3A_263 = arith.addf %add3A_249, %mul3A_262 : vector<16xf32>
      %mul3A_264 = arith.mulf %gather3A_257, %gather3A_257 : vector<16xf32>
      %add3A_265 = arith.addf %add3A_251, %mul3A_264 : vector<16xf32>
      %mul3A_266 = arith.mulf %gather3A_261, %gather3A_261 : vector<16xf32>
      %add3A_267 = arith.addf %add3A_253, %mul3A_266 : vector<16xf32>
      %add3A_268 = arith.constant 16 : i32
      %add3A_269 = vector.broadcast %add3A_268 : i32 to vector<16xi32>
      %add3A_270 = arith.addi %mul3A_39, %add3A_269 : vector<16xi32>
      %gather3A_271 = tpu.vector_load_idx %arg11[%shift_right_arithmetic3A_34, %add3A_270] : memref<128x128xf32, #tpu.memory_space<vmem>>[vector<16xi32>, vector<16xi32>], vector<16xf32>,
      %add3A_272 = arith.constant 16 : i32
      %add3A_273 = vector.broadcast %add3A_272 : i32 to vector<16xi32>
      %add3A_274 = arith.addi %mul3A_39, %add3A_273 : vector<16xi32>
      %gather3A_275 = tpu.vector_load_idx %arg12[%shift_right_arithmetic3A_34, %add3A_274] : memref<128x128xf32, #tpu.memory_space<vmem>>[vector<16xi32>, vector<16xi32>], vector<16xf32>,
      %mul3A_276 = arith.mulf %gather3A_271, %gather3A_275 : vector<16xf32>
      %add3A_277 = arith.addf %add3A_263, %mul3A_276 : vector<16xf32>
      %mul3A_278 = arith.mulf %gather3A_271, %gather3A_271 : vector<16xf32>
      %add3A_279 = arith.addf %add3A_265, %mul3A_278 : vector<16xf32>
      %mul3A_280 = arith.mulf %gather3A_275, %gather3A_275 : vector<16xf32>
      %add3A_281 = arith.addf %add3A_267, %mul3A_280 : vector<16xf32>
      %add3A_282 = arith.constant 17 : i32
      %add3A_283 = vector.broadcast %add3A_282 : i32 to vector<16xi32>
      %add3A_284 = arith.addi %mul3A_39, %add3A_283 : vector<16xi32>
      %gather3A_285 = tpu.vector_load_idx %arg11[%shift_right_arithmetic3A_34, %add3A_284] : memref<128x128xf32, #tpu.memory_space<vmem>>[vector<16xi32>, vector<16xi32>], vector<16xf32>,
      %add3A_286 = arith.constant 17 : i32
      %add3A_287 = vector.broadcast %add3A_286 : i32 to vector<16xi32>
      %add3A_288 = arith.addi %mul3A_39, %add3A_287 : vector<16xi32>
      %gather3A_289 = tpu.vector_load_idx %arg12[%shift_right_arithmetic3A_34, %add3A_288] : memref<128x128xf32, #tpu.memory_space<vmem>>[vector<16xi32>, vector<16xi32>], vector<16xf32>,
      %mul3A_290 = arith.mulf %gather3A_285, %gather3A_289 : vector<16xf32>
      %add3A_291 = arith.addf %add3A_277, %mul3A_290 : vector<16xf32>
      %mul3A_292 = arith.mulf %gather3A_285, %gather3A_285 : vector<16xf32>
      %add3A_293 = arith.addf %add3A_279, %mul3A_292 : vector<16xf32>
      %mul3A_294 = arith.mulf %gather3A_289, %gather3A_289 : vector<16xf32>
      %add3A_295 = arith.addf %add3A_281, %mul3A_294 : vector<16xf32>
      %add3A_296 = arith.constant 18 : i32
      %add3A_297 = vector.broadcast %add3A_296 : i32 to vector<16xi32>
      %add3A_298 = arith.addi %mul3A_39, %add3A_297 : vector<16xi32>
      %gather3A_299 = tpu.vector_load_idx %arg11[%shift_right_arithmetic3A_34, %add3A_298] : memref<128x128xf32, #tpu.memory_space<vmem>>[vector<16xi32>, vector<16xi32>], vector<16xf32>,
      %add3A_300 = arith.constant 18 : i32
      %add3A_301 = vector.broadcast %add3A_300 : i32 to vector<16xi32>
      %add3A_302 = arith.addi %mul3A_39, %add3A_301 : vector<16xi32>
      %gather3A_303 = tpu.vector_load_idx %arg12[%shift_right_arithmetic3A_34, %add3A_302] : memref<128x128xf32, #tpu.memory_space<vmem>>[vector<16xi32>, vector<16xi32>], vector<16xf32>,
      %mul3A_304 = arith.mulf %gather3A_299, %gather3A_303 : vector<16xf32>
      %add3A_305 = arith.addf %add3A_291, %mul3A_304 : vector<16xf32>
      %mul3A_306 = arith.mulf %gather3A_299, %gather3A_299 : vector<16xf32>
      %add3A_307 = arith.addf %add3A_293, %mul3A_306 : vector<16xf32>
      %mul3A_308 = arith.mulf %gather3A_303, %gather3A_303 : vector<16xf32>
      %add3A_309 = arith.addf %add3A_295, %mul3A_308 : vector<16xf32>
      %add3A_310 = arith.constant 19 : i32
      %add3A_311 = vector.broadcast %add3A_310 : i32 to vector<16xi32>
      %add3A_312 = arith.addi %mul3A_39, %add3A_311 : vector<16xi32>
      %gather3A_313 = tpu.vector_load_idx %arg11[%shift_right_arithmetic3A_34, %add3A_312] : memref<128x128xf32, #tpu.memory_space<vmem>>[vector<16xi32>, vector<16xi32>], vector<16xf32>,
      %add3A_314 = arith.constant 19 : i32
      %add3A_315 = vector.broadcast %add3A_314 : i32 to vector<16xi32>
      %add3A_316 = arith.addi %mul3A_39, %add3A_315 : vector<16xi32>
      %gather3A_317 = tpu.vector_load_idx %arg12[%shift_right_arithmetic3A_34, %add3A_316] : memref<128x128xf32, #tpu.memory_space<vmem>>[vector<16xi32>, vector<16xi32>], vector<16xf32>,
      %mul3A_318 = arith.mulf %gather3A_313, %gather3A_317 : vector<16xf32>
      %add3A_319 = arith.addf %add3A_305, %mul3A_318 : vector<16xf32>
      %mul3A_320 = arith.mulf %gather3A_313, %gather3A_313 : vector<16xf32>
      %add3A_321 = arith.addf %add3A_307, %mul3A_320 : vector<16xf32>
      %mul3A_322 = arith.mulf %gather3A_317, %gather3A_317 : vector<16xf32>
      %add3A_323 = arith.addf %add3A_309, %mul3A_322 : vector<16xf32>
      %add3A_324 = arith.constant 20 : i32
      %add3A_325 = vector.broadcast %add3A_324 : i32 to vector<16xi32>
      %add3A_326 = arith.addi %mul3A_39, %add3A_325 : vector<16xi32>
      %gather3A_327 = tpu.vector_load_idx %arg11[%shift_right_arithmetic3A_34, %add3A_326] : memref<128x128xf32, #tpu.memory_space<vmem>>[vector<16xi32>, vector<16xi32>], vector<16xf32>,
      %add3A_328 = arith.constant 20 : i32
      %add3A_329 = vector.broadcast %add3A_328 : i32 to vector<16xi32>
      %add3A_330 = arith.addi %mul3A_39, %add3A_329 : vector<16xi32>
      %gather3A_331 = tpu.vector_load_idx %arg12[%shift_right_arithmetic3A_34, %add3A_330] : memref<128x128xf32, #tpu.memory_space<vmem>>[vector<16xi32>, vector<16xi32>], vector<16xf32>,
      %mul3A_332 = arith.mulf %gather3A_327, %gather3A_331 : vector<16xf32>
      %add3A_333 = arith.addf %add3A_319, %mul3A_332 : vector<16xf32>
      %mul3A_334 = arith.mulf %gather3A_327, %gather3A_327 : vector<16xf32>
      %add3A_335 = arith.addf %add3A_321, %mul3A_334 : vector<16xf32>
      %mul3A_336 = arith.mulf %gather3A_331, %gather3A_331 : vector<16xf32>
      %add3A_337 = arith.addf %add3A_323, %mul3A_336 : vector<16xf32>
      %add3A_338 = arith.constant 21 : i32
      %add3A_339 = vector.broadcast %add3A_338 : i32 to vector<16xi32>
      %add3A_340 = arith.addi %mul3A_39, %add3A_339 : vector<16xi32>
      %gather3A_341 = tpu.vector_load_idx %arg11[%shift_right_arithmetic3A_34, %add3A_340] : memref<128x128xf32, #tpu.memory_space<vmem>>[vector<16xi32>, vector<16xi32>], vector<16xf32>,
      %add3A_342 = arith.constant 21 : i32
      %add3A_343 = vector.broadcast %add3A_342 : i32 to vector<16xi32>
      %add3A_344 = arith.addi %mul3A_39, %add3A_343 : vector<16xi32>
      %gather3A_345 = tpu.vector_load_idx %arg12[%shift_right_arithmetic3A_34, %add3A_344] : memref<128x128xf32, #tpu.memory_space<vmem>>[vector<16xi32>, vector<16xi32>], vector<16xf32>,
      %mul3A_346 = arith.mulf %gather3A_341, %gather3A_345 : vector<16xf32>
      %add3A_347 = arith.addf %add3A_333, %mul3A_346 : vector<16xf32>
      %mul3A_348 = arith.mulf %gather3A_341, %gather3A_341 : vector<16xf32>
      %add3A_349 = arith.addf %add3A_335, %mul3A_348 : vector<16xf32>
      %mul3A_350 = arith.mulf %gather3A_345, %gather3A_345 : vector<16xf32>
      %add3A_351 = arith.addf %add3A_337, %mul3A_350 : vector<16xf32>
      %add3A_352 = arith.constant 22 : i32
      %add3A_353 = vector.broadcast %add3A_352 : i32 to vector<16xi32>
      %add3A_354 = arith.addi %mul3A_39, %add3A_353 : vector<16xi32>
      %gather3A_355 = tpu.vector_load_idx %arg11[%shift_right_arithmetic3A_34, %add3A_354] : memref<128x128xf32, #tpu.memory_space<vmem>>[vector<16xi32>, vector<16xi32>], vector<16xf32>,
      %add3A_356 = arith.constant 22 : i32
      %add3A_357 = vector.broadcast %add3A_356 : i32 to vector<16xi32>
      %add3A_358 = arith.addi %mul3A_39, %add3A_357 : vector<16xi32>
      %gather3A_359 = tpu.vector_load_idx %arg12[%shift_right_arithmetic3A_34, %add3A_358] : memref<128x128xf32, #tpu.memory_space<vmem>>[vector<16xi32>, vector<16xi32>], vector<16xf32>,
      %mul3A_360 = arith.mulf %gather3A_355, %gather3A_359 : vector<16xf32>
      %add3A_361 = arith.addf %add3A_347, %mul3A_360 : vector<16xf32>
      %mul3A_362 = arith.mulf %gather3A_355, %gather3A_355 : vector<16xf32>
      %add3A_363 = arith.addf %add3A_349, %mul3A_362 : vector<16xf32>
      %mul3A_364 = arith.mulf %gather3A_359, %gather3A_359 : vector<16xf32>
      %add3A_365 = arith.addf %add3A_351, %mul3A_364 : vector<16xf32>
      %add3A_366 = arith.constant 23 : i32
      %add3A_367 = vector.broadcast %add3A_366 : i32 to vector<16xi32>
      %add3A_368 = arith.addi %mul3A_39, %add3A_367 : vector<16xi32>
      %gather3A_369 = tpu.vector_load_idx %arg11[%shift_right_arithmetic3A_34, %add3A_368] : memref<128x128xf32, #tpu.memory_space<vmem>>[vector<16xi32>, vector<16xi32>], vector<16xf32>,
      %add3A_370 = arith.constant 23 : i32
      %add3A_371 = vector.broadcast %add3A_370 : i32 to vector<16xi32>
      %add3A_372 = arith.addi %mul3A_39, %add3A_371 : vector<16xi32>
      %gather3A_373 = tpu.vector_load_idx %arg12[%shift_right_arithmetic3A_34, %add3A_372] : memref<128x128xf32, #tpu.memory_space<vmem>>[vector<16xi32>, vector<16xi32>], vector<16xf32>,
      %mul3A_374 = arith.mulf %gather3A_369, %gather3A_373 : vector<16xf32>
      %add3A_375 = arith.addf %add3A_361, %mul3A_374 : vector<16xf32>
      %mul3A_376 = arith.mulf %gather3A_369, %gather3A_369 : vector<16xf32>
      %add3A_377 = arith.addf %add3A_363, %mul3A_376 : vector<16xf32>
      %mul3A_378 = arith.mulf %gather3A_373, %gather3A_373 : vector<16xf32>
      %add3A_379 = arith.addf %add3A_365, %mul3A_378 : vector<16xf32>
      %add3A_380 = arith.constant 24 : i32
      %add3A_381 = vector.broadcast %add3A_380 : i32 to vector<16xi32>
      %add3A_382 = arith.addi %mul3A_39, %add3A_381 : vector<16xi32>
      %gather3A_383 = tpu.vector_load_idx %arg11[%shift_right_arithmetic3A_34, %add3A_382] : memref<128x128xf32, #tpu.memory_space<vmem>>[vector<16xi32>, vector<16xi32>], vector<16xf32>,
      %add3A_384 = arith.constant 24 : i32
      %add3A_385 = vector.broadcast %add3A_384 : i32 to vector<16xi32>
      %add3A_386 = arith.addi %mul3A_39, %add3A_385 : vector<16xi32>
      %gather3A_387 = tpu.vector_load_idx %arg12[%shift_right_arithmetic3A_34, %add3A_386] : memref<128x128xf32, #tpu.memory_space<vmem>>[vector<16xi32>, vector<16xi32>], vector<16xf32>,
      %mul3A_388 = arith.mulf %gather3A_383, %gather3A_387 : vector<16xf32>
      %add3A_389 = arith.addf %add3A_375, %mul3A_388 : vector<16xf32>
      %mul3A_390 = arith.mulf %gather3A_383, %gather3A_383 : vector<16xf32>
      %add3A_391 = arith.addf %add3A_377, %mul3A_390 : vector<16xf32>
      %mul3A_392 = arith.mulf %gather3A_387, %gather3A_387 : vector<16xf32>
      %add3A_393 = arith.addf %add3A_379, %mul3A_392 : vector<16xf32>
      %add3A_394 = arith.constant 25 : i32
      %add3A_395 = vector.broadcast %add3A_394 : i32 to vector<16xi32>
      %add3A_396 = arith.addi %mul3A_39, %add3A_395 : vector<16xi32>
      %gather3A_397 = tpu.vector_load_idx %arg11[%shift_right_arithmetic3A_34, %add3A_396] : memref<128x128xf32, #tpu.memory_space<vmem>>[vector<16xi32>, vector<16xi32>], vector<16xf32>,
      %add3A_398 = arith.constant 25 : i32
      %add3A_399 = vector.broadcast %add3A_398 : i32 to vector<16xi32>
      %add3A_400 = arith.addi %mul3A_39, %add3A_399 : vector<16xi32>
      %gather3A_401 = tpu.vector_load_idx %arg12[%shift_right_arithmetic3A_34, %add3A_400] : memref<128x128xf32, #tpu.memory_space<vmem>>[vector<16xi32>, vector<16xi32>], vector<16xf32>,
      %mul3A_402 = arith.mulf %gather3A_397, %gather3A_401 : vector<16xf32>
      %add3A_403 = arith.addf %add3A_389, %mul3A_402 : vector<16xf32>
      %mul3A_404 = arith.mulf %gather3A_397, %gather3A_397 : vector<16xf32>
      %add3A_405 = arith.addf %add3A_391, %mul3A_404 : vector<16xf32>
      %mul3A_406 = arith.mulf %gather3A_401, %gather3A_401 : vector<16xf32>
      %add3A_407 = arith.addf %add3A_393, %mul3A_406 : vector<16xf32>
      %add3A_408 = arith.constant 26 : i32
      %add3A_409 = vector.broadcast %add3A_408 : i32 to vector<16xi32>
      %add3A_410 = arith.addi %mul3A_39, %add3A_409 : vector<16xi32>
      %gather3A_411 = tpu.vector_load_idx %arg11[%shift_right_arithmetic3A_34, %add3A_410] : memref<128x128xf32, #tpu.memory_space<vmem>>[vector<16xi32>, vector<16xi32>], vector<16xf32>,
      %add3A_412 = arith.constant 26 : i32
      %add3A_413 = vector.broadcast %add3A_412 : i32 to vector<16xi32>
      %add3A_414 = arith.addi %mul3A_39, %add3A_413 : vector<16xi32>
      %gather3A_415 = tpu.vector_load_idx %arg12[%shift_right_arithmetic3A_34, %add3A_414] : memref<128x128xf32, #tpu.memory_space<vmem>>[vector<16xi32>, vector<16xi32>], vector<16xf32>,
      %mul3A_416 = arith.mulf %gather3A_411, %gather3A_415 : vector<16xf32>
      %add3A_417 = arith.addf %add3A_403, %mul3A_416 : vector<16xf32>
      %mul3A_418 = arith.mulf %gather3A_411, %gather3A_411 : vector<16xf32>
      %add3A_419 = arith.addf %add3A_405, %mul3A_418 : vector<16xf32>
      %mul3A_420 = arith.mulf %gather3A_415, %gather3A_415 : vector<16xf32>
      %add3A_421 = arith.addf %add3A_407, %mul3A_420 : vector<16xf32>
      %add3A_422 = arith.constant 27 : i32
      %add3A_423 = vector.broadcast %add3A_422 : i32 to vector<16xi32>
      %add3A_424 = arith.addi %mul3A_39, %add3A_423 : vector<16xi32>
      %gather3A_425 = tpu.vector_load_idx %arg11[%shift_right_arithmetic3A_34, %add3A_424] : memref<128x128xf32, #tpu.memory_space<vmem>>[vector<16xi32>, vector<16xi32>], vector<16xf32>,
      %add3A_426 = arith.constant 27 : i32
      %add3A_427 = vector.broadcast %add3A_426 : i32 to vector<16xi32>
      %add3A_428 = arith.addi %mul3A_39, %add3A_427 : vector<16xi32>
      %gather3A_429 = tpu.vector_load_idx %arg12[%shift_right_arithmetic3A_34, %add3A_428] : memref<128x128xf32, #tpu.memory_space<vmem>>[vector<16xi32>, vector<16xi32>], vector<16xf32>,
      %mul3A_430 = arith.mulf %gather3A_425, %gather3A_429 : vector<16xf32>
      %add3A_431 = arith.addf %add3A_417, %mul3A_430 : vector<16xf32>
      %mul3A_432 = arith.mulf %gather3A_425, %gather3A_425 : vector<16xf32>
      %add3A_433 = arith.addf %add3A_419, %mul3A_432 : vector<16xf32>
      %mul3A_434 = arith.mulf %gather3A_429, %gather3A_429 : vector<16xf32>
      %add3A_435 = arith.addf %add3A_421, %mul3A_434 : vector<16xf32>
      %add3A_436 = arith.constant 28 : i32
      %add3A_437 = vector.broadcast %add3A_436 : i32 to vector<16xi32>
      %add3A_438 = arith.addi %mul3A_39, %add3A_437 : vector<16xi32>
      %gather3A_439 = tpu.vector_load_idx %arg11[%shift_right_arithmetic3A_34, %add3A_438] : memref<128x128xf32, #tpu.memory_space<vmem>>[vector<16xi32>, vector<16xi32>], vector<16xf32>,
      %add3A_440 = arith.constant 28 : i32
      %add3A_441 = vector.broadcast %add3A_440 : i32 to vector<16xi32>
      %add3A_442 = arith.addi %mul3A_39, %add3A_441 : vector<16xi32>
      %gather3A_443 = tpu.vector_load_idx %arg12[%shift_right_arithmetic3A_34, %add3A_442] : memref<128x128xf32, #tpu.memory_space<vmem>>[vector<16xi32>, vector<16xi32>], vector<16xf32>,
      %mul3A_444 = arith.mulf %gather3A_439, %gather3A_443 : vector<16xf32>
      %add3A_445 = arith.addf %add3A_431, %mul3A_444 : vector<16xf32>
      %mul3A_446 = arith.mulf %gather3A_439, %gather3A_439 : vector<16xf32>
      %add3A_447 = arith.addf %add3A_433, %mul3A_446 : vector<16xf32>
      %mul3A_448 = arith.mulf %gather3A_443, %gather3A_443 : vector<16xf32>
      %add3A_449 = arith.addf %add3A_435, %mul3A_448 : vector<16xf32>
      %add3A_450 = arith.constant 29 : i32
      %add3A_451 = vector.broadcast %add3A_450 : i32 to vector<16xi32>
      %add3A_452 = arith.addi %mul3A_39, %add3A_451 : vector<16xi32>
      %gather3A_453 = tpu.vector_load_idx %arg11[%shift_right_arithmetic3A_34, %add3A_452] : memref<128x128xf32, #tpu.memory_space<vmem>>[vector<16xi32>, vector<16xi32>], vector<16xf32>,
      %add3A_454 = arith.constant 29 : i32
      %add3A_455 = vector.broadcast %add3A_454 : i32 to vector<16xi32>
      %add3A_456 = arith.addi %mul3A_39, %add3A_455 : vector<16xi32>
      %gather3A_457 = tpu.vector_load_idx %arg12[%shift_right_arithmetic3A_34, %add3A_456] : memref<128x128xf32, #tpu.memory_space<vmem>>[vector<16xi32>, vector<16xi32>], vector<16xf32>,
      %mul3A_458 = arith.mulf %gather3A_453, %gather3A_457 : vector<16xf32>
      %add3A_459 = arith.addf %add3A_445, %mul3A_458 : vector<16xf32>
      %mul3A_460 = arith.mulf %gather3A_453, %gather3A_453 : vector<16xf32>
      %add3A_461 = arith.addf %add3A_447, %mul3A_460 : vector<16xf32>
      %mul3A_462 = arith.mulf %gather3A_457, %gather3A_457 : vector<16xf32>
      %add3A_463 = arith.addf %add3A_449, %mul3A_462 : vector<16xf32>
      %add3A_464 = arith.constant 30 : i32
      %add3A_465 = vector.broadcast %add3A_464 : i32 to vector<16xi32>
      %add3A_466 = arith.addi %mul3A_39, %add3A_465 : vector<16xi32>
      %gather3A_467 = tpu.vector_load_idx %arg11[%shift_right_arithmetic3A_34, %add3A_466] : memref<128x128xf32, #tpu.memory_space<vmem>>[vector<16xi32>, vector<16xi32>], vector<16xf32>,
      %add3A_468 = arith.constant 30 : i32
      %add3A_469 = vector.broadcast %add3A_468 : i32 to vector<16xi32>
      %add3A_470 = arith.addi %mul3A_39, %add3A_469 : vector<16xi32>
      %gather3A_471 = tpu.vector_load_idx %arg12[%shift_right_arithmetic3A_34, %add3A_470] : memref<128x128xf32, #tpu.memory_space<vmem>>[vector<16xi32>, vector<16xi32>], vector<16xf32>,
      %mul3A_472 = arith.mulf %gather3A_467, %gather3A_471 : vector<16xf32>
      %add3A_473 = arith.addf %add3A_459, %mul3A_472 : vector<16xf32>
      %mul3A_474 = arith.mulf %gather3A_467, %gather3A_467 : vector<16xf32>
      %add3A_475 = arith.addf %add3A_461, %mul3A_474 : vector<16xf32>
      %mul3A_476 = arith.mulf %gather3A_471, %gather3A_471 : vector<16xf32>
      %add3A_477 = arith.addf %add3A_463, %mul3A_476 : vector<16xf32>
      %add3A_478 = arith.constant 31 : i32
      %add3A_479 = vector.broadcast %add3A_478 : i32 to vector<16xi32>
      %add3A_480 = arith.addi %mul3A_39, %add3A_479 : vector<16xi32>
      %gather3A_481 = tpu.vector_load_idx %arg11[%shift_right_arithmetic3A_34, %add3A_480] : memref<128x128xf32, #tpu.memory_space<vmem>>[vector<16xi32>, vector<16xi32>], vector<16xf32>,
      %add3A_482 = arith.constant 31 : i32
      %add3A_483 = vector.broadcast %add3A_482 : i32 to vector<16xi32>
      %add3A_484 = arith.addi %mul3A_39, %add3A_483 : vector<16xi32>
      %gather3A_485 = tpu.vector_load_idx %arg12[%shift_right_arithmetic3A_34, %add3A_484] : memref<128x128xf32, #tpu.memory_space<vmem>>[vector<16xi32>, vector<16xi32>], vector<16xf32>,
      %mul3A_486 = arith.mulf %gather3A_481, %gather3A_485 : vector<16xf32>
      %add3A_487 = arith.addf %add3A_473, %mul3A_486 : vector<16xf32>
      %mul3A_488 = arith.mulf %gather3A_481, %gather3A_481 : vector<16xf32>
      %add3A_489 = arith.addf %add3A_475, %mul3A_488 : vector<16xf32>
      %mul3A_490 = arith.mulf %gather3A_485, %gather3A_485 : vector<16xf32>
      %add3A_491 = arith.addf %add3A_477, %mul3A_490 : vector<16xf32>
      %max3A = arith.constant 9.99999996E-13 : f32
      %max3A_492 = vector.broadcast %max3A : f32 to vector<16xf32>
      %max3A_493 = arith.maximumf %add3A_489, %max3A_492 : vector<16xf32>
      %max3A_494 = arith.constant 9.99999996E-13 : f32
      %max3A_495 = vector.broadcast %max3A_494 : f32 to vector<16xf32>
      %max3A_496 = arith.maximumf %add3A_491, %max3A_495 : vector<16xf32>
      %mul3A_497 = arith.mulf %max3A_493, %max3A_496 : vector<16xf32>
      %bitcast3A = vector.bitcast %mul3A_497 : vector<16xf32> to vector<16xi32>
      %shift_right_arithmetic3A_498 = arith.constant 1 : i32
      %shift_right_arithmetic3A_499 = vector.broadcast %shift_right_arithmetic3A_498 : i32 to vector<16xi32>
      %shift_right_arithmetic3A_500 = arith.shrsi %bitcast3A, %shift_right_arithmetic3A_499 : vector<16xi32>
      %sub3A = arith.constant 1597463007 : i32
      %sub3A_501 = vector.broadcast %sub3A : i32 to vector<16xi32>
      %sub3A_502 = arith.subi %sub3A_501, %shift_right_arithmetic3A_500 : vector<16xi32>
      %bitcast3A_503 = vector.bitcast %sub3A_502 : vector<16xi32> to vector<16xf32>
      %mul3A_504 = arith.constant 5.000000e-01 : f32
      %mul3A_505 = vector.broadcast %mul3A_504 : f32 to vector<16xf32>
      %mul3A_506 = arith.mulf %mul3A_505, %mul3A_497 : vector<16xf32>
      %mul3A_507 = arith.mulf %mul3A_506, %bitcast3A_503 : vector<16xf32>
      %mul3A_508 = arith.mulf %mul3A_507, %bitcast3A_503 : vector<16xf32>
      %sub3A_509 = arith.constant 1.500000e+00 : f32
      %sub3A_510 = vector.broadcast %sub3A_509 : f32 to vector<16xf32>
      %sub3A_511 = arith.subf %sub3A_510, %mul3A_508 : vector<16xf32>
      %mul3A_512 = arith.mulf %bitcast3A_503, %sub3A_511 : vector<16xf32>
      %mul3A_513 = arith.constant 5.000000e-01 : f32
      %mul3A_514 = vector.broadcast %mul3A_513 : f32 to vector<16xf32>
      %mul3A_515 = arith.mulf %mul3A_514, %mul3A_497 : vector<16xf32>
      %mul3A_516 = arith.mulf %mul3A_515, %mul3A_512 : vector<16xf32>
      %mul3A_517 = arith.mulf %mul3A_516, %mul3A_512 : vector<16xf32>
      %sub3A_518 = arith.constant 1.500000e+00 : f32
      %sub3A_519 = vector.broadcast %sub3A_518 : f32 to vector<16xf32>
      %sub3A_520 = arith.subf %sub3A_519, %mul3A_517 : vector<16xf32>
      %mul3A_521 = arith.mulf %mul3A_512, %sub3A_520 : vector<16xf32>
      %mul3A_522 = arith.constant 5.000000e-01 : f32
      %mul3A_523 = vector.broadcast %mul3A_522 : f32 to vector<16xf32>
      %mul3A_524 = arith.mulf %mul3A_523, %mul3A_497 : vector<16xf32>
      %mul3A_525 = arith.mulf %mul3A_524, %mul3A_521 : vector<16xf32>
      %mul3A_526 = arith.mulf %mul3A_525, %mul3A_521 : vector<16xf32>
      %sub3A_527 = arith.constant 1.500000e+00 : f32
      %sub3A_528 = vector.broadcast %sub3A_527 : f32 to vector<16xf32>
      %sub3A_529 = arith.subf %sub3A_528, %mul3A_526 : vector<16xf32>
      %mul3A_530 = arith.mulf %mul3A_521, %sub3A_529 : vector<16xf32>
      %mul3A_531 = arith.mulf %add3A_487, %mul3A_530 : vector<16xf32>
      %mul3A_532 = arith.mulf %mul3A_531, %get3A_19 : vector<16xf32>
      %add3A_533 = arith.addf %mul3A_532, %get3A_21 : vector<16xf32>
      %neg3A = arith.constant 0.000000e+00 : f32
      %neg3A_534 = vector.broadcast %neg3A : f32 to vector<16xf32>
      %neg3A_535 = arith.subf %neg3A_534, %add3A_533 : vector<16xf32>
      %exp3A = math.exp %neg3A_535 : vector<16xf32>
      %add3A_536 = arith.constant 1.000000e+00 : f32
      %add3A_537 = vector.broadcast %add3A_536 : f32 to vector<16xf32>
      %add3A_538 = arith.addf %add3A_537, %exp3A : vector<16xf32>
      %div3A = arith.constant 1.000000e+00 : f32
      %div3A_539 = vector.broadcast %div3A : f32 to vector<16xf32>
      %div3A_540 = arith.divf %div3A_539, %add3A_538 : vector<16xf32>
      %mul3A_541 = arith.constant 16 : i32
      %mul3A_542 = arith.muli %scan3A_28, %mul3A_541 : i32
      %swap3A = arith.index_cast %mul3A_542 : i32 to index
      %swap3A_543 = tpu.vector_load %arg15[%swap3A] {strides = array<i32>} : memref<512xf32, #tpu.memory_space<vmem>>, vector<16xf32>,
      tpu.vector_store %arg15[%swap3A], %div3A_540 {strides = array<i32>} : memref<512xf32, #tpu.memory_space<vmem>>, vector<16xf32>,
    }
    %scan3A_27 = arith.constant 32 : i32
    "tpu.region"() ({
      %run_scoped3A = tpu.sem_alloc : memref<!tpu.dma_semaphore, #tpu.memory_space<semaphore_mem>>
      %dma_start3A = tpu.memref_slice %arg8[%mul3A_2] : memref<16384xf32, #tpu.memory_space<hbm>> -> memref<512xf32, #tpu.memory_space<hbm>>
      %dma_start3A_28 = tpu.memref_slice %arg8[%mul3A_2] : memref<16384xf32, #tpu.memory_space<hbm>> -> memref<512xf32, #tpu.memory_space<hbm>>
      tpu.enqueue_dma source(%arg15 : memref<512xf32, #tpu.memory_space<vmem>>) target(%dma_start3A_28 : memref<512xf32, #tpu.memory_space<hbm>>) target_semaphore(%run_scoped3A : memref<!tpu.dma_semaphore, #tpu.memory_space<semaphore_mem>>)
      %dma_wait3A_29 = tpu.memref_slice %arg8[%mul3A_2] : memref<16384xf32, #tpu.memory_space<hbm>> -> memref<512xf32, #tpu.memory_space<hbm>>
      %dma_wait3A_30 = tpu.memref_slice %arg8[%mul3A_2] : memref<16384xf32, #tpu.memory_space<hbm>> -> memref<512xf32, #tpu.memory_space<hbm>>
      tpu.wait_dma2 semaphore(%run_scoped3A : memref<!tpu.dma_semaphore, #tpu.memory_space<semaphore_mem>>) src(%arg15 : memref<512xf32, #tpu.memory_space<vmem>>) dst(%dma_wait3A_30 : memref<512xf32, #tpu.memory_space<hbm>>)
      tpu.yield
    }) : () -> ()
    return
  }
}

</mosaic_0001>

<sc_bundles>
// kernel: _run.3.cloned.1.call-start
scs
__scs_entry_jumppad:
0x0: {  	(pc) =	sbr.rel $0x88, $3  }
0x1: {  	(tag) =	ssettag $0x0;
	lr =	simm.s32 $0x1  }
0x2: {  	[smem:$0x3F9B] =	sst lr;
	_ =	strace $0xD0000000  }
0x3: {  	_ = 	snop  }
0x4: {  	_ = 	snop  }
0x5: {  	_ = 	snop  }
0x6: {  	_ = 	snop  }
0x7: {  	_ = 	snop  }
__scs_overlays_trampoline_lowered:
0x8: {  	[smem:$0x3FAA] =	sst s0  }
0x9: {  	[smem:$0x3FAB] =	sst s1  }
0xa: {  	[smem:$0x3FAC] =	sst s2  }
0xb: {  	[smem:$0x3FAD] =	sst s3  }
0xc: {  	[smem:$0x3FAE] =	sst s4  }
0xd: {  	[smem:$0x3FAF] =	sst s5  }
0xe: {  	[smem:$0x3FB0] =	sst s6  }
0xf: {  	[smem:$0x3FB1] =	sst s7  }
0x10: {  	[smem:$0x3FB2] =	sst s8  }
0x11: {  	[smem:$0x3FB3] =	sst s9;
	s0 =	simm.s32 @!p0 $0x0  }
0x12: {  	s1 =	sld [smem:$0x3F99];
	s0 =	simm.s32 @p0 $0x1  }
0x13: {  	[smem:$0x3FB4] =	sst s0;
	s0 =	simm.s32 @!p1 $0x0  }
0x14: {  	s2 =	sld [smem:$0x3F98];
	s0 =	simm.s32 @p1 $0x1  }
0x15: {  	[smem:$0x3FB5] =	sst s0;
	s0 =	simm.s32 @!p2 $0x0  }
0x16: {  	s3 =	sld [smem:$0x3FDB];
	s0 =	simm.s32 @p2 $0x1  }
0x17: {  	s4 =	simm.s32 $0x1BF5;
	[smem:$0x3FB7] =	sst s0  }
0x18: {  	s0 =	sld [smem:$0x3F9A];
	_ =	swait.ge [sflag:s4], $0x0  }
0x19: {  	s7 =	sld [smem:$0x3F9B]  }
0x1a: {  	s8 =	sadd.s32 $0xFFFFE003, lr  }
0x1b: {  	s9 =	sadd.s32 $0xFFFFFEF7, lr;
	s5 =	simm.s32 $0xFFFFFFFF;
	p2 =	slt.u32 s8, $0xFFFFF086  }
0x1c: {  	p1 =	slt.u32 s9, $0xF7A;
	s5 =	simm.s32 @!p2 $0x0  }
0x1d: {  	s5 =	simm.s32 @p1 $0x1;
	p0 =	seq.s32 s7, s2  }
0x1e: {  	s7 =	smul.u32 @!p0 $0xF7A, s2;
	p2 =	seq.s32 @!p0 s5, $0x0  }
0x1f: {  	s9 =	smul.u32 $0xF7A, s1;
	s8 =	simm.s32 @!p0 $0x1BF5;
	p2 =	por !p2, p0  }
0x20: {  	[sflag:s8] =	ssyncset.s32 @!p0 $0xFFFFF086;
	s6 =	sadd.s32 @!p0 s3, s7;
	s7 =	simm.s32 @!p0 $0x108  }
0x21: {  	s3 =	sadd.s32 s3, s9;
	s6 =	sadd.s32 @!p0 $0x88, s6;
	s7 =	simm.s32 @p2 $0x1082  }
0x22: {  	[simem:s7], [sflag:s8] =	dma.local @!p0 [hbm:s6], $0xF7A  }
0x23: {  	s9 =	sor.u32 $0xD0000000, s2;
	s6 =	simm.s32 $0x108;
	_ =	swait.ge @!p0 [sflag:s8], $0x0  }
0x24: {  	s3 =	sadd.s32 $0x88, s3;
	s6 =	simm.s32 @!p1 $0x1082;
	[sflag:s4] =	ssyncset.s32 $0xFFFFF086  }
0x25: {  	[simem:s6], [sflag:s4] =	dma.local [hbm:s3], $0xF7A  }
0x26: {  	[smem:$0x3F9B] =	sst s1;
	(tag) =	ssettag s2;
	_ =	strace s9  }
0x27: {  	s1 =	sld [smem:$0x3FAB]  }
0x28: {  	s2 =	sld [smem:$0x3FAC]  }
0x29: {  	s4 =	sld [smem:$0x3FAE]  }
0x2a: {  	p0 =	seq.s32 s5, $0x0;
	s5 =	sld [smem:$0x3FAF]  }
0x2b: {  	s6 =	sld [smem:$0x3FB0]  }
0x2c: {  	s7 =	sld [smem:$0x3FB1]  }
0x2d: {  	s3 =	simm.s32 $0x108;
	s8 =	sld [smem:$0x3FB2]  }
0x2e: {  	s3 =	simm.s32 @!p0 $0x1082;
	s9 =	sld [smem:$0x3FB3]  }
0x2f: {  	lr =	sadd.s32 s0, s3;
	s0 =	sld [smem:$0x3FAA]  }
0x30: {  	s3 =	sld [smem:$0x3FAD]  }
0x31: {  	[smem:$0x3FB6] =	sst s10  }
0x32: {  	s10 =	sld [smem:$0x3FB4];
	_ =	sdelay $0x3  }
0x33: {  	p0 =	seq.s32 s10, $0x1;
	s10 =	sld [smem:$0x3FB6];
	_ =	sdelay $0x3  }
0x34: {  	[smem:$0x3FB6] =	sst s10  }
0x35: {  	s10 =	sld [smem:$0x3FB5];
	_ =	sdelay $0x3  }
0x36: {  	p1 =	seq.s32 s10, $0x1;
	s10 =	sld [smem:$0x3FB6];
	_ =	sdelay $0x3  }
0x37: {  	[smem:$0x3FB6] =	sst s10  }
0x38: {  	s10 =	sld [smem:$0x3FB7]  }
0x39: {  	_ = 	snop;
	(pc) =	sbr.ind lr, $3  }
0x3a: {  	_ = 	snop  }
0x3b: {  	_ = 	snop  }
0x3c: {  	p2 =	seq.s32 s10, $0x1;
	s10 =	sld [smem:$0x3FB6]  }
0x3d: {  	_ =	shalt  }
0x3e: {  	_ =	shalt  }
0x3f: {  	_ =	shalt  }
0x40: {  	_ =	shalt  }
0x41: {  	_ =	shalt  }
0x42: {  	_ =	shalt  }
0x43: {  	_ =	shalt  }
0x44: {  	_ =	shalt  }
0x45: {  	_ =	shalt  }
0x46: {  	_ =	shalt  }
0x47: {  	_ =	shalt  }
0x48: {  	_ =	shalt  }
0x49: {  	_ =	shalt  }
0x4a: {  	_ =	shalt  }
0x4b: {  	_ =	shalt  }
0x4c: {  	_ =	shalt  }
0x4d: {  	_ =	shalt  }
0x4e: {  	_ =	shalt  }
0x4f: {  	_ =	shalt  }
0x50: {  	_ =	shalt  }
0x51: {  	_ =	shalt  }
0x52: {  	_ =	shalt  }
0x53: {  	_ =	shalt  }
0x54: {  	_ =	shalt  }
0x55: {  	_ =	shalt  }
0x56: {  	_ =	shalt  }
0x57: {  	_ =	shalt  }
0x58: {  	_ =	shalt  }
0x59: {  	_ =	shalt  }
0x5a: {  	_ =	shalt  }
0x5b: {  	_ =	shalt  }
0x5c: {  	_ =	shalt  }
0x5d: {  	_ =	shalt  }
0x5e: {  	_ =	shalt  }
0x5f: {  	_ =	shalt  }
0x60: {  	_ =	shalt  }
0x61: {  	_ =	shalt  }
0x62: {  	_ =	shalt  }
0x63: {  	_ =	shalt  }
0x64: {  	_ =	shalt  }
0x65: {  	_ =	shalt  }
0x66: {  	_ =	shalt  }
0x67: {  	_ =	shalt  }
0x68: {  	_ =	shalt  }
0x69: {  	_ =	shalt  }
0x6a: {  	_ =	shalt  }
0x6b: {  	_ =	shalt  }
0x6c: {  	_ =	shalt  }
0x6d: {  	_ =	shalt  }
0x6e: {  	_ =	shalt  }
0x6f: {  	_ =	shalt  }
0x70: {  	_ =	shalt  }
0x71: {  	_ =	shalt  }
0x72: {  	_ =	shalt  }
0x73: {  	_ =	shalt  }
0x74: {  	_ =	shalt  }
0x75: {  	_ =	shalt  }
0x76: {  	_ =	shalt  }
0x77: {  	_ =	shalt  }
0x78: {  	_ =	shalt  }
0x79: {  	_ =	shalt  }
0x7a: {  	_ =	shalt  }
0x7b: {  	_ =	shalt  }
0x7c: {  	_ =	shalt  }
0x7d: {  	_ =	shalt  }
0x7e: {  	_ =	shalt  }
0x7f: {  	_ =	shalt  }
0x80: {  	_ =	shalt  }
0x81: {  	_ =	shalt  }
0x82: {  	_ =	shalt  }
0x83: {  	_ =	shalt  }
0x84: {  	_ =	shalt  }
0x85: {  	_ =	shalt  }
0x86: {  	_ =	shalt  }
0x87: {  	_ =	shalt  }
.Lfunc_end0:
.L_simem_size_0:
called_computation_lowered:
.L_overlay_start_0:
0x88: {  	s2 =	sld [smem:$0x3FD9]  }
0x89: {  	s3 =	sld [smem:$0x3FFE];
	_ =	sdelay $0x1  }
0x8a: {  	s1 =	srdreg.scid  }
0x8b: {  	s0 =	sand.u32 $0x1, s1  }
0x8c: {  	s17 =	sshll.u32 s0, $0xA;
	s2 =	sadd.s32 s3, s2  }
0x8d: {  	s2 =	sadd.s32 s2, s17  }
0x8e: {  	[smem:$0x3FC2] =	sst s2  }
0x8f: {  	_ = 	snop  }
0x90: {  	s2 =	sld [smem:$0x3FC9]  }
0x91: {  	s18 =	sld [smem:$0x3FC8]  }
0x92: {  	s4 =	sld [smem:$0x3FC5]  }
0x93: {  	s5 =	sld [smem:$0x3FC4]  }
0x94: {  	s6 =	sld [smem:$0x3FD0];
	(tm) =	ssettm $0x1  }
0x95: {  	s7 =	sld [smem:$0x3FFB];
	_ =	sdelay $0x3  }
0x96: {  	_ =	strace s7  }
0x97: {  	s7 =	sld [smem:$0x3FFC];
	_ =	sdelay $0x3  }
0x98: {  	_ =	strace s7  }
0x99: {  	s7 =	sld [smem:$0x3FFD];
	_ =	sdelay $0x3  }
0x9a: {  	_ =	strace s7  }
0x9b: {  	_ =	strace $0x8FFFFFFF  }
0x9c: {  	s19 =	sld [smem:$0x3FDB];
	_ =	sdelay $0x1  }
0x9d: {  	s8 =	simm.s32 $_scs_section_size  }
0x9e: {  	s9 =	simm.s32 $_size__tile_overlayer_lowered;
	s10 =	simm.s32 $_tile_overlayer_lowered  }
0x9f: {  	s22 =	simm.s32 $0x1BFF;
	s21 =	sshll.u32 s10, $0x1;
	s7 =	sadd.s32 s8, s19  }
0xa0: {  	s11 =	simm.s32 $0x0;
	s20 =	sshll.u32 s9, $0x1;
	s9 =	sadd.s32 s21, s7  }
0xa1: {  	[timem:s11], [sflag:s22] =	dma.local [hbm:s9], s20  }
0xa2: {  	_ =	swait.ge [sflag:s22], s20  }
0xa3: {  	s8 =	ssub.s32 $0x0, s20;
	[sflag:s22] =	ssyncset.done $0x0  }
0xa4: {  	[sflag:s22] =	ssyncadd.s32 s8;
	_ =	sdelay $0x1  }
0xa5: {  	s23 =	simm.s32 $0x1B8B  }
0xa6: {  	_ =	swait.ge [sflag:s23], $0x1  }
0xa7: {  	[sflag:s23] =	ssyncset.done $0x0  }
0xa8: {  	s25 =	simm.s32 $0x1B8E;
	s24 =	sld [smem:$0x3FFE];
	[sflag:s23] =	ssyncadd.s32 $0xFFFFFFFF  }
0xa9: {  	s26 =	simm.s32 $execute0_lowered;
	[smem:$0x3FD2] =	sst s25  }
0xaa: {  	s9 =	sshll.u32 s26, $0x1;
	_ =	strace $0x80000046;
	[dreg:$0x1] =	wrdreg $0xFFFFFFFF  }
0xab: {  	s28 =	simm.s32 $_size_execute0_lowered;
	s7 =	sadd.s32 s7, s9;
	[dreg:$0x0] =	wrdreg $0x0  }
0xac: {  	s9 =	sshll.u32 s28, $0x1;
	[dreg:$0x2] =	wrdreg s7  }
0xad: {  	[dreg:$0x3] =	wrdreg s9  }
0xae: {  	[dreg:$0x4] =	wrdreg $0xC0  }
0xaf: {  	_ =	task [dreg:s11], $0x5FFFF  }
0xb0: {  	[dreg:$0x1] =	wrdreg $0xFFFFFFFF  }
0xb1: {  	[dreg:$0x0] =	wrdreg $0x60  }
0xb2: {  	[dreg:$0x2] =	wrdreg s2  }
0xb3: {  	[dreg:$0x3] =	wrdreg s18  }
0xb4: {  	[dreg:$0x4] =	wrdreg s24  }
0xb5: {  	[dreg:$0x5] =	wrdreg s4  }
0xb6: {  	[dreg:$0x6] =	wrdreg s5  }
0xb7: {  	[dreg:$0x7] =	wrdreg s6  }
0xb8: {  	[dreg:$0x8] =	wrdreg $0x9  }
0xb9: {  	_ =	task.clear_ibuf [dreg:s11], $0x9FFFF;
	_ =	strace $0x90000046  }
0xba: {  	s29 =	simm.s32 $0x9;
	_ =	strace $0x80000048  }
0xbb: {  	_ =	swait.ge [sflag:s29], $0x1  }
0xbc: {  	[sflag:s29] =	ssyncadd.s32 $0xFFFFFFFF  }
0xbd: {  	_ =	strace $0x90000048  }
0xbe: {  	_ =	sfence  }
0xbf: {  	s30 =	sld [smem:$0x0];
	_ =	sdelay $0x2  }
0xc0: {  	s31 =	sshll.u32 s1, $0xD;
	s1 =	sshrl.u32 s1, $0x2  }
0xc1: {  	s3 =	sand.u32 $0x4000, s31;
	s1 =	sadd.s32 s1, s30  }
0xc2: {  	s0 =	sor.u32 s3, s0;
	s1 =	sshll.u32 s1, $0x11  }
0xc3: {  	s0 =	sor.u32 s1, s0  }
0xc4: {  	s0 =	sadd.s32 $0x8F2B, s0  }
0xc5: {  	[sflag:s0] =	ssyncadd.remote.s32 $0x1  }
0xc6: {  	_ =	sfence.sel $0xFFFF  }
0xc7: {  	[dreg:$0x0] =	wrdreg $0xFFFFFFFF;
	(pc) =	sbr.abs _section_cstart, $3  }
0xc8: {  	[dreg:$0x1] =	wrdreg $0xFFFFFFFF  }
0xc9: {  	_ =	task.clear_ibuf [dreg:s11], $0x2FFFF;
	_ =	strace $0x9FFFFFFF  }
0xca: {  	(tm) =	ssettm $0x7FFFFFFF  }
0xcb: {  	_ =	shalt  }
tec
execute0_lowered:
.L_overlay_start_1:
0x0: {  	(tag) =	ssettag $0x1  }
0x1: {  	v0 =	vlaneseq.u32  }
0x2: {  	v1 =	vand.u32 $0x3, v0  }
0x3: {  	v1 =	vmul.u32 $0x20, v1;
	_ =	sdelay $0x1  }
0x4: {  	v7 =	vmul.u32 $0x20, v0;
	v0 =	vor.u32 $0x1, v1  }
0x5: {  	s0 =	rddreg [dreg:$0x0];
	[tilespmem:$0x1FE20] =	vst v0;
	v0 =	vor.u32 $0x2, v1  }
0x6: {  	s1 =	rddreg [dreg:$0x1];
	[tilespmem:$0x1FE30] =	vst v0;
	v0 =	vor.u32 $0x3, v1  }
0x7: {  	s2 =	rddreg [dreg:$0x2];
	s3 =	simm.s32 $0x0;
	[tilespmem:$0x1FE40] =	vst v0;
	v0 =	vor.u32 $0x4, v1  }
0x8: {  	[smem:$0x7FF] =	sst s3;
	[tilespmem:$0x1FE50] =	vst v0;
	v0 =	vor.u32 $0x5, v1  }
0x9: {  	s4 =	rddreg [dreg:$0x5];
	_ =	strace $0x80000047;
	[tilespmem:$0x1FE60] =	vst v0  }
0xa: {  	v4 =	vor.u32 $0x19, v1;
	[tilespmem:$0x1FEB0] =	vst v1  }
0xb: {  	v29 =	vor.u32 $0x1A, v1;
	[tilespmem:$0x1FEC0] =	vst v4  }
0xc: {  	v32 =	vor.u32 $0x1B, v1;
	[tilespmem:$0x1FED0] =	vst v29  }
0xd: {  	v30 =	vor.u32 $0x1C, v1;
	[tilespmem:$0x1FEE0] =	vst v32  }
0xe: {  	v31 =	vor.u32 $0x1D, v1;
	[tilespmem:$0x1FEF0] =	vst v30  }
0xf: {  	v27 =	vor.u32 $0x1E, v1;
	[tilespmem:$0x1FF00] =	vst v31  }
0x10: {  	v6 =	vor.u32 $0x18, v1;
	[tilespmem:$0x1FF10] =	vst v27  }
0x11: {  	v5 =	vor.u32 $0x17, v1;
	[tilespmem:$0x1FF20] =	vst v6  }
0x12: {  	v62 =	vor.u32 $0x1F, v1;
	[tilespmem:$0x1FF30] =	vst v5  }
0x13: {  	v60 =	vor.u32 $0x15, v1;
	[tilespmem:$0x1FF40] =	vst v62  }
0x14: {  	v61 =	vor.u32 $0x12, v1;
	[tilespmem:$0x1FF50] =	vst v60  }
0x15: {  	v63 =	vor.u32 $0x13, v1;
	[tilespmem:$0x1FF60] =	vst v61  }
0x16: {  	v2 =	vor.u32 $0x16, v1;
	[tilespmem:$0x1FF70] =	vst v63  }
0x17: {  	[tilespmem:$0x1FF90] =	vst v2  }
0x18: {  	v59 =	vor.u32 $0x11, v1;
	[tilespmem:$0x1FFA0] =	vst v7  }
0x19: {  	v21 =	vor.u32 $0xF, v1;
	[tilespmem:$0x1FFB0] =	vst v59  }
0x1a: {  	s6 =	srdreg.scid;
	v39 =	vor.u32 $0xE, v1;
	[tilespmem:$0x1FFC0] =	vst v21  }
0x1b: {  	s8 =	stileid.u32;
	s6 =	sand.u32 $0x1, s6;
	v8 =	vor.u32 $0xA, v1;
	[tilespmem:$0x1FFD0] =	vst v39  }
0x1c: {  	s11 =	simm.s32 $0x3;
	s8 =	sshll.u32 s8, $0x7;
	s9 =	sshll.u32 s6, $0x6;
	v15 =	vor.u32 $0xD, v1;
	[tilespmem:$0x1FFE0] =	vst v8  }
0x1d: {  	s14 =	simm.s32 $0x80;
	s5 =	sadd.s32 $0x4400, s2;
	s8 =	sor.u32 s9, s8;
	v0 =	vor.u32 $0x6, v1;
	[tilespmem:$0x1FFF0] =	vst v15  }
0x1e: {  	s7 =	ssub.s32 $0x2, s6;
	s6 =	sadd.s32 $0x400, s2;
	s0 =	sadd.s32 s0, s8;
	[tilespmem:$0x1FE70] =	vst v0;
	v0 =	vor.u32 $0x7, v1  }
0x1f: {  	s28 =	sshrl.u32 s7, $0x1;
	s29 =	sadd.s32 s1, s8;
	[dreg:$0x7] =	wrdreg s0;
	[tilespmem:$0x1FE80] =	vst v0;
	v0 =	vor.u32 $0x8, v1  }
0x20: {  	s2 =	ssub.s32 s7, s28;
	s30 =	sadd.s32 s4, s8;
	[dreg:$0x8] =	wrdreg s29;
	[tilespmem:$0x1FE90] =	vst v0;
	v0 =	vor.u32 $0x9, v1  }
0x21: {  	s15 =	simm.s32 $0x400;
	s31 =	smax.u32 s2, $0x1;
	[dreg:$0x9] =	wrdreg s30;
	[tilespmem:$0x1FEA0] =	vst v0;
	v0 =	vor.u32 $0x14, v1  }
0x22: {  	s18 =	simm.s32 $0x4400;
	s20 =	simm.s32 $0x0;
	v56 =	vor.u32 $0xB, v1;
	v57 =	vor.u32 $0xC, v1;
	v58 =	vor.u32 $0x10, v1;
	[dreg:$0xa] =	wrdreg s31;
	[tilespmem:$0x1FF80] =	vst v0  }
.LBB2_1:
0x23: {  	s0 =	rddreg [dreg:$0x7]  }
0x24: {  	[tilespmem:s3], [sflag:$0x3] =	stream.linear.gather [hbm4b:s0+s3], $0x200, $0x38;
	[tilespmem:$0x8700] =	vst v63  }
0x25: {  	_ =	swait.ge [sflag:s11], $0x200  }
0x26: {  	[sflag:s11] =	ssyncset.done $0x0  }
0x27: {  	s21 =	simm.s32 $0x200;
	s19 =	rddreg [dreg:$0x8];
	[sflag:s11] =	ssyncadd.s32 $0xFFFFFE00  }
0x28: {  	[tilespmem:s21], [sflag:$0x3] =	stream.linear.gather [hbm4b:s19+s3], $0x200, $0x38;
	[tilespmem:$0x8700] =	vst v63  }
0x29: {  	_ =	swait.ge [sflag:s11], $0x200  }
0x2a: {  	[sflag:s11] =	ssyncset.done $0x0  }
0x2b: {  	[sflag:s11] =	ssyncadd.s32 $0xFFFFFE00  }
0x2c: {  	s1 =	simm.s32 $0x8400;
	s22 =	rddreg [dreg:$0x3]  }
0x2d: {  	[tilespmem:s1], [sflag:$0x3] =	stream.linear.gather [hbm4b:s22+s3], $0x80, $0x38;
	[tilespmem:$0x8700] =	vst v63  }
0x2e: {  	_ =	swait.ge [sflag:s11], $0x80  }
0x2f: {  	[sflag:s11] =	ssyncset.done $0x0  }
0x30: {  	[sflag:s11] =	ssyncadd.s32 $0xFFFFFF80  }
0x31: {  	s24 =	simm.s32 $0x8480;
	s23 =	rddreg [dreg:$0x4]  }
0x32: {  	[tilespmem:s24], [sflag:$0x3] =	stream.linear.gather [hbm4b:s23+s3], $0x80, $0x38;
	[tilespmem:$0x8700] =	vst v63  }
0x33: {  	_ =	swait.ge [sflag:s11], $0x80  }
0x34: {  	[sflag:s11] =	ssyncset.done $0x0  }
0x35: {  	[sflag:s11] =	ssyncadd.s32 $0xFFFFFF80  }
0x36: {  	v55 =	vld [tilespmem:s3+$0x0];
	_ =	sdelay $0x3  }
0x37: {  	v60 =	vld [tilespmem:s21+$0x0]  }
0x38: {  	v34 =	vshll.u32 v55, $0x4  }
0x39: {  	(v2sf) =	vpush v34, $0x0  }
0x3a: {  	(v2sf) =	vpush v34, $0x1  }
0x3b: {  	(v2sf) =	vpush v34, $0x2  }
0x3c: {  	v33 =	vshll.u32 v60, $0x4  }
0x3d: {  	(v2sf) =	vpush v33, $0x0;
	_ =	sdelay $0x6  }
0x3e: {  	(v2sf) =	vpush v33, $0x1;
	_ =	sdelay $0x3  }
0x3f: {  	s25 =	spop (v2sf)  }
0x40: {  	s0 =	sand.u32 $0x1FFFFFF0, s25;
	s26 =	spop (v2sf)  }
0x41: {  	s2 =	simm.s32 $0x400;
	s0 =	sadd.s32 s5, s0;
	s4 =	spop (v2sf)  }
0x42: {  	[tilespmem:s2], [sflag:$0x1] =	stream.strided.gather [hbm4b:s0+s14], $0x0, s15, s14, $0x38;
	[tilespmem:$0x8700] =	vst v63  }
0x43: {  	(v2sf) =	vpush v33, $0x2;
	s28 =	spop (v2sf)  }
0x44: {  	[tilespmem:s2], [sflag:$0x1] =	stream.linear.gather [hbm4b:s0+s3], $0x20, $0x38;
	[tilespmem:$0x8700] =	vst v63  }
0x45: {  	s0 =	sand.u32 $0x1FFFFFF0, s28  }
0x46: {  	s29 =	simm.s32 $0x4400;
	s0 =	sadd.s32 s6, s0  }
0x47: {  	(v2sf) =	vpush v34, $0x3;
	[tilespmem:s29], [sflag:$0x2] =	stream.strided.gather [hbm4b:s0+s14], $0x0, s15, s14, $0x38;
	[tilespmem:$0x8700] =	vst v63  }
0x48: {  	s1 =	sand.u32 $0x1FFFFFF0, s26  }
0x49: {  	[tilespmem:s29], [sflag:$0x2] =	stream.linear.gather [hbm4b:s0+s3], $0x20, $0x38;
	[tilespmem:$0x8700] =	vst v63  }
0x4a: {  	s31 =	simm.s32 $0x420;
	s1 =	sadd.s32 s5, s1;
	s30 =	spop (v2sf)  }
0x4b: {  	(v2sf) =	vpush v33, $0x3;
	[tilespmem:s31], [sflag:$0x1] =	stream.strided.gather [hbm4b:s1+s14], $0x0, s15, s14, $0x38;
	[tilespmem:$0x8700] =	vst v63  }
0x4c: {  	s0 =	sand.u32 $0x1FFFFFF0, s30  }
0x4d: {  	[tilespmem:s31], [sflag:$0x1] =	stream.linear.gather [hbm4b:s1+s3], $0x20, $0x38;
	[tilespmem:$0x8700] =	vst v63  }
0x4e: {  	s7 =	simm.s32 $0x4420;
	s0 =	sadd.s32 s6, s0  }
0x4f: {  	(v2sf) =	vpush v34, $0x4;
	[tilespmem:s7], [sflag:$0x2] =	stream.strided.gather [hbm4b:s0+s14], $0x0, s15, s14, $0x38;
	[tilespmem:$0x8700] =	vst v63  }
0x50: {  	s8 =	sand.u32 $0x1FFFFFF0, s4  }
0x51: {  	[tilespmem:s7], [sflag:$0x2] =	stream.linear.gather [hbm4b:s0+s3], $0x20, $0x38;
	[tilespmem:$0x8700] =	vst v63  }
0x52: {  	s10 =	simm.s32 $0x440;
	s2 =	sadd.s32 s5, s8;
	s9 =	spop (v2sf)  }
0x53: {  	(v2sf) =	vpush v33, $0x4;
	[tilespmem:s10], [sflag:$0x1] =	stream.strided.gather [hbm4b:s2+s14], $0x0, s15, s14, $0x38;
	[tilespmem:$0x8700] =	vst v63  }
0x54: {  	s0 =	sand.u32 $0x1FFFFFF0, s9  }
0x55: {  	[tilespmem:s10], [sflag:$0x1] =	stream.linear.gather [hbm4b:s2+s3], $0x20, $0x38;
	[tilespmem:$0x8700] =	vst v63  }
0x56: {  	s13 =	simm.s32 $0x4440;
	s12 =	spop (v2sf);
	s0 =	sadd.s32 s6, s0  }
0x57: {  	(v2sf) =	vpush v34, $0x5;
	[tilespmem:s13], [sflag:$0x2] =	stream.strided.gather [hbm4b:s0+s14], $0x0, s15, s14, $0x38;
	[tilespmem:$0x8700] =	vst v63  }
0x58: {  	s1 =	sand.u32 $0x1FFFFFF0, s12  }
0x59: {  	[tilespmem:s13], [sflag:$0x2] =	stream.linear.gather [hbm4b:s0+s3], $0x20, $0x38;
	[tilespmem:$0x8700] =	vst v63  }
0x5a: {  	s17 =	simm.s32 $0x460;
	s16 =	spop (v2sf);
	s1 =	sadd.s32 s5, s1  }
0x5b: {  	(v2sf) =	vpush v33, $0x5;
	[tilespmem:s17], [sflag:$0x1] =	stream.strided.gather [hbm4b:s1+s14], $0x0, s15, s14, $0x38;
	[tilespmem:$0x8700] =	vst v63  }
0x5c: {  	s0 =	sand.u32 $0x1FFFFFF0, s16  }
0x5d: {  	[tilespmem:s17], [sflag:$0x1] =	stream.linear.gather [hbm4b:s1+s3], $0x20, $0x38;
	[tilespmem:$0x8700] =	vst v63  }
0x5e: {  	s22 =	simm.s32 $0x4460;
	s19 =	spop (v2sf);
	s0 =	sadd.s32 s6, s0  }
0x5f: {  	(v2sf) =	vpush v34, $0x6;
	[tilespmem:s22], [sflag:$0x2] =	stream.strided.gather [hbm4b:s0+s14], $0x0, s15, s14, $0x38;
	[tilespmem:$0x8700] =	vst v63  }
0x60: {  	s1 =	sand.u32 $0x1FFFFFF0, s19  }
0x61: {  	[tilespmem:s22], [sflag:$0x2] =	stream.linear.gather [hbm4b:s0+s3], $0x20, $0x38;
	[tilespmem:$0x8700] =	vst v63  }
0x62: {  	s24 =	simm.s32 $0x480;
	s23 =	spop (v2sf);
	s1 =	sadd.s32 s5, s1  }
0x63: {  	(v2sf) =	vpush v33, $0x6;
	[tilespmem:s24], [sflag:$0x1] =	stream.strided.gather [hbm4b:s1+s14], $0x0, s15, s14, $0x38;
	[tilespmem:$0x8700] =	vst v63  }
0x64: {  	s0 =	sand.u32 $0x1FFFFFF0, s23  }
0x65: {  	[tilespmem:s24], [sflag:$0x1] =	stream.linear.gather [hbm4b:s1+s3], $0x20, $0x38;
	[tilespmem:$0x8700] =	vst v63  }
0x66: {  	s26 =	simm.s32 $0x4480;
	s25 =	spop (v2sf);
	s0 =	sadd.s32 s6, s0  }
0x67: {  	(v2sf) =	vpush v34, $0x7;
	[tilespmem:s26], [sflag:$0x2] =	stream.strided.gather [hbm4b:s0+s14], $0x0, s15, s14, $0x38;
	[tilespmem:$0x8700] =	vst v63  }
0x68: {  	s1 =	sand.u32 $0x1FFFFFF0, s25  }
0x69: {  	[tilespmem:s26], [sflag:$0x2] =	stream.linear.gather [hbm4b:s0+s3], $0x20, $0x38;
	[tilespmem:$0x8700] =	vst v63  }
0x6a: {  	s29 =	simm.s32 $0x4A0;
	s28 =	spop (v2sf);
	s1 =	sadd.s32 s5, s1  }
0x6b: {  	(v2sf) =	vpush v33, $0x7;
	[tilespmem:s29], [sflag:$0x1] =	stream.strided.gather [hbm4b:s1+s14], $0x0, s15, s14, $0x38;
	[tilespmem:$0x8700] =	vst v63  }
0x6c: {  	s0 =	sand.u32 $0x1FFFFFF0, s28  }
0x6d: {  	[tilespmem:s29], [sflag:$0x1] =	stream.linear.gather [hbm4b:s1+s3], $0x20, $0x38;
	[tilespmem:$0x8700] =	vst v63  }
0x6e: {  	s31 =	simm.s32 $0x44A0;
	s30 =	spop (v2sf);
	s0 =	sadd.s32 s6, s0  }
0x6f: {  	(v2sf) =	vpush v34, $0x8;
	[tilespmem:s31], [sflag:$0x2] =	stream.strided.gather [hbm4b:s0+s14], $0x0, s15, s14, $0x38;
	[tilespmem:$0x8700] =	vst v63  }
0x70: {  	s1 =	sand.u32 $0x1FFFFFF0, s30  }
0x71: {  	[tilespmem:s31], [sflag:$0x2] =	stream.linear.gather [hbm4b:s0+s3], $0x20, $0x38;
	[tilespmem:$0x8700] =	vst v63  }
0x72: {  	s4 =	simm.s32 $0x4C0;
	s2 =	spop (v2sf);
	s1 =	sadd.s32 s5, s1  }
0x73: {  	(v2sf) =	vpush v33, $0x8;
	[tilespmem:s4], [sflag:$0x1] =	stream.strided.gather [hbm4b:s1+s14], $0x0, s15, s14, $0x38;
	[tilespmem:$0x8700] =	vst v63  }
0x74: {  	s0 =	sand.u32 $0x1FFFFFF0, s2  }
0x75: {  	[tilespmem:s4], [sflag:$0x1] =	stream.linear.gather [hbm4b:s1+s3], $0x20, $0x38;
	[tilespmem:$0x8700] =	vst v63  }
0x76: {  	s8 =	simm.s32 $0x44C0;
	s7 =	spop (v2sf);
	s0 =	sadd.s32 s6, s0  }
0x77: {  	(v2sf) =	vpush v34, $0x9;
	[tilespmem:s8], [sflag:$0x2] =	stream.strided.gather [hbm4b:s0+s14], $0x0, s15, s14, $0x38;
	[tilespmem:$0x8700] =	vst v63  }
0x78: {  	s1 =	sand.u32 $0x1FFFFFF0, s7  }
0x79: {  	[tilespmem:s8], [sflag:$0x2] =	stream.linear.gather [hbm4b:s0+s3], $0x20, $0x38;
	[tilespmem:$0x8700] =	vst v63  }
0x7a: {  	s10 =	simm.s32 $0x4E0;
	s9 =	spop (v2sf);
	s1 =	sadd.s32 s5, s1  }
0x7b: {  	(v2sf) =	vpush v33, $0x9;
	[tilespmem:s10], [sflag:$0x1] =	stream.strided.gather [hbm4b:s1+s14], $0x0, s15, s14, $0x38;
	[tilespmem:$0x8700] =	vst v63  }
0x7c: {  	s0 =	sand.u32 $0x1FFFFFF0, s9  }
0x7d: {  	[tilespmem:s10], [sflag:$0x1] =	stream.linear.gather [hbm4b:s1+s3], $0x20, $0x38;
	[tilespmem:$0x8700] =	vst v63  }
0x7e: {  	s13 =	simm.s32 $0x44E0;
	s12 =	spop (v2sf);
	s0 =	sadd.s32 s6, s0  }
0x7f: {  	(v2sf) =	vpush v34, $0xA;
	[tilespmem:s13], [sflag:$0x2] =	stream.strided.gather [hbm4b:s0+s14], $0x0, s15, s14, $0x38;
	[tilespmem:$0x8700] =	vst v63  }
0x80: {  	s1 =	sand.u32 $0x1FFFFFF0, s12  }
0x81: {  	[tilespmem:s13], [sflag:$0x2] =	stream.linear.gather [hbm4b:s0+s3], $0x20, $0x38;
	[tilespmem:$0x8700] =	vst v63  }
0x82: {  	s17 =	simm.s32 $0x500;
	s16 =	spop (v2sf);
	s1 =	sadd.s32 s5, s1  }
0x83: {  	(v2sf) =	vpush v33, $0xA;
	[tilespmem:s17], [sflag:$0x1] =	stream.strided.gather [hbm4b:s1+s14], $0x0, s15, s14, $0x38;
	[tilespmem:$0x8700] =	vst v63  }
0x84: {  	s0 =	sand.u32 $0x1FFFFFF0, s16  }
0x85: {  	[tilespmem:s17], [sflag:$0x1] =	stream.linear.gather [hbm4b:s1+s3], $0x20, $0x38;
	[tilespmem:$0x8700] =	vst v63  }
0x86: {  	s22 =	simm.s32 $0x4500;
	s19 =	spop (v2sf);
	s0 =	sadd.s32 s6, s0  }
0x87: {  	(v2sf) =	vpush v34, $0xB;
	[tilespmem:s22], [sflag:$0x2] =	stream.strided.gather [hbm4b:s0+s14], $0x0, s15, s14, $0x38;
	[tilespmem:$0x8700] =	vst v63  }
0x88: {  	s1 =	sand.u32 $0x1FFFFFF0, s19  }
0x89: {  	[tilespmem:s22], [sflag:$0x2] =	stream.linear.gather [hbm4b:s0+s3], $0x20, $0x38;
	[tilespmem:$0x8700] =	vst v63  }
0x8a: {  	s24 =	simm.s32 $0x520;
	s23 =	spop (v2sf);
	s1 =	sadd.s32 s5, s1  }
0x8b: {  	(v2sf) =	vpush v33, $0xB;
	[tilespmem:s24], [sflag:$0x1] =	stream.strided.gather [hbm4b:s1+s14], $0x0, s15, s14, $0x38;
	[tilespmem:$0x8700] =	vst v63  }
0x8c: {  	s0 =	sand.u32 $0x1FFFFFF0, s23  }
0x8d: {  	[tilespmem:s24], [sflag:$0x1] =	stream.linear.gather [hbm4b:s1+s3], $0x20, $0x38;
	[tilespmem:$0x8700] =	vst v63  }
0x8e: {  	s26 =	simm.s32 $0x4520;
	s25 =	spop (v2sf);
	s0 =	sadd.s32 s6, s0  }
0x8f: {  	(v2sf) =	vpush v34, $0xC;
	[tilespmem:s26], [sflag:$0x2] =	stream.strided.gather [hbm4b:s0+s14], $0x0, s15, s14, $0x38;
	[tilespmem:$0x8700] =	vst v63  }
0x90: {  	s1 =	sand.u32 $0x1FFFFFF0, s25  }
0x91: {  	[tilespmem:s26], [sflag:$0x2] =	stream.linear.gather [hbm4b:s0+s3], $0x20, $0x38;
	[tilespmem:$0x8700] =	vst v63  }
0x92: {  	s29 =	simm.s32 $0x540;
	s28 =	spop (v2sf);
	s1 =	sadd.s32 s5, s1  }
0x93: {  	(v2sf) =	vpush v33, $0xC;
	[tilespmem:s29], [sflag:$0x1] =	stream.strided.gather [hbm4b:s1+s14], $0x0, s15, s14, $0x38;
	[tilespmem:$0x8700] =	vst v63  }
0x94: {  	s0 =	sand.u32 $0x1FFFFFF0, s28  }
0x95: {  	[tilespmem:s29], [sflag:$0x1] =	stream.linear.gather [hbm4b:s1+s3], $0x20, $0x38;
	[tilespmem:$0x8700] =	vst v63  }
0x96: {  	s31 =	simm.s32 $0x4540;
	s30 =	spop (v2sf);
	s0 =	sadd.s32 s6, s0  }
0x97: {  	(v2sf) =	vpush v34, $0xD;
	[tilespmem:s31], [sflag:$0x2] =	stream.strided.gather [hbm4b:s0+s14], $0x0, s15, s14, $0x38;
	[tilespmem:$0x8700] =	vst v63  }
0x98: {  	s1 =	sand.u32 $0x1FFFFFF0, s30  }
0x99: {  	[tilespmem:s31], [sflag:$0x2] =	stream.linear.gather [hbm4b:s0+s3], $0x20, $0x38;
	[tilespmem:$0x8700] =	vst v63  }
0x9a: {  	s7 =	simm.s32 $0x560;
	s4 =	spop (v2sf);
	s1 =	sadd.s32 s5, s1  }
0x9b: {  	(v2sf) =	vpush v33, $0xD;
	[tilespmem:s7], [sflag:$0x1] =	stream.strided.gather [hbm4b:s1+s14], $0x0, s15, s14, $0x38;
	[tilespmem:$0x8700] =	vst v63  }
0x9c: {  	s0 =	sand.u32 $0x1FFFFFF0, s4  }
0x9d: {  	[tilespmem:s7], [sflag:$0x1] =	stream.linear.gather [hbm4b:s1+s3], $0x20, $0x38;
	[tilespmem:$0x8700] =	vst v63  }
0x9e: {  	s9 =	simm.s32 $0x4560;
	s8 =	spop (v2sf);
	s0 =	sadd.s32 s6, s0  }
0x9f: {  	(v2sf) =	vpush v34, $0xE;
	[tilespmem:s9], [sflag:$0x2] =	stream.strided.gather [hbm4b:s0+s14], $0x0, s15, s14, $0x38;
	[tilespmem:$0x8700] =	vst v63  }
0xa0: {  	s1 =	sand.u32 $0x1FFFFFF0, s8  }
0xa1: {  	[tilespmem:s9], [sflag:$0x2] =	stream.linear.gather [hbm4b:s0+s3], $0x20, $0x38;
	[tilespmem:$0x8700] =	vst v63  }
0xa2: {  	s12 =	simm.s32 $0x580;
	s10 =	spop (v2sf);
	s1 =	sadd.s32 s5, s1  }
0xa3: {  	(v2sf) =	vpush v33, $0xE;
	[tilespmem:s12], [sflag:$0x1] =	stream.strided.gather [hbm4b:s1+s14], $0x0, s15, s14, $0x38;
	[tilespmem:$0x8700] =	vst v63  }
0xa4: {  	s0 =	sand.u32 $0x1FFFFFF0, s10  }
0xa5: {  	[tilespmem:s12], [sflag:$0x1] =	stream.linear.gather [hbm4b:s1+s3], $0x20, $0x38;
	[tilespmem:$0x8700] =	vst v63  }
0xa6: {  	s16 =	simm.s32 $0x4580;
	s13 =	spop (v2sf);
	s0 =	sadd.s32 s6, s0  }
0xa7: {  	(v2sf) =	vpush v34, $0xF;
	[tilespmem:s16], [sflag:$0x2] =	stream.strided.gather [hbm4b:s0+s14], $0x0, s15, s14, $0x38;
	[tilespmem:$0x8700] =	vst v63  }
0xa8: {  	s1 =	sand.u32 $0x1FFFFFF0, s13  }
0xa9: {  	[tilespmem:s16], [sflag:$0x2] =	stream.linear.gather [hbm4b:s0+s3], $0x20, $0x38;
	[tilespmem:$0x8700] =	vst v63  }
0xaa: {  	s19 =	simm.s32 $0x5A0;
	s17 =	spop (v2sf);
	s1 =	sadd.s32 s5, s1  }
0xab: {  	(v2sf) =	vpush v33, $0xF;
	[tilespmem:s19], [sflag:$0x1] =	stream.strided.gather [hbm4b:s1+s14], $0x0, s15, s14, $0x38;
	[tilespmem:$0x8700] =	vst v63  }
0xac: {  	s0 =	sand.u32 $0x1FFFFFF0, s17  }
0xad: {  	[tilespmem:s19], [sflag:$0x1] =	stream.linear.gather [hbm4b:s1+s3], $0x20, $0x38;
	[tilespmem:$0x8700] =	vst v63  }
0xae: {  	s23 =	simm.s32 $0x45A0;
	s22 =	spop (v2sf);
	s0 =	sadd.s32 s6, s0  }
0xaf: {  	[tilespmem:s23], [sflag:$0x2] =	stream.strided.gather [hbm4b:s0+s14], $0x0, s15, s14, $0x38;
	[tilespmem:$0x8700] =	vst v63  }
0xb0: {  	s1 =	sand.u32 $0x1FFFFFF0, s22  }
0xb1: {  	[tilespmem:s23], [sflag:$0x2] =	stream.linear.gather [hbm4b:s0+s3], $0x20, $0x38;
	[tilespmem:$0x8700] =	vst v63  }
0xb2: {  	s25 =	simm.s32 $0x5C0;
	s24 =	spop (v2sf);
	s1 =	sadd.s32 s5, s1  }
0xb3: {  	[tilespmem:s25], [sflag:$0x1] =	stream.strided.gather [hbm4b:s1+s14], $0x0, s15, s14, $0x38;
	[tilespmem:$0x8700] =	vst v63  }
0xb4: {  	s0 =	sand.u32 $0x1FFFFFF0, s24  }
0xb5: {  	[tilespmem:s25], [sflag:$0x1] =	stream.linear.gather [hbm4b:s1+s3], $0x20, $0x38;
	[tilespmem:$0x8700] =	vst v63  }
0xb6: {  	s28 =	simm.s32 $0x45C0;
	s26 =	spop (v2sf);
	s0 =	sadd.s32 s6, s0  }
0xb7: {  	[tilespmem:s28], [sflag:$0x2] =	stream.strided.gather [hbm4b:s0+s14], $0x0, s15, s14, $0x38;
	[tilespmem:$0x8700] =	vst v63  }
0xb8: {  	s1 =	sand.u32 $0x1FFFFFF0, s26  }
0xb9: {  	[tilespmem:s28], [sflag:$0x2] =	stream.linear.gather [hbm4b:s0+s3], $0x20, $0x38;
	[tilespmem:$0x8700] =	vst v63  }
0xba: {  	s30 =	simm.s32 $0x5E0;
	s29 =	spop (v2sf);
	s1 =	sadd.s32 s5, s1  }
0xbb: {  	[tilespmem:s30], [sflag:$0x1] =	stream.strided.gather [hbm4b:s1+s14], $0x0, s15, s14, $0x38;
	[tilespmem:$0x8700] =	vst v63  }
0xbc: {  	s31 =	sand.u32 $0x1FFFFFF0, s29;
	s22 =	simm.s32 $0x800  }
0xbd: {  	[tilespmem:s30], [sflag:$0x1] =	stream.linear.gather [hbm4b:s1+s3], $0x20, $0x38;
	[tilespmem:$0x8700] =	vst v63  }
0xbe: {  	s23 =	simm.s32 $0x0;
	s0 =	simm.s32 $0x45E0;
	s1 =	sadd.s32 s6, s31  }
0xbf: {  	v31 =	vmov v0;
	[tilespmem:s0], [sflag:$0x2] =	stream.strided.gather [hbm4b:s1+s14], $0x0, s15, s14, $0x38;
	[tilespmem:$0x8700] =	vst v63  }
.LBB2_2:
0xc0: {  	p0 =	sne.s32 s22, $0xF800;
	s23 =	sadd.s32 $0x10, s23;
	s21 =	sadd.s32 $0x10, s21  }
0xc1: {  	[tilespmem:s0], [sflag:$0x2] =	stream.linear.gather [hbm4b:s1+s3], $0x20, $0x38;
	[tilespmem:$0x8700] =	vst v63  }
0xc2: {  	s0 =	smov.u32 s22;
	s22 =	sadd.s32 $0x800, s22;
	v0 =	vld [tilespmem:s23+$0x0];
	_ =	sdelay $0x3  }
0xc3: {  	v1 =	vld [tilespmem:s21+$0x0]  }
0xc4: {  	v33 =	vshll.u32 v0, $0x4  }
0xc5: {  	(v2sf) =	vpush v33, $0x0  }
0xc6: {  	(v2sf) =	vpush v33, $0x1  }
0xc7: {  	(v2sf) =	vpush v33, $0x2  }
0xc8: {  	v34 =	vshll.u32 v1, $0x4  }
0xc9: {  	(v2sf) =	vpush v34, $0x0;
	_ =	sdelay $0x1  }
0xca: {  	(v2sf) =	vpush v34, $0x1  }
0xcb: {  	(v2sf) =	vpush v34, $0x2;
	_ =	sdelay $0x3  }
0xcc: {  	(v2sf) =	vpush v33, $0x3;
	_ =	sdelay $0x3  }
0xcd: {  	s1 =	spop (v2sf);
	(v2sf) =	vpush v34, $0x3  }
0xce: {  	s24 =	sshra.s32 s0, $0x2;
	s0 =	sand.u32 $0x1FFFFFF0, s1;
	s1 =	spop (v2sf)  }
0xcf: {  	s2 =	sadd.s32 $0x400, s24;
	s0 =	sadd.s32 s5, s0;
	s4 =	spop (v2sf)  }
0xd0: {  	[tilespmem:s2], [sflag:$0x1] =	stream.strided.gather [hbm4b:s0+s14], $0x0, s15, s14, $0x38;
	[tilespmem:$0x8700] =	vst v63  }
0xd1: {  	s1 =	sand.u32 $0x1FFFFFF0, s1;
	s4 =	sand.u32 $0x1FFFFFF0, s4;
	s7 =	spop (v2sf);
	(v2sf) =	vpush v33, $0x4  }
0xd2: {  	[tilespmem:s2], [sflag:$0x1] =	stream.linear.gather [hbm4b:s0+s3], $0x20, $0x38;
	[tilespmem:$0x8700] =	vst v63  }
0xd3: {  	s0 =	sadd.s32 $0x4400, s24;
	s2 =	sand.u32 $0x1FFFFFF0, s7;
	s7 =	spop (v2sf);
	(v2sf) =	vpush v34, $0x4  }
0xd4: {  	s2 =	sadd.s32 s6, s2;
	s7 =	sand.u32 $0x1FFFFFF0, s7;
	s8 =	spop (v2sf)  }
0xd5: {  	[tilespmem:s0], [sflag:$0x2] =	stream.strided.gather [hbm4b:s2+s14], $0x0, s15, s14, $0x38;
	(v2sf) =	vpush v33, $0x5;
	[tilespmem:$0x8700] =	vst v63  }
0xd6: {  	s12 =	sadd.s32 $0x420, s24;
	s1 =	sadd.s32 s5, s1;
	s8 =	sand.u32 $0x1FFFFFF0, s8  }
0xd7: {  	[tilespmem:s0], [sflag:$0x2] =	stream.linear.gather [hbm4b:s2+s3], $0x20, $0x38;
	(v2sf) =	vpush v34, $0x5;
	[tilespmem:$0x8700] =	vst v63  }
0xd8: {  	s0 =	spop (v2sf)  }
0xd9: {  	[tilespmem:s12], [sflag:$0x1] =	stream.strided.gather [hbm4b:s1+s14], $0x0, s15, s14, $0x38;
	(v2sf) =	vpush v33, $0x6;
	[tilespmem:$0x8700] =	vst v63  }
0xda: {  	s7 =	sadd.s32 s6, s7;
	s2 =	sadd.s32 $0x4420, s24;
	s0 =	sand.u32 $0x1FFFFFF0, s0  }
0xdb: {  	[tilespmem:s12], [sflag:$0x1] =	stream.linear.gather [hbm4b:s1+s3], $0x20, $0x38;
	(v2sf) =	vpush v34, $0x6;
	[tilespmem:$0x8700] =	vst v63  }
0xdc: {  	s1 =	spop (v2sf)  }
0xdd: {  	[tilespmem:s2], [sflag:$0x2] =	stream.strided.gather [hbm4b:s7+s14], $0x0, s15, s14, $0x38;
	(v2sf) =	vpush v33, $0x7;
	[tilespmem:$0x8700] =	vst v63  }
0xde: {  	s4 =	sadd.s32 s5, s4;
	s12 =	sadd.s32 $0x440, s24;
	s1 =	sand.u32 $0x1FFFFFF0, s1  }
0xdf: {  	[tilespmem:s2], [sflag:$0x2] =	stream.linear.gather [hbm4b:s7+s3], $0x20, $0x38;
	(v2sf) =	vpush v34, $0x7;
	[tilespmem:$0x8700] =	vst v63  }
0xe0: {  	s2 =	spop (v2sf)  }
0xe1: {  	[tilespmem:s12], [sflag:$0x1] =	stream.strided.gather [hbm4b:s4+s14], $0x0, s15, s14, $0x38;
	(v2sf) =	vpush v33, $0x8;
	[tilespmem:$0x8700] =	vst v63  }
0xe2: {  	s8 =	sadd.s32 s6, s8;
	s7 =	sadd.s32 $0x4440, s24;
	s13 =	spop (v2sf)  }
0xe3: {  	[tilespmem:s12], [sflag:$0x1] =	stream.linear.gather [hbm4b:s4+s3], $0x20, $0x38;
	(v2sf) =	vpush v34, $0x8;
	[tilespmem:$0x8700] =	vst v63  }
0xe4: {  	s4 =	sand.u32 $0x1FFFFFF0, s2;
	s12 =	sand.u32 $0x1FFFFFF0, s13;
	s2 =	spop (v2sf)  }
0xe5: {  	[tilespmem:s7], [sflag:$0x2] =	stream.strided.gather [hbm4b:s8+s14], $0x0, s15, s14, $0x38;
	(v2sf) =	vpush v33, $0x9;
	[tilespmem:$0x8700] =	vst v63  }
0xe6: {  	s19 =	sadd.s32 s5, s0;
	s13 =	sadd.s32 $0x460, s24;
	s0 =	spop (v2sf)  }
0xe7: {  	[tilespmem:s7], [sflag:$0x2] =	stream.linear.gather [hbm4b:s8+s3], $0x20, $0x38;
	(v2sf) =	vpush v34, $0x9;
	[tilespmem:$0x8700] =	vst v63  }
0xe8: {  	s7 =	sand.u32 $0x1FFFFFF0, s2;
	s0 =	sand.u32 $0x1FFFFFF0, s0;
	s2 =	spop (v2sf)  }
0xe9: {  	[tilespmem:s13], [sflag:$0x1] =	stream.strided.gather [hbm4b:s19+s14], $0x0, s15, s14, $0x38;
	(v2sf) =	vpush v33, $0xA;
	[tilespmem:$0x8700] =	vst v63  }
0xea: {  	s1 =	sadd.s32 s6, s1;
	s8 =	sadd.s32 $0x4460, s24;
	s25 =	spop (v2sf)  }
0xeb: {  	[tilespmem:s13], [sflag:$0x1] =	stream.linear.gather [hbm4b:s19+s3], $0x20, $0x38;
	(v2sf) =	vpush v34, $0xA;
	[tilespmem:$0x8700] =	vst v63  }
0xec: {  	s19 =	sand.u32 $0x1FFFFFF0, s2;
	s2 =	sand.u32 $0x1FFFFFF0, s25;
	s13 =	spop (v2sf)  }
0xed: {  	[tilespmem:s8], [sflag:$0x2] =	stream.strided.gather [hbm4b:s1+s14], $0x0, s15, s14, $0x38;
	(v2sf) =	vpush v33, $0xB;
	[tilespmem:$0x8700] =	vst v63  }
0xee: {  	s26 =	sadd.s32 $0x480, s24;
	s28 =	sadd.s32 s5, s4;
	s25 =	spop (v2sf)  }
0xef: {  	[tilespmem:s8], [sflag:$0x2] =	stream.linear.gather [hbm4b:s1+s3], $0x20, $0x38;
	(v2sf) =	vpush v34, $0xB;
	[tilespmem:$0x8700] =	vst v63  }
0xf0: {  	s4 =	sand.u32 $0x1FFFFFF0, s13;
	s25 =	sand.u32 $0x1FFFFFF0, s25;
	s1 =	spop (v2sf)  }
0xf1: {  	[tilespmem:s26], [sflag:$0x1] =	stream.strided.gather [hbm4b:s28+s14], $0x0, s15, s14, $0x38;
	(v2sf) =	vpush v33, $0xC;
	[tilespmem:$0x8700] =	vst v63  }
0xf2: {  	s12 =	sadd.s32 s6, s12;
	s8 =	sadd.s32 $0x4480, s24;
	s13 =	spop (v2sf)  }
0xf3: {  	[tilespmem:s26], [sflag:$0x1] =	stream.linear.gather [hbm4b:s28+s3], $0x20, $0x38;
	(v2sf) =	vpush v34, $0xC;
	[tilespmem:$0x8700] =	vst v63  }
0xf4: {  	s26 =	sand.u32 $0x1FFFFFF0, s1;
	s13 =	sand.u32 $0x1FFFFFF0, s13;
	s1 =	spop (v2sf)  }
0xf5: {  	[tilespmem:s8], [sflag:$0x2] =	stream.strided.gather [hbm4b:s12+s14], $0x0, s15, s14, $0x38;
	(v2sf) =	vpush v33, $0xD;
	[tilespmem:$0x8700] =	vst v63  }
0xf6: {  	s7 =	sadd.s32 s5, s7;
	s28 =	sadd.s32 $0x4A0, s24;
	s29 =	spop (v2sf)  }
0xf7: {  	[tilespmem:s8], [sflag:$0x2] =	stream.linear.gather [hbm4b:s12+s3], $0x20, $0x38;
	(v2sf) =	vpush v34, $0xD;
	[tilespmem:$0x8700] =	vst v63  }
0xf8: {  	s8 =	sand.u32 $0x1FFFFFF0, s1;
	s12 =	sand.u32 $0x1FFFFFF0, s29;
	s1 =	spop (v2sf)  }
0xf9: {  	[tilespmem:s28], [sflag:$0x1] =	stream.strided.gather [hbm4b:s7+s14], $0x0, s15, s14, $0x38;
	(v2sf) =	vpush v33, $0xE;
	[tilespmem:$0x8700] =	vst v63  }
0xfa: {  	s0 =	sadd.s32 s6, s0;
	s29 =	sadd.s32 $0x44A0, s24;
	s30 =	spop (v2sf)  }
0xfb: {  	[tilespmem:s28], [sflag:$0x1] =	stream.linear.gather [hbm4b:s7+s3], $0x20, $0x38;
	[tilespmem:$0x8700] =	vst v63  }
0xfc: {  	s7 =	sand.u32 $0x1FFFFFF0, s1;
	s1 =	sand.u32 $0x1FFFFFF0, s30;
	s28 =	spop (v2sf)  }
0xfd: {  	[tilespmem:s29], [sflag:$0x2] =	stream.strided.gather [hbm4b:s0+s14], $0x0, s15, s14, $0x38;
	(v2sf) =	vpush v34, $0xE;
	[tilespmem:$0x8700] =	vst v63  }
0xfe: {  	s31 =	sadd.s32 s5, s19;
	s30 =	sadd.s32 $0x4C0, s24;
	s9 =	spop (v2sf)  }
0xff: {  	[tilespmem:s29], [sflag:$0x2] =	stream.linear.gather [hbm4b:s0+s3], $0x20, $0x38;
	(v2sf) =	vpush v33, $0xF;
	[tilespmem:$0x8700] =	vst v63  }
0x100: {  	s19 =	sand.u32 $0x1FFFFFF0, s28;
	s0 =	sand.u32 $0x1FFFFFF0, s9;
	s9 =	spop (v2sf)  }
0x101: {  	[tilespmem:s30], [sflag:$0x1] =	stream.strided.gather [hbm4b:s31+s14], $0x0, s15, s14, $0x38;
	(v2sf) =	vpush v34, $0xF;
	[tilespmem:$0x8700] =	vst v63  }
0x102: {  	s28 =	sadd.s32 $0x44C0, s24;
	s29 =	sadd.s32 s6, s2;
	s10 =	spop (v2sf)  }
0x103: {  	[tilespmem:s30], [sflag:$0x1] =	stream.linear.gather [hbm4b:s31+s3], $0x20, $0x38;
	[tilespmem:$0x8700] =	vst v63  }
0x104: {  	s2 =	sand.u32 $0x1FFFFFF0, s9;
	s31 =	sand.u32 $0x1FFFFFF0, s10;
	s9 =	spop (v2sf)  }
0x105: {  	[tilespmem:s28], [sflag:$0x2] =	stream.strided.gather [hbm4b:s29+s14], $0x0, s15, s14, $0x38;
	[tilespmem:$0x8700] =	vst v63  }
0x106: {  	s16 =	sadd.s32 s5, s4;
	s10 =	sadd.s32 $0x4E0, s24;
	s30 =	spop (v2sf)  }
0x107: {  	[tilespmem:s28], [sflag:$0x2] =	stream.linear.gather [hbm4b:s29+s3], $0x20, $0x38;
	[tilespmem:$0x8700] =	vst v63  }
0x108: {  	s4 =	sand.u32 $0x1FFFFFF0, s9;
	s30 =	sand.u32 $0x1FFFFFF0, s30;
	s9 =	spop (v2sf)  }
0x109: {  	[tilespmem:s10], [sflag:$0x1] =	stream.strided.gather [hbm4b:s16+s14], $0x0, s15, s14, $0x38;
	[tilespmem:$0x8700] =	vst v63  }
0x10a: {  	s17 =	sadd.s32 $0x44E0, s24;
	s25 =	sadd.s32 s6, s25;
	s28 =	sand.u32 $0x1FFFFFF0, s9  }
0x10b: {  	[tilespmem:s10], [sflag:$0x1] =	stream.linear.gather [hbm4b:s16+s3], $0x20, $0x38;
	[tilespmem:$0x8700] =	vst v63  }
0x10c: {  	s29 =	spop (v2sf)  }
0x10d: {  	[tilespmem:s17], [sflag:$0x2] =	stream.strided.gather [hbm4b:s25+s14], $0x0, s15, s14, $0x38;
	[tilespmem:$0x8700] =	vst v63  }
0x10e: {  	s9 =	sadd.s32 $0x500, s24;
	s10 =	sadd.s32 s5, s26;
	s16 =	spop (v2sf)  }
0x10f: {  	[tilespmem:s17], [sflag:$0x2] =	stream.linear.gather [hbm4b:s25+s3], $0x20, $0x38;
	[tilespmem:$0x8700] =	vst v63  }
0x110: {  	s26 =	sand.u32 $0x1FFFFFF0, s16;
	s25 =	spop (v2sf)  }
0x111: {  	[tilespmem:s9], [sflag:$0x1] =	stream.strided.gather [hbm4b:s10+s14], $0x0, s15, s14, $0x38;
	[tilespmem:$0x8700] =	vst v63  }
0x112: {  	s13 =	sadd.s32 s6, s13;
	s16 =	sadd.s32 $0x4500, s24  }
0x113: {  	[tilespmem:s9], [sflag:$0x1] =	stream.linear.gather [hbm4b:s10+s3], $0x20, $0x38;
	[tilespmem:$0x8700] =	vst v63  }
0x114: {  	_ = 	snop  }
0x115: {  	[tilespmem:s16], [sflag:$0x2] =	stream.strided.gather [hbm4b:s13+s14], $0x0, s15, s14, $0x38;
	[tilespmem:$0x8700] =	vst v63  }
0x116: {  	s8 =	sadd.s32 s5, s8;
	s9 =	sadd.s32 $0x520, s24  }
0x117: {  	[tilespmem:s16], [sflag:$0x2] =	stream.linear.gather [hbm4b:s13+s3], $0x20, $0x38;
	[tilespmem:$0x8700] =	vst v63  }
0x118: {  	_ = 	snop  }
0x119: {  	[tilespmem:s9], [sflag:$0x1] =	stream.strided.gather [hbm4b:s8+s14], $0x0, s15, s14, $0x38;
	[tilespmem:$0x8700] =	vst v63  }
0x11a: {  	s12 =	sadd.s32 s6, s12;
	s10 =	sadd.s32 $0x4520, s24  }
0x11b: {  	[tilespmem:s9], [sflag:$0x1] =	stream.linear.gather [hbm4b:s8+s3], $0x20, $0x38;
	[tilespmem:$0x8700] =	vst v63  }
0x11c: {  	_ = 	snop  }
0x11d: {  	[tilespmem:s10], [sflag:$0x2] =	stream.strided.gather [hbm4b:s12+s14], $0x0, s15, s14, $0x38;
	[tilespmem:$0x8700] =	vst v63  }
0x11e: {  	s7 =	sadd.s32 s5, s7;
	s8 =	sadd.s32 $0x540, s24  }
0x11f: {  	[tilespmem:s10], [sflag:$0x2] =	stream.linear.gather [hbm4b:s12+s3], $0x20, $0x38;
	[tilespmem:$0x8700] =	vst v63  }
0x120: {  	_ = 	snop  }
0x121: {  	[tilespmem:s8], [sflag:$0x1] =	stream.strided.gather [hbm4b:s7+s14], $0x0, s15, s14, $0x38;
	[tilespmem:$0x8700] =	vst v63  }
0x122: {  	s1 =	sadd.s32 s6, s1;
	s9 =	sadd.s32 $0x4540, s24  }
0x123: {  	[tilespmem:s8], [sflag:$0x1] =	stream.linear.gather [hbm4b:s7+s3], $0x20, $0x38;
	[tilespmem:$0x8700] =	vst v63  }
0x124: {  	_ = 	snop  }
0x125: {  	[tilespmem:s9], [sflag:$0x2] =	stream.strided.gather [hbm4b:s1+s14], $0x0, s15, s14, $0x38;
	[tilespmem:$0x8700] =	vst v63  }
0x126: {  	s7 =	sadd.s32 $0x560, s24;
	s8 =	sadd.s32 s5, s19  }
0x127: {  	[tilespmem:s9], [sflag:$0x2] =	stream.linear.gather [hbm4b:s1+s3], $0x20, $0x38;
	[tilespmem:$0x8700] =	vst v63  }
0x128: {  	_ = 	snop  }
0x129: {  	[tilespmem:s7], [sflag:$0x1] =	stream.strided.gather [hbm4b:s8+s14], $0x0, s15, s14, $0x38;
	[tilespmem:$0x8700] =	vst v63  }
0x12a: {  	s0 =	sadd.s32 s6, s0;
	s1 =	sadd.s32 $0x4560, s24  }
0x12b: {  	[tilespmem:s7], [sflag:$0x1] =	stream.linear.gather [hbm4b:s8+s3], $0x20, $0x38;
	[tilespmem:$0x8700] =	vst v63  }
0x12c: {  	_ = 	snop  }
0x12d: {  	[tilespmem:s1], [sflag:$0x2] =	stream.strided.gather [hbm4b:s0+s14], $0x0, s15, s14, $0x38;
	[tilespmem:$0x8700] =	vst v63  }
0x12e: {  	s2 =	sadd.s32 s5, s2;
	s7 =	sadd.s32 $0x580, s24  }
0x12f: {  	[tilespmem:s1], [sflag:$0x2] =	stream.linear.gather [hbm4b:s0+s3], $0x20, $0x38;
	[tilespmem:$0x8700] =	vst v63  }
0x130: {  	_ = 	snop  }
0x131: {  	[tilespmem:s7], [sflag:$0x1] =	stream.strided.gather [hbm4b:s2+s14], $0x0, s15, s14, $0x38;
	[tilespmem:$0x8700] =	vst v63  }
0x132: {  	s0 =	sadd.s32 $0x4580, s24;
	s1 =	sadd.s32 s6, s31  }
0x133: {  	[tilespmem:s7], [sflag:$0x1] =	stream.linear.gather [hbm4b:s2+s3], $0x20, $0x38;
	[tilespmem:$0x8700] =	vst v63  }
0x134: {  	_ = 	snop  }
0x135: {  	[tilespmem:s0], [sflag:$0x2] =	stream.strided.gather [hbm4b:s1+s14], $0x0, s15, s14, $0x38;
	[tilespmem:$0x8700] =	vst v63  }
0x136: {  	s4 =	sadd.s32 s5, s4;
	s2 =	sadd.s32 $0x5A0, s24  }
0x137: {  	[tilespmem:s0], [sflag:$0x2] =	stream.linear.gather [hbm4b:s1+s3], $0x20, $0x38;
	[tilespmem:$0x8700] =	vst v63  }
0x138: {  	_ = 	snop  }
0x139: {  	[tilespmem:s2], [sflag:$0x1] =	stream.strided.gather [hbm4b:s4+s14], $0x0, s15, s14, $0x38;
	[tilespmem:$0x8700] =	vst v63  }
0x13a: {  	s0 =	sadd.s32 $0x45A0, s24;
	s1 =	sadd.s32 s6, s30  }
0x13b: {  	[tilespmem:s2], [sflag:$0x1] =	stream.linear.gather [hbm4b:s4+s3], $0x20, $0x38;
	[tilespmem:$0x8700] =	vst v63  }
0x13c: {  	_ = 	snop  }
0x13d: {  	[tilespmem:s0], [sflag:$0x2] =	stream.strided.gather [hbm4b:s1+s14], $0x0, s15, s14, $0x38;
	[tilespmem:$0x8700] =	vst v63  }
0x13e: {  	s2 =	sadd.s32 $0x5C0, s24;
	s4 =	sadd.s32 s5, s28  }
0x13f: {  	[tilespmem:s0], [sflag:$0x2] =	stream.linear.gather [hbm4b:s1+s3], $0x20, $0x38;
	[tilespmem:$0x8700] =	vst v63  }
0x140: {  	s0 =	sand.u32 $0x1FFFFFF0, s29  }
0x141: {  	[tilespmem:s2], [sflag:$0x1] =	stream.strided.gather [hbm4b:s4+s14], $0x0, s15, s14, $0x38;
	[tilespmem:$0x8700] =	vst v63  }
0x142: {  	s1 =	sadd.s32 $0x45C0, s24;
	s0 =	sadd.s32 s6, s0  }
0x143: {  	[tilespmem:s2], [sflag:$0x1] =	stream.linear.gather [hbm4b:s4+s3], $0x20, $0x38;
	[tilespmem:$0x8700] =	vst v63  }
0x144: {  	_ = 	snop  }
0x145: {  	[tilespmem:s1], [sflag:$0x2] =	stream.strided.gather [hbm4b:s0+s14], $0x0, s15, s14, $0x38;
	[tilespmem:$0x8700] =	vst v63  }
0x146: {  	s2 =	sadd.s32 $0x5E0, s24;
	s4 =	sadd.s32 s5, s26  }
0x147: {  	[tilespmem:s1], [sflag:$0x2] =	stream.linear.gather [hbm4b:s0+s3], $0x20, $0x38;
	[tilespmem:$0x8700] =	vst v63  }
0x148: {  	s1 =	sand.u32 $0x1FFFFFF0, s25  }
0x149: {  	[tilespmem:s2], [sflag:$0x1] =	stream.strided.gather [hbm4b:s4+s14], $0x0, s15, s14, $0x38;
	[tilespmem:$0x8700] =	vst v63  }
.Ltmp0:
0x14a: {  	_ = 	snop;
	(pc) =	sbr.rel @p0 .LBB2_2-.Ltmp0, $4  }
0x14b: {  	s0 =	sadd.s32 $0x45E0, s24;
	s1 =	sadd.s32 s6, s1  }
0x14c: {  	[tilespmem:s2], [sflag:$0x1] =	stream.linear.gather [hbm4b:s4+s3], $0x20, $0x38;
	[tilespmem:$0x8700] =	vst v63  }
0x14d: {  	_ = 	snop  }
0x14e: {  	[tilespmem:s0], [sflag:$0x2] =	stream.strided.gather [hbm4b:s1+s14], $0x0, s15, s14, $0x38;
	[tilespmem:$0x8700] =	vst v63  }
0x14f: {  	[tilespmem:s0], [sflag:$0x2] =	stream.linear.gather [hbm4b:s1+s3], $0x20, $0x38;
	[tilespmem:$0x8700] =	vst v63  }
0x150: {  	s28 =	simm.s32 $0x1  }
0x151: {  	_ =	swait.ge [sflag:s28], $0x4000  }
0x152: {  	[sflag:s28] =	ssyncset.done $0x0  }
0x153: {  	s29 =	simm.s32 $0x2;
	[sflag:s28] =	ssyncadd.s32 $0xFFFFC000  }
0x154: {  	s2 =	simm.s32 $0x0;
	v16 =	vld [tilespmem:$0x1FE20];
	_ =	swait.ge [sflag:s29], $0x4000  }
0x155: {  	v0 =	vmov s2;
	v14 =	vld [tilespmem:$0x1FEB0]  }
0x156: {  	v0 =	vshll.u32 v0, $0x5;
	v17 =	vld [tilespmem:$0x1FE30]  }
0x157: {  	v0 =	vor.u32 v7, v0;
	v18 =	vld [tilespmem:$0x1FE40]  }
0x158: {  	v33 =	vand.u32 $0x3F80, v0;
	v19 =	vld [tilespmem:$0x1FE50]  }
0x159: {  	v20 =	vld [tilespmem:$0x1FE60];
	v0 =	vor.u32 v16, v33  }
0x15a: {  	v22 =	vld [tilespmem:$0x1FE70]  }
0x15b: {  	v24 =	vld [tilespmem:$0x1FE80];
	v1 =	vor.u32 v14, v33  }
0x15c: {  	[sflag:s29] =	ssyncset.done $0x0;
	v25 =	vld [tilespmem:$0x1FE90]  }
0x15d: {  	v26 =	vld [tilespmem:$0x1FEA0];
	[sflag:s29] =	ssyncadd.s32 $0xFFFFC000;
	v2 =	vor.u32 v17, v33  }
0x15e: {  	v41 =	vld.idx.msk [tilespmem:v0+s18+$0x0], $0xffff  }
0x15f: {  	v47 =	vor.u32 v18, v33;
	v44 =	vld.idx.msk [tilespmem:v0+s15+$0x0], $0xffff  }
0x160: {  	v38 =	vld.idx.msk [tilespmem:v1+s15+$0x0], $0xffff  }
0x161: {  	v60 =	vor.u32 v19, v33;
	v48 =	vld.idx.msk [tilespmem:v1+s18+$0x0], $0xffff  }
0x162: {  	v50 =	vld.idx.msk [tilespmem:v2+s15+$0x0], $0xffff  }
0x163: {  	v9 =	vor.u32 v20, v33;
	v52 =	vld.idx.msk [tilespmem:v2+s18+$0x0], $0xffff  }
0x164: {  	v53 =	vld.idx.msk [tilespmem:v47+s15+$0x0], $0xffff  }
0x165: {  	v10 =	vor.u32 v22, v33;
	v54 =	vld.idx.msk [tilespmem:v47+s18+$0x0], $0xffff;
	v3 =	vmul.f32 v44, v44;
	v4 =	vmul.f32 v38, v38  }
0x166: {  	v51 =	vld.idx.msk [tilespmem:v60+s15+$0x0], $0xffff;
	v5 =	vmul.f32 v41, v41;
	v6 =	vmul.f32 v48, v48  }
0x167: {  	v11 =	vor.u32 v24, v33;
	v55 =	vld.idx.msk [tilespmem:v60+s18+$0x0], $0xffff;
	v35 =	vmul.f32 v50, v50;
	v3 =	vadd.f32 v3, v4  }
0x168: {  	v46 =	vld.idx.msk [tilespmem:v9+s15+$0x0], $0xffff;
	v36 =	vmul.f32 v52, v52;
	v5 =	vadd.f32 v5, v6  }
0x169: {  	v37 =	vor.u32 v25, v33;
	v49 =	vld.idx.msk [tilespmem:v9+s18+$0x0], $0xffff;
	v32 =	vmul.f32 v53, v53;
	v3 =	vadd.f32 v35, v3  }
0x16a: {  	v45 =	vld.idx.msk [tilespmem:v10+s15+$0x0], $0xffff;
	v34 =	vmul.f32 v54, v54;
	v5 =	vadd.f32 v36, v5  }
0x16b: {  	v47 =	vld.idx.msk [tilespmem:v10+s18+$0x0], $0xffff;
	v60 =	vmul.f32 v51, v51;
	v35 =	vor.u32 v26, v33;
	v3 =	vadd.f32 v32, v3  }
0x16c: {  	v13 =	vld.idx.msk [tilespmem:v11+s15+$0x0], $0xffff;
	v9 =	vmul.f32 v55, v55;
	v5 =	vadd.f32 v34, v5  }
0x16d: {  	v43 =	vld.idx.msk [tilespmem:v11+s18+$0x0], $0xffff;
	v1 =	vor.u32 v8, v33;
	v10 =	vmul.f32 v46, v46;
	v3 =	vadd.f32 v60, v3  }
0x16e: {  	v40 =	vld.idx.msk [tilespmem:v37+s15+$0x0], $0xffff;
	v11 =	vmul.f32 v49, v49;
	v5 =	vadd.f32 v9, v5  }
0x16f: {  	v42 =	vld.idx.msk [tilespmem:v37+s18+$0x0], $0xffff;
	v2 =	vor.u32 v56, v33;
	v32 =	vmul.f32 v45, v45;
	v3 =	vadd.f32 v10, v3  }
0x170: {  	v34 =	vmul.f32 v47, v47;
	v36 =	vld.idx.msk [tilespmem:v35+s15+$0x0], $0xffff;
	v5 =	vadd.f32 v11, v5  }
0x171: {  	v37 =	vld.idx.msk [tilespmem:v35+s18+$0x0], $0xffff;
	v35 =	vmul.f32 v13, v13;
	v3 =	vadd.f32 v32, v3  }
0x172: {  	v0 =	vor.u32 v57, v33;
	v60 =	vmul.f32 v43, v43;
	v10 =	vld.idx.msk [tilespmem:v1+s15+$0x0], $0xffff;
	v5 =	vadd.f32 v34, v5  }
0x173: {  	v29 =	vmov v7;
	v12 =	vld.idx.msk [tilespmem:v1+s18+$0x0], $0xffff;
	v34 =	vmul.f32 v40, v40;
	v32 =	vadd.f32 v35, v3  }
0x174: {  	v7 =	vld.idx.msk [tilespmem:v2+s15+$0x0], $0xffff;
	v9 =	vor.u32 v15, v33;
	v35 =	vmul.f32 v42, v42;
	v5 =	vadd.f32 v60, v5  }
0x175: {  	v11 =	vld.idx.msk [tilespmem:v2+s18+$0x0], $0xffff;
	v2 =	vor.u32 v39, v33;
	v39 =	vmul.f32 v36, v36;
	v1 =	vadd.f32 v34, v32  }
0x176: {  	v30 =	vmovc v8;
	v27 =	vmov v56;
	v6 =	vmul.f32 v37, v37;
	v5 =	vadd.f32 v35, v5  }
0x177: {  	v56 =	vor.u32 v58, v33;
	v8 =	vld.idx.msk [tilespmem:v0+s18+$0x0], $0xffff;
	v60 =	vadd.f32 v39, v1;
	v39 =	vmul.f32 v10, v10  }
0x178: {  	v4 =	vld.idx.msk [tilespmem:v0+s15+$0x0], $0xffff;
	v34 =	vor.u32 v21, v33;
	v35 =	vmul.f32 v12, v12;
	v6 =	vadd.f32 v6, v5  }
0x179: {  	v5 =	vld.idx.msk [tilespmem:v9+s18+$0x0], $0xffff;
	v32 =	vmov v58;
	v58 =	vmul.f32 v7, v7;
	v3 =	vadd.f32 v39, v60  }
0x17a: {  	v15 =	vld.idx.msk [tilespmem:v2+s15+$0x0], $0xffff;
	v60 =	vmul.f32 v11, v11;
	v6 =	vadd.f32 v35, v6  }
0x17b: {  	v2 =	vld.idx.msk [tilespmem:v2+s18+$0x0], $0xffff;
	v35 =	vadd.f32 v58, v3  }
0x17c: {  	v1 =	vld.idx.msk [tilespmem:v9+s15+$0x0], $0xffff;
	v58 =	vor.u32 v59, v33;
	v59 =	vmul.f32 v8, v8;
	v60 =	vadd.f32 v60, v6  }
0x17d: {  	v9 =	vld.idx.msk [tilespmem:v34+s18+$0x0], $0xffff  }
0x17e: {  	v39 =	vor.u32 v62, v33;
	v62 =	vmul.f32 v5, v5;
	v59 =	vadd.f32 v59, v60  }
0x17f: {  	v48 =	vmul.f32 v48, v38  }
0x180: {  	v23 =	vld [tilespmem:$0x1FEC0];
	v60 =	vor.u32 v63, v33;
	v63 =	vmul.f32 v2, v2;
	v59 =	vadd.f32 v62, v59  }
0x181: {  	v28 =	vmov v57;
	v48 =	vadd.f32 $0.0e+00, v48;
	v57 =	vmul.f32 v4, v4;
	v21 =	vld [tilespmem:$0x1FF90]  }
0x182: {  	v3 =	vld.idx.msk [tilespmem:v34+s15+$0x0], $0xffff;
	v62 =	vmul.f32 v9, v9;
	v59 =	vadd.f32 v63, v59;
	v63 =	vmul.f32 v41, v44  }
0x183: {  	v6 =	vld.idx.msk [tilespmem:v56+s18+$0x0], $0xffff;
	v0 =	vmul.f32 v1, v1;
	v35 =	vadd.f32 v57, v35  }
0x184: {  	v52 =	vmul.f32 v52, v50;
	v34 =	vld.idx.msk [tilespmem:v56+s15+$0x0], $0xffff;
	v59 =	vadd.f32 v62, v59;
	v62 =	vadd.f32 v63, v48  }
0x185: {  	v56 =	vadd.f32 v0, v35;
	v0 =	vor.u32 v31, v33;
	v31 =	vld [tilespmem:$0x1FF20]  }
0x186: {  	v61 =	vor.u32 v61, v33;
	v53 =	vmul.f32 v54, v53;
	v35 =	vld.idx.msk [tilespmem:v58+s15+$0x0], $0xffff;
	v52 =	vadd.f32 v52, v62  }
0x187: {  	v57 =	vmul.f32 v15, v15;
	v38 =	vld.idx.msk [tilespmem:v58+s18+$0x0], $0xffff  }
0x188: {  	v51 =	vmul.f32 v55, v51;
	v58 =	vor.u32 v21, v33;
	v21 =	vld [tilespmem:$0x1FF50];
	v52 =	vadd.f32 v53, v52  }
0x189: {  	v54 =	vor.u32 v23, v33;
	v23 =	vld [tilespmem:$0x1FF30];
	v56 =	vadd.f32 v57, v56  }
0x18a: {  	v57 =	vmul.f32 v3, v3;
	v51 =	vadd.f32 v51, v52;
	v52 =	vor.u32 v31, v33;
	v31 =	vld [tilespmem:$0x1FED0]  }
0x18b: {  	v41 =	vld.idx.msk [tilespmem:v61+s15+$0x0], $0xffff  }
0x18c: {  	v44 =	vld.idx.msk [tilespmem:v61+s18+$0x0], $0xffff;
	v61 =	vmul.f32 v34, v34;
	v56 =	vadd.f32 v57, v56;
	v57 =	vmul.f32 v6, v6  }
0x18d: {  	v50 =	vld.idx.msk [tilespmem:v60+s15+$0x0], $0xffff;
	v63 =	vor.u32 v21, v33  }
0x18e: {  	v48 =	vld.idx.msk [tilespmem:v60+s18+$0x0], $0xffff;
	v56 =	vadd.f32 v61, v56;
	v57 =	vadd.f32 v57, v59;
	v59 =	vmul.f32 v35, v35  }
0x18f: {  	v45 =	vmul.f32 v47, v45;
	v60 =	vmul.f32 v38, v38;
	v47 =	vor.u32 v31, v33;
	v31 =	vld [tilespmem:$0x1FEE0]  }
0x190: {  	v46 =	vmul.f32 v49, v46;
	v61 =	vld.idx.msk [tilespmem:v0+s15+$0x0], $0xffff;
	v56 =	vadd.f32 v59, v56  }
0x191: {  	v0 =	vld.idx.msk [tilespmem:v0+s18+$0x0], $0xffff;
	v59 =	vmul.f32 v41, v41;
	v57 =	vadd.f32 v60, v57;
	v60 =	vmul.f32 v44, v44  }
0x192: {  	v53 =	vor.u32 v23, v33;
	v55 =	vld.idx.msk [tilespmem:v63+s15+$0x0], $0xffff;
	v46 =	vadd.f32 v46, v51  }
0x193: {  	v56 =	vadd.f32 v59, v56;
	v57 =	vadd.f32 v60, v57;
	v60 =	vmul.f32 v50, v50;
	v59 =	vld.idx.msk [tilespmem:v63+s18+$0x0], $0xffff  }
0x194: {  	v62 =	vmul.f32 v48, v48;
	v45 =	vadd.f32 v45, v46;
	v46 =	vor.u32 v31, v33;
	v31 =	vld [tilespmem:$0x1FEF0]  }
0x195: {  	v49 =	vld.idx.msk [tilespmem:v58+s18+$0x0], $0xffff;
	v56 =	vadd.f32 v60, v56  }
0x196: {  	v58 =	vld.idx.msk [tilespmem:v58+s15+$0x0], $0xffff;
	v57 =	vadd.f32 v62, v57;
	v60 =	vmul.f32 v61, v61;
	v62 =	vmul.f32 v0, v0  }
0x197: {  	v13 =	vmul.f32 v43, v13;
	v51 =	vld.idx.msk [tilespmem:v53+s15+$0x0], $0xffff  }
0x198: {  	v53 =	vld.idx.msk [tilespmem:v53+s18+$0x0], $0xffff;
	v56 =	vadd.f32 v60, v56;
	v57 =	vadd.f32 v62, v57;
	v60 =	vmul.f32 v55, v55  }
0x199: {  	v62 =	vmul.f32 v59, v59;
	v13 =	vadd.f32 v13, v45;
	v45 =	vor.u32 v31, v33;
	v31 =	vld [tilespmem:$0x1FF00]  }
0x19a: {  	v43 =	vld.idx.msk [tilespmem:v52+s18+$0x0], $0xffff  }
0x19b: {  	v52 =	vld.idx.msk [tilespmem:v52+s15+$0x0], $0xffff;
	v56 =	vadd.f32 v60, v56;
	v57 =	vadd.f32 v62, v57;
	v62 =	vmul.f32 v58, v58  }
0x19c: {  	v40 =	vmul.f32 v42, v40;
	v42 =	vld.idx.msk [tilespmem:v54+s18+$0x0], $0xffff;
	v60 =	vmul.f32 v49, v49  }
0x19d: {  	v54 =	vld.idx.msk [tilespmem:v54+s15+$0x0], $0xffff;
	v36 =	vmul.f32 v37, v36;
	v56 =	vadd.f32 v62, v56  }
0x19e: {  	v57 =	vadd.f32 v60, v57;
	v60 =	vmul.f32 v51, v51;
	v37 =	vor.u32 v31, v33;
	v31 =	vld [tilespmem:$0x1FF10]  }
0x19f: {  	v13 =	vadd.f32 v40, v13;
	v62 =	vmul.f32 v53, v53;
	v40 =	vld.idx.msk [tilespmem:v47+s18+$0x0], $0xffff  }
0x1a0: {  	v47 =	vld.idx.msk [tilespmem:v47+s15+$0x0], $0xffff;
	v63 =	vmul.f32 v52, v52;
	v56 =	vadd.f32 v60, v56  }
0x1a1: {  	v10 =	vmul.f32 v12, v10;
	v60 =	vmul.f32 v43, v43;
	v57 =	vadd.f32 v62, v57;
	v62 =	vld.idx.msk [tilespmem:v46+s18+$0x0], $0xffff  }
0x1a2: {  	v12 =	vmul.f32 v42, v42;
	v13 =	vadd.f32 v36, v13;
	v36 =	vadd.f32 v63, v56;
	v46 =	vld.idx.msk [tilespmem:v46+s15+$0x0], $0xffff  }
0x1a3: {  	v57 =	vadd.f32 v60, v57;
	v60 =	vmul.f32 v54, v54;
	v56 =	vld.idx.msk [tilespmem:v45+s18+$0x0], $0xffff;
	v33 =	vor.u32 v31, v33  }
0x1a4: {  	v7 =	vmul.f32 v11, v7;
	v10 =	vadd.f32 v10, v13;
	v11 =	vmul.f32 v40, v40;
	v45 =	vld.idx.msk [tilespmem:v45+s15+$0x0], $0xffff  }
0x1a5: {  	v36 =	vadd.f32 v60, v36;
	v12 =	vadd.f32 v12, v57;
	v60 =	vmul.f32 v47, v47;
	v13 =	vld.idx.msk [tilespmem:v37+s18+$0x0], $0xffff  }
0x1a6: {  	v4 =	vmul.f32 v8, v4;
	v7 =	vadd.f32 v7, v10;
	v37 =	vld.idx.msk [tilespmem:v37+s15+$0x0], $0xffff  }
0x1a7: {  	v36 =	vadd.f32 v60, v36;
	v11 =	vadd.f32 v11, v12;
	v12 =	vmul.f32 v46, v46  }
0x1a8: {  	v1 =	vmul.f32 v5, v1;
	v63 =	vmul.f32 v62, v62;
	v10 =	vld.idx.msk [tilespmem:v33+s18+$0x0], $0xffff  }
0x1a9: {  	v4 =	vadd.f32 v4, v7;
	v12 =	vadd.f32 v12, v36;
	v60 =	vmul.f32 v45, v45;
	v33 =	vld.idx.msk [tilespmem:v33+s15+$0x0], $0xffff  }
0x1aa: {  	v2 =	vmul.f32 v2, v15;
	v8 =	vadd.f32 v63, v11;
	v36 =	vld.idx.msk [tilespmem:v39+s15+$0x0], $0xffff;
	v57 =	vmul.f32 v56, v56  }
0x1ab: {  	v7 =	vld.idx.msk [tilespmem:v39+s18+$0x0], $0xffff;
	v1 =	vadd.f32 v1, v4;
	v11 =	vadd.f32 v60, v12;
	v39 =	vmul.f32 v37, v37  }
0x1ac: {  	v5 =	vadd.f32 v57, v8;
	v63 =	vmul.f32 v13, v13  }
0x1ad: {  	v1 =	vadd.f32 v2, v1;
	v57 =	vmul.f32 v9, v3;
	v8 =	vadd.f32 v39, v11  }
0x1ae: {  	v4 =	vadd.f32 v63, v5;
	v60 =	vmul.f32 v10, v10;
	v63 =	vmul.f32 v33, v33  }
0x1af: {  	v9 =	vmul.f32 v6, v34;
	v34 =	vmul.f32 v36, v36;
	v1 =	vadd.f32 v57, v1  }
0x1b0: {  	v11 =	vmul.f32 v7, v7;
	v5 =	vadd.f32 v63, v8;
	v3 =	vadd.f32 v60, v4  }
0x1b1: {  	v35 =	vmul.f32 v38, v35;
	v1 =	vadd.f32 v9, v1  }
0x1b2: {  	v4 =	vadd.f32 v34, v5;
	v3 =	vadd.f32 v11, v3  }
0x1b3: {  	v38 =	vmul.f32 v44, v41;
	v1 =	vadd.f32 v35, v1  }
0x1b4: {  	v4 =	vmax.f32 v4, $9.999999960e-13;
	v3 =	vmax.f32 v3, $9.999999960e-13  }
0x1b5: {  	v39 =	vmul.f32 v48, v50;
	v1 =	vadd.f32 v38, v1;
	v3 =	vmul.f32 v3, v4  }
0x1b6: {  	v0 =	vmul.f32 v0, v61  }
0x1b7: {  	v1 =	vadd.f32 v39, v1;
	v41 =	vshra.s32 v3, $0x1;
	v3 =	vmul.f32 $5.000000000e-01, v3  }
0x1b8: {  	v2 =	vsub.s32 $0x5F3759DF, v41  }
0x1b9: {  	v44 =	vmul.f32 v59, v55;
	v0 =	vadd.f32 v0, v1;
	v48 =	vmul.f32 v2, v3;
	_ =	sdelay $0x1  }
0x1ba: {  	v50 =	vmul.f32 v49, v58;
	v0 =	vadd.f32 v44, v0;
	v4 =	vmul.f32 v2, v48;
	_ =	sdelay $0x1  }
0x1bb: {  	v51 =	vmul.f32 v53, v51;
	v0 =	vadd.f32 v50, v0;
	v4 =	vsub.f32 $1.500000000e+00, v4;
	_ =	sdelay $0x1  }
0x1bc: {  	v52 =	vmul.f32 v43, v52;
	v0 =	vadd.f32 v51, v0;
	v2 =	vmul.f32 v2, v4;
	_ =	sdelay $0x1  }
0x1bd: {  	v53 =	vmul.f32 v42, v54;
	v0 =	vadd.f32 v52, v0;
	v4 =	vmul.f32 v2, v3;
	_ =	sdelay $0x1  }
0x1be: {  	v54 =	vmul.f32 v40, v47;
	v0 =	vadd.f32 v53, v0;
	v4 =	vmul.f32 v4, v2;
	_ =	sdelay $0x1  }
0x1bf: {  	v55 =	vmul.f32 v62, v46;
	v0 =	vadd.f32 v54, v0;
	v4 =	vsub.f32 $1.500000000e+00, v4;
	_ =	sdelay $0x1  }
0x1c0: {  	v57 =	vmul.f32 v56, v45;
	v0 =	vadd.f32 v55, v0;
	v2 =	vmul.f32 v4, v2;
	_ =	sdelay $0x1  }
0x1c1: {  	v58 =	vmul.f32 v13, v37;
	v0 =	vadd.f32 v57, v0;
	v3 =	vmul.f32 v2, v3;
	_ =	sdelay $0x1  }
0x1c2: {  	v59 =	vmul.f32 v10, v33;
	v0 =	vadd.f32 v58, v0;
	v3 =	vmul.f32 v3, v2;
	_ =	sdelay $0x1  }
0x1c3: {  	v60 =	vmul.f32 v7, v36;
	v0 =	vadd.f32 v59, v0;
	v3 =	vsub.f32 $1.500000000e+00, v3  }
0x1c4: {  	v61 =	vld [tilespmem:$0x8400]  }
0x1c5: {  	v0 =	vadd.f32 v60, v0;
	v62 =	vmul.f32 v3, v2  }
0x1c6: {  	v63 =	vld [tilespmem:$0x8480]  }
0x1c7: {  	v0 =	vmul.f32 v62, v0;
	_ =	sdelay $0x1  }
0x1c8: {  	v0 =	vmul.f32 v0, v61;
	_ =	sdelay $0x1  }
0x1c9: {  	v0 =	vadd.f32 v0, v63;
	_ =	sdelay $0x1  }
0x1ca: {  	v0 =	vsub.f32 $0.0e+00, v0;
	_ =	sdelay $0x1  }
0x1cb: {  	v0 =	vmul.f32 $1.442695020e+00, v0;
	_ =	sdelay $0x1  }
0x1cc: {  	(erf) = vpow2.f32 v0;
	_ =	sdelay $0x8  }
0x1cd: {  	v0 =	vpop (erf)  }
0x1ce: {  	v0 =	vadd.f32 $1.000000000e+00, v0;
	_ =	sdelay $0x1  }
0x1cf: {  	(erf) = vrcp.f32 v0  }
0x1d0: {  	s30 =	simm.s32 $0x10  }
0x1d1: {  	v5 =	vmov s30  }
0x1d2: {  	v0 =	vshll.u32 v5, $0x5  }
0x1d3: {  	v0 =	vor.u32 v29, v0  }
0x1d4: {  	v35 =	vand.u32 $0x3F80, v0  }
0x1d5: {  	v0 =	vor.u32 v16, v35;
	_ =	sdelay $0x1  }
0x1d6: {  	v6 =	vor.u32 v14, v35  }
0x1d7: {  	s21 =	simm.s32 $0x8500;
	v7 =	vpop (erf)  }
0x1d8: {  	v8 =	vor.u32 v17, v35;
	[tilespmem:s21+$0x0] =	vst v7  }
0x1d9: {  	v38 =	vld.idx.msk [tilespmem:v0+s18+$0x0], $0xffff  }
0x1da: {  	v9 =	vor.u32 v18, v35;
	v42 =	vld.idx.msk [tilespmem:v0+s15+$0x0], $0xffff  }
0x1db: {  	v36 =	vld.idx.msk [tilespmem:v6+s15+$0x0], $0xffff  }
0x1dc: {  	v10 =	vor.u32 v19, v35;
	v45 =	vld.idx.msk [tilespmem:v6+s18+$0x0], $0xffff  }
0x1dd: {  	v47 =	vld.idx.msk [tilespmem:v8+s15+$0x0], $0xffff  }
0x1de: {  	v11 =	vor.u32 v20, v35;
	v51 =	vld.idx.msk [tilespmem:v8+s18+$0x0], $0xffff  }
0x1df: {  	v52 =	vld.idx.msk [tilespmem:v9+s15+$0x0], $0xffff  }
0x1e0: {  	v33 =	vor.u32 v22, v35;
	v53 =	vld.idx.msk [tilespmem:v9+s18+$0x0], $0xffff  }
0x1e1: {  	v54 =	vld.idx.msk [tilespmem:v10+s15+$0x0], $0xffff  }
0x1e2: {  	v59 =	vor.u32 v25, v35;
	v55 =	vld.idx.msk [tilespmem:v10+s18+$0x0], $0xffff;
	v34 =	vmul.f32 v42, v42;
	v37 =	vmul.f32 v36, v36  }
0x1e3: {  	v49 =	vld.idx.msk [tilespmem:v11+s15+$0x0], $0xffff  }
0x1e4: {  	v41 =	vor.u32 v24, v35;
	v56 =	vld.idx.msk [tilespmem:v11+s18+$0x0], $0xffff;
	v44 =	vmul.f32 v47, v47;
	v3 =	vadd.f32 v34, v37  }
0x1e5: {  	v48 =	vld.idx.msk [tilespmem:v33+s15+$0x0], $0xffff;
	v10 =	vor.u32 v30, v35;
	v39 =	vmul.f32 v38, v38  }
0x1e6: {  	v50 =	vld.idx.msk [tilespmem:v33+s18+$0x0], $0xffff;
	v40 =	vmul.f32 v45, v45;
	v60 =	vmul.f32 v52, v52;
	v3 =	vadd.f32 v44, v3  }
0x1e7: {  	[tilespmem:$0x1FE10] =	vst v63;
	v13 =	vld.idx.msk [tilespmem:v59+s15+$0x0], $0xffff;
	v46 =	vmul.f32 v51, v51  }
0x1e8: {  	v43 =	vld.idx.msk [tilespmem:v59+s18+$0x0], $0xffff;
	v63 =	vmul.f32 v54, v54;
	v5 =	vadd.f32 v39, v40;
	v3 =	vadd.f32 v60, v3  }
0x1e9: {  	[tilespmem:$0x1FE00] =	vst v61;
	v62 =	vor.u32 v26, v35;
	v61 =	vmul.f32 v53, v53;
	v44 =	vld.idx.msk [tilespmem:v41+s15+$0x0], $0xffff  }
0x1ea: {  	v11 =	vmul.f32 v49, v49;
	v37 =	vld.idx.msk [tilespmem:v10+s15+$0x0], $0xffff;
	v5 =	vadd.f32 v46, v5;
	v3 =	vadd.f32 v63, v3  }
0x1eb: {  	v9 =	vmul.f32 v55, v55;
	v39 =	vld.idx.msk [tilespmem:v10+s18+$0x0], $0xffff  }
0x1ec: {  	v57 =	vmul.f32 v48, v48;
	v10 =	vld [tilespmem:$0x1FFD0];
	v5 =	vadd.f32 v61, v5;
	v3 =	vadd.f32 v11, v3  }
0x1ed: {  	v0 =	vor.u32 v28, v35;
	v33 =	vmul.f32 v56, v56;
	v46 =	vld.idx.msk [tilespmem:v41+s18+$0x0], $0xffff  }
0x1ee: {  	v40 =	vld.idx.msk [tilespmem:v62+s15+$0x0], $0xffff;
	v5 =	vadd.f32 v9, v5;
	v59 =	vmul.f32 v44, v44;
	v3 =	vadd.f32 v57, v3  }
0x1ef: {  	v58 =	vmul.f32 v50, v50;
	v34 =	vor.u32 v27, v35;
	v61 =	vld [tilespmem:$0x1FFF0]  }
0x1f0: {  	v41 =	vld.idx.msk [tilespmem:v62+s18+$0x0], $0xffff;
	v62 =	vmul.f32 v13, v13;
	v5 =	vadd.f32 v33, v5;
	v3 =	vadd.f32 v59, v3  }
0x1f1: {  	v6 =	vor.u32 v10, v35  }
0x1f2: {  	v60 =	vmul.f32 v46, v46;
	v5 =	vadd.f32 v58, v5;
	v57 =	vadd.f32 v62, v3;
	v62 =	vld [tilespmem:$0x1FFC0]  }
0x1f3: {  	v8 =	vld.idx.msk [tilespmem:v0+s15+$0x0], $0xffff;
	v63 =	vmul.f32 v43, v43  }
0x1f4: {  	v12 =	vld.idx.msk [tilespmem:v34+s18+$0x0], $0xffff;
	v1 =	vor.u32 v61, v35;
	v58 =	vmul.f32 v40, v40;
	v5 =	vadd.f32 v60, v5  }
0x1f5: {  	v11 =	vld.idx.msk [tilespmem:v34+s15+$0x0], $0xffff;
	v33 =	vmov v10  }
0x1f6: {  	v10 =	vld.idx.msk [tilespmem:v0+s18+$0x0], $0xffff;
	v60 =	vmul.f32 v37, v37;
	v5 =	vadd.f32 v63, v5;
	v63 =	vadd.f32 v58, v57  }
0x1f7: {  	v2 =	vld.idx.msk [tilespmem:v6+s15+$0x0], $0xffff;
	v59 =	vmul.f32 v41, v41;
	v7 =	vor.u32 v62, v35  }
0x1f8: {  	v29 =	vmov v27;
	v0 =	vadd.f32 v60, v63;
	v63 =	vld [tilespmem:$0x1FFB0]  }
0x1f9: {  	v27 =	vmovc v28;
	v28 =	vmov v61;
	v61 =	vmul.f32 v39, v39;
	v4 =	vld.idx.msk [tilespmem:v1+s15+$0x0], $0xffff;
	v5 =	vadd.f32 v59, v5  }
0x1fa: {  	v31 =	vmov v30;
	v9 =	vld.idx.msk [tilespmem:v1+s18+$0x0], $0xffff;
	v30 =	vmov v62;
	v62 =	vmul.f32 v11, v11  }
0x1fb: {  	v58 =	vmul.f32 v12, v12;
	v3 =	vadd.f32 v61, v5;
	v5 =	vld.idx.msk [tilespmem:v6+s18+$0x0], $0xffff  }
0x1fc: {  	v57 =	vor.u32 v32, v35;
	v6 =	vmul.f32 v8, v8;
	v1 =	vadd.f32 v62, v0;
	v21 =	vld.idx.msk [tilespmem:v7+s15+$0x0], $0xffff  }
0x1fd: {  	v58 =	vadd.f32 v58, v3;
	v59 =	vor.u32 v63, v35;
	v3 =	vld.idx.msk [tilespmem:v7+s18+$0x0], $0xffff  }
0x1fe: {  	v7 =	vadd.f32 v6, v1;
	v6 =	vld [tilespmem:$0x1FF60];
	_ =	sdelay $0x1  }
0x1ff: {  	v15 =	vld [tilespmem:$0x1FF80]  }
0x200: {  	v1 =	vld.idx.msk [tilespmem:v57+s18+$0x0], $0xffff  }
0x201: {  	v45 =	vmul.f32 v45, v36;
	v61 =	vmul.f32 v4, v4;
	v36 =	vld.idx.msk [tilespmem:v59+s18+$0x0], $0xffff  }
0x202: {  	v62 =	vor.u32 v6, v35;
	v6 =	vld.idx.msk [tilespmem:v57+s15+$0x0], $0xffff  }
0x203: {  	v60 =	vmul.f32 v10, v10;
	v57 =	vadd.f32 v61, v7;
	v7 =	vld.idx.msk [tilespmem:v59+s15+$0x0], $0xffff  }
0x204: {  	v59 =	vor.u32 v15, v35;
	v15 =	vld [tilespmem:$0x1FF50]  }
0x205: {  	v34 =	vmovc v32;
	v58 =	vadd.f32 v60, v58;
	v32 =	vmov v63;
	v63 =	vmul.f32 v9, v9;
	_ =	sdelay $0x1  }
0x206: {  	v45 =	vadd.f32 $0.0e+00, v45;
	v58 =	vadd.f32 v63, v58;
	v63 =	vmul.f32 v38, v42;
	v38 =	vld.idx.msk [tilespmem:v62+s15+$0x0], $0xffff  }
0x207: {  	v42 =	vld.idx.msk [tilespmem:v62+s18+$0x0], $0xffff  }
0x208: {  	v62 =	vadd.f32 v63, v45;
	v63 =	vor.u32 v15, v35;
	v15 =	vld [tilespmem:$0x1FF90];
	_ =	sdelay $0x2  }
0x209: {  	v61 =	vld [tilespmem:$0x1FF70]  }
0x20a: {  	v51 =	vmul.f32 v51, v47  }
0x20b: {  	v52 =	vmul.f32 v53, v52;
	v53 =	vor.u32 v15, v35;
	v15 =	vld [tilespmem:$0x1FF20]  }
0x20c: {  	v51 =	vadd.f32 v51, v62  }
0x20d: {  	v60 =	vmul.f32 v2, v2;
	v0 =	vmul.f32 v5, v5  }
0x20e: {  	v54 =	vmul.f32 v55, v54;
	v61 =	vor.u32 v61, v35;
	v51 =	vadd.f32 v52, v51  }
0x20f: {  	v0 =	vadd.f32 v0, v58;
	v58 =	vmul.f32 v3, v3;
	v57 =	vadd.f32 v60, v57  }
0x210: {  	v60 =	vmul.f32 v21, v21;
	v51 =	vadd.f32 v54, v51;
	v54 =	vor.u32 v15, v35;
	v15 =	vld [tilespmem:$0x1FEC0];
	_ =	sdelay $0x1  }
0x211: {  	v0 =	vadd.f32 v58, v0;
	v57 =	vadd.f32 v60, v57;
	v60 =	vmul.f32 v1, v1  }
0x212: {  	v58 =	vmul.f32 v6, v6;
	v45 =	vld.idx.msk [tilespmem:v61+s18+$0x0], $0xffff  }
0x213: {  	v48 =	vmul.f32 v50, v48;
	v0 =	vadd.f32 v60, v0;
	v60 =	vmul.f32 v36, v36;
	v47 =	vld.idx.msk [tilespmem:v61+s15+$0x0], $0xffff  }
0x214: {  	v57 =	vadd.f32 v58, v57;
	v58 =	vmul.f32 v7, v7;
	v50 =	vor.u32 v15, v35;
	v15 =	vld [tilespmem:$0x1FED0]  }
0x215: {  	v49 =	vmul.f32 v56, v49;
	v0 =	vadd.f32 v60, v0;
	v61 =	vld.idx.msk [tilespmem:v59+s15+$0x0], $0xffff  }
0x216: {  	v57 =	vadd.f32 v58, v57;
	v58 =	vmul.f32 v38, v38;
	v60 =	vmul.f32 v42, v42  }
0x217: {  	v55 =	vld.idx.msk [tilespmem:v63+s15+$0x0], $0xffff;
	v49 =	vadd.f32 v49, v51  }
0x218: {  	v57 =	vadd.f32 v58, v57;
	v0 =	vadd.f32 v60, v0;
	v60 =	vmul.f32 v47, v47  }
0x219: {  	v48 =	vadd.f32 v48, v49;
	v49 =	vor.u32 v15, v35;
	v15 =	vld [tilespmem:$0x1FEE0]  }
0x21a: {  	v57 =	vadd.f32 v60, v57;
	v60 =	vmul.f32 v61, v61  }
0x21b: {  	v52 =	vor.u32 v23, v35  }
0x21c: {  	v57 =	vadd.f32 v60, v57;
	v60 =	vmul.f32 v55, v55  }
0x21d: {  	v59 =	vld.idx.msk [tilespmem:v59+s18+$0x0], $0xffff  }
0x21e: {  	v57 =	vadd.f32 v60, v57;
	v60 =	vor.u32 v15, v35;
	v15 =	vld [tilespmem:$0x1FEF0]  }
0x21f: {  	v44 =	vmul.f32 v46, v44;
	v58 =	vld.idx.msk [tilespmem:v63+s18+$0x0], $0xffff  }
0x220: {  	v51 =	vld.idx.msk [tilespmem:v52+s15+$0x0], $0xffff;
	v62 =	vmul.f32 v45, v45  }
0x221: {  	v13 =	vmul.f32 v43, v13;
	v56 =	vld.idx.msk [tilespmem:v53+s15+$0x0], $0xffff;
	v44 =	vadd.f32 v44, v48  }
0x222: {  	v53 =	vld.idx.msk [tilespmem:v53+s18+$0x0], $0xffff;
	v0 =	vadd.f32 v62, v0;
	v62 =	vmul.f32 v59, v59  }
0x223: {  	v13 =	vadd.f32 v13, v44;
	v44 =	vor.u32 v15, v35;
	v15 =	vld [tilespmem:$0x1FF00]  }
0x224: {  	v52 =	vld.idx.msk [tilespmem:v52+s18+$0x0], $0xffff;
	v0 =	vadd.f32 v62, v0;
	v62 =	vmul.f32 v58, v58;
	_ =	sdelay $0x1  }
0x225: {  	v40 =	vmul.f32 v41, v40;
	v46 =	vld.idx.msk [tilespmem:v54+s18+$0x0], $0xffff;
	v0 =	vadd.f32 v62, v0;
	v62 =	vmul.f32 v56, v56  }
0x226: {  	v54 =	vld.idx.msk [tilespmem:v54+s15+$0x0], $0xffff;
	v48 =	vmul.f32 v53, v53  }
0x227: {  	v13 =	vadd.f32 v40, v13;
	v57 =	vadd.f32 v62, v57;
	v40 =	vor.u32 v15, v35;
	v15 =	vld [tilespmem:$0x1FF10]  }
0x228: {  	v62 =	vmul.f32 v51, v51;
	v0 =	vadd.f32 v48, v0;
	v48 =	vmul.f32 v52, v52;
	v43 =	vld.idx.msk [tilespmem:v50+s15+$0x0], $0xffff  }
0x229: {  	v50 =	vld.idx.msk [tilespmem:v50+s18+$0x0], $0xffff  }
0x22a: {  	v57 =	vadd.f32 v62, v57;
	v62 =	vmul.f32 v46, v46;
	v0 =	vadd.f32 v48, v0;
	v41 =	vld.idx.msk [tilespmem:v49+s15+$0x0], $0xffff  }
0x22b: {  	v49 =	vld.idx.msk [tilespmem:v49+s18+$0x0], $0xffff  }
0x22c: {  	v48 =	vmul.f32 v54, v54;
	v0 =	vadd.f32 v62, v0;
	v62 =	vor.u32 v15, v35;
	v15 =	vld [tilespmem:$0x1FF40]  }
0x22d: {  	v37 =	vmul.f32 v39, v37;
	v39 =	vld.idx.msk [tilespmem:v60+s18+$0x0], $0xffff  }
0x22e: {  	v48 =	vadd.f32 v48, v57;
	v57 =	vmul.f32 v43, v43;
	v60 =	vld.idx.msk [tilespmem:v60+s15+$0x0], $0xffff  }
0x22f: {  	v11 =	vmul.f32 v12, v11;
	v63 =	vmul.f32 v50, v50  }
0x230: {  	v13 =	vadd.f32 v37, v13;
	v48 =	vadd.f32 v57, v48;
	v57 =	vmul.f32 v41, v41;
	v12 =	vld.idx.msk [tilespmem:v44+s15+$0x0], $0xffff  }
0x231: {  	v0 =	vadd.f32 v63, v0;
	v63 =	vmul.f32 v49, v49;
	v44 =	vld.idx.msk [tilespmem:v44+s18+$0x0], $0xffff;
	v35 =	vor.u32 v15, v35  }
0x232: {  	v8 =	vmul.f32 v10, v8;
	v11 =	vadd.f32 v11, v13;
	v13 =	vadd.f32 v57, v48;
	v10 =	vld.idx.msk [tilespmem:v40+s15+$0x0], $0xffff  }
0x233: {  	v0 =	vadd.f32 v63, v0;
	v48 =	vmul.f32 v39, v39;
	v57 =	vmul.f32 v60, v60;
	v40 =	vld.idx.msk [tilespmem:v40+s18+$0x0], $0xffff  }
0x234: {  	v4 =	vmul.f32 v9, v4;
	v8 =	vadd.f32 v8, v11;
	v9 =	vld.idx.msk [tilespmem:v62+s15+$0x0], $0xffff  }
0x235: {  	v63 =	vadd.f32 v57, v13;
	v0 =	vadd.f32 v48, v0;
	v48 =	vmul.f32 v12, v12;
	v13 =	vld.idx.msk [tilespmem:v62+s18+$0x0], $0xffff  }
0x236: {  	v2 =	vmul.f32 v5, v2;
	v57 =	vmul.f32 v44, v44;
	v5 =	vld.idx.msk [tilespmem:v35+s18+$0x0], $0xffff  }
0x237: {  	v4 =	vadd.f32 v4, v8;
	v11 =	vadd.f32 v48, v63;
	v62 =	vmul.f32 v10, v10;
	v35 =	vld.idx.msk [tilespmem:v35+s15+$0x0], $0xffff  }
0x238: {  	v3 =	vmul.f32 v3, v21;
	v0 =	vadd.f32 v57, v0;
	v63 =	vmul.f32 v40, v40  }
0x239: {  	v2 =	vadd.f32 v2, v4;
	v37 =	vadd.f32 v62, v11;
	v48 =	vmul.f32 v9, v9  }
0x23a: {  	v0 =	vadd.f32 v63, v0;
	v57 =	vmul.f32 v13, v13  }
0x23b: {  	v1 =	vmul.f32 v1, v6;
	v2 =	vadd.f32 v3, v2;
	v62 =	vadd.f32 v48, v37  }
0x23c: {  	v0 =	vadd.f32 v57, v0;
	v63 =	vmul.f32 v5, v5;
	v8 =	vmul.f32 v35, v35  }
0x23d: {  	v1 =	vadd.f32 v1, v2;
	v11 =	vmul.f32 v36, v7  }
0x23e: {  	v3 =	vadd.f32 v8, v62;
	v0 =	vadd.f32 v63, v0  }
0x23f: {  	v36 =	vmul.f32 v42, v38;
	v1 =	vadd.f32 v11, v1  }
0x240: {  	v3 =	vmax.f32 v3, $9.999999960e-13;
	v0 =	vmax.f32 v0, $9.999999960e-13  }
0x241: {  	v1 =	vadd.f32 v36, v1;
	v37 =	vmul.f32 v45, v47;
	v0 =	vmul.f32 v0, v3  }
0x242: {  	v38 =	vmul.f32 v59, v61  }
0x243: {  	v1 =	vadd.f32 v37, v1;
	v42 =	vshra.s32 v0, $0x1;
	v0 =	vmul.f32 $5.000000000e-01, v0  }
0x244: {  	v2 =	vsub.s32 $0x5F3759DF, v42  }
0x245: {  	v45 =	vmul.f32 v58, v55;
	v1 =	vadd.f32 v38, v1;
	v47 =	vmul.f32 v2, v0;
	_ =	sdelay $0x1  }
0x246: {  	v48 =	vmul.f32 v53, v56;
	v1 =	vadd.f32 v45, v1;
	v4 =	vmul.f32 v2, v47;
	_ =	sdelay $0x1  }
0x247: {  	v51 =	vmul.f32 v52, v51;
	v1 =	vadd.f32 v48, v1;
	v4 =	vsub.f32 $1.500000000e+00, v4;
	_ =	sdelay $0x1  }
0x248: {  	v52 =	vmul.f32 v46, v54;
	v1 =	vadd.f32 v51, v1;
	v2 =	vmul.f32 v2, v4;
	_ =	sdelay $0x1  }
0x249: {  	v53 =	vmul.f32 v50, v43;
	v1 =	vadd.f32 v52, v1;
	v4 =	vmul.f32 v2, v0;
	_ =	sdelay $0x1  }
0x24a: {  	v54 =	vmul.f32 v49, v41;
	v1 =	vadd.f32 v53, v1;
	v4 =	vmul.f32 v4, v2;
	_ =	sdelay $0x1  }
0x24b: {  	v55 =	vmul.f32 v39, v60;
	v1 =	vadd.f32 v54, v1;
	v4 =	vsub.f32 $1.500000000e+00, v4;
	_ =	sdelay $0x1  }
0x24c: {  	v56 =	vmul.f32 v44, v12;
	v1 =	vadd.f32 v55, v1;
	v2 =	vmul.f32 v4, v2;
	_ =	sdelay $0x1  }
0x24d: {  	v57 =	vmul.f32 v40, v10;
	v1 =	vadd.f32 v56, v1;
	v0 =	vmul.f32 v2, v0;
	_ =	sdelay $0x1  }
0x24e: {  	v58 =	vmul.f32 v13, v9;
	v1 =	vadd.f32 v57, v1;
	v0 =	vmul.f32 v0, v2;
	_ =	sdelay $0x1  }
0x24f: {  	v59 =	vmul.f32 v5, v35;
	v1 =	vadd.f32 v58, v1;
	v0 =	vsub.f32 $1.500000000e+00, v0  }
0x250: {  	v60 =	vld [tilespmem:$0x1FE00]  }
0x251: {  	v1 =	vadd.f32 v59, v1;
	v0 =	vmul.f32 v0, v2  }
0x252: {  	v61 =	vld [tilespmem:$0x1FE10]  }
0x253: {  	v0 =	vmul.f32 v0, v1;
	_ =	sdelay $0x1  }
0x254: {  	v0 =	vmul.f32 v0, v60;
	_ =	sdelay $0x1  }
0x255: {  	v0 =	vadd.f32 v0, v61;
	_ =	sdelay $0x1  }
0x256: {  	v0 =	vsub.f32 $0.0e+00, v0;
	_ =	sdelay $0x1  }
0x257: {  	v0 =	vmul.f32 $1.442695020e+00, v0;
	_ =	sdelay $0x1  }
0x258: {  	(erf) = vpow2.f32 v0;
	_ =	sdelay $0x5  }
0x259: {  	v63 =	vld [tilespmem:$0x1FFA0];
	_ =	sdelay $0x1  }
0x25a: {  	s31 =	simm.s32 $0x20  }
0x25b: {  	v62 =	vmov s31;
	v0 =	vpop (erf)  }
0x25c: {  	v1 =	vshll.u32 v62, $0x5;
	v0 =	vadd.f32 $1.000000000e+00, v0  }
0x25d: {  	v1 =	vor.u32 v63, v1  }
0x25e: {  	s22 =	simm.s32 $0x30;
	v35 =	vand.u32 $0x3F80, v1;
	(erf) = vrcp.f32 v0  }
.LBB2_4:
0x25f: {  	_ =	sdelay $0x2  }
0x260: {  	v21 =	vld [tilespmem:$0x1FF70]  }
0x261: {  	v1 =	vor.u32 v14, v35;
	v14 =	vld [tilespmem:$0x1FF40]  }
0x262: {  	v3 =	vor.u32 v17, v35;
	v17 =	vld [tilespmem:$0x1FEC0]  }
0x263: {  	v57 =	vor.u32 v19, v35;
	v19 =	vld [tilespmem:$0x1FF60]  }
0x264: {  	v0 =	vor.u32 v16, v35;
	v58 =	vor.u32 v20, v35;
	v20 =	vld [tilespmem:$0x1FF20]  }
0x265: {  	v4 =	vor.u32 v22, v35;
	v22 =	vld [tilespmem:$0x1FF30]  }
0x266: {  	v37 =	vor.u32 v24, v35;
	v24 =	vld [tilespmem:$0x1FF80]  }
0x267: {  	s21 =	sadd.s32 $0x10, s21;
	v40 =	vor.u32 v25, v35;
	v25 =	vld [tilespmem:$0x1FF90];
	v2 =	vpop (erf)  }
0x268: {  	v41 =	vor.u32 v26, v35;
	v26 =	vld [tilespmem:$0x1FF50];
	[tilespmem:s21+$0x0] =	vst v2  }
0x269: {  	v6 =	vld.idx.msk [tilespmem:v0+s18+$0x0], $0xffff  }
0x26a: {  	v56 =	vor.u32 v18, v35;
	v9 =	vld.idx.msk [tilespmem:v0+s15+$0x0], $0xffff  }
0x26b: {  	v5 =	vld.idx.msk [tilespmem:v1+s18+$0x0], $0xffff  }
0x26c: {  	v12 =	vld.idx.msk [tilespmem:v1+s15+$0x0], $0xffff  }
0x26d: {  	v7 =	vld.idx.msk [tilespmem:v3+s18+$0x0], $0xffff  }
0x26e: {  	v10 =	vld.idx.msk [tilespmem:v3+s15+$0x0], $0xffff  }
0x26f: {  	v62 =	vld.idx.msk [tilespmem:v56+s18+$0x0], $0xffff  }
0x270: {  	v3 =	vld.idx.msk [tilespmem:v56+s15+$0x0], $0xffff  }
0x271: {  	v51 =	vld.idx.msk [tilespmem:v57+s18+$0x0], $0xffff  }
0x272: {  	v0 =	vld.idx.msk [tilespmem:v57+s15+$0x0], $0xffff  }
0x273: {  	v49 =	vld.idx.msk [tilespmem:v58+s18+$0x0], $0xffff;
	v8 =	vmul.f32 v9, v9;
	v13 =	vmul.f32 v12, v12  }
0x274: {  	v1 =	vld.idx.msk [tilespmem:v58+s15+$0x0], $0xffff;
	v11 =	vmul.f32 v6, v6  }
0x275: {  	v47 =	vld.idx.msk [tilespmem:v4+s18+$0x0], $0xffff;
	v36 =	vmul.f32 v5, v5;
	v8 =	vadd.f32 v8, v13;
	v13 =	vmul.f32 v10, v10  }
0x276: {  	v63 =	vld.idx.msk [tilespmem:v4+s15+$0x0], $0xffff;
	v38 =	vmul.f32 v7, v7  }
0x277: {  	v46 =	vld.idx.msk [tilespmem:v37+s18+$0x0], $0xffff;
	v11 =	vadd.f32 v11, v36;
	v8 =	vadd.f32 v13, v8;
	v13 =	vmul.f32 v3, v3  }
0x278: {  	v42 =	vor.u32 v31, v35;
	v54 =	vld.idx.msk [tilespmem:v37+s15+$0x0], $0xffff;
	v59 =	vmul.f32 v62, v62  }
0x279: {  	v39 =	vld.idx.msk [tilespmem:v40+s18+$0x0], $0xffff;
	v48 =	vmul.f32 v0, v0;
	v11 =	vadd.f32 v38, v11;
	v8 =	vadd.f32 v13, v8  }
0x27a: {  	v55 =	vld.idx.msk [tilespmem:v40+s15+$0x0], $0xffff;
	v61 =	vmul.f32 v51, v51  }
0x27b: {  	v40 =	vld.idx.msk [tilespmem:v41+s18+$0x0], $0xffff;
	v50 =	vmul.f32 v1, v1;
	v2 =	vadd.f32 v59, v11;
	v8 =	vadd.f32 v48, v8  }
0x27c: {  	v43 =	vor.u32 v29, v35;
	v60 =	vmul.f32 v63, v63;
	v36 =	vor.u32 v14, v35;
	v14 =	vld [tilespmem:$0x1FF10]  }
0x27d: {  	v56 =	vld.idx.msk [tilespmem:v41+s15+$0x0], $0xffff;
	v13 =	vmul.f32 v49, v49;
	v2 =	vadd.f32 v61, v2;
	v4 =	vadd.f32 v50, v8  }
0x27e: {  	v41 =	vld.idx.msk [tilespmem:v42+s18+$0x0], $0xffff  }
0x27f: {  	v53 =	vmul.f32 v47, v47;
	v2 =	vadd.f32 v13, v2;
	v4 =	vadd.f32 v60, v4;
	v60 =	vld [tilespmem:$0x1FEF0]  }
0x280: {  	v44 =	vor.u32 v27, v35;
	v57 =	vld.idx.msk [tilespmem:v42+s15+$0x0], $0xffff;
	v61 =	vmul.f32 v54, v54  }
0x281: {  	v37 =	vor.u32 v14, v35;
	v14 =	vld [tilespmem:$0x1FF00];
	v13 =	vmul.f32 v46, v46;
	v2 =	vadd.f32 v53, v2  }
0x282: {  	v45 =	vor.u32 v28, v35;
	v42 =	vld.idx.msk [tilespmem:v43+s18+$0x0], $0xffff;
	v4 =	vadd.f32 v61, v4;
	v61 =	vmul.f32 v55, v55  }
0x283: {  	v58 =	vld.idx.msk [tilespmem:v43+s15+$0x0], $0xffff;
	v48 =	vmul.f32 v39, v39;
	v2 =	vadd.f32 v13, v2  }
0x284: {  	v4 =	vadd.f32 v61, v4;
	v61 =	vmul.f32 v56, v56;
	v52 =	vor.u32 v60, v35;
	v60 =	vld [tilespmem:$0x1FEE0]  }
0x285: {  	v43 =	vld.idx.msk [tilespmem:v44+s18+$0x0], $0xffff;
	v50 =	vor.u32 v33, v35;
	v53 =	vmul.f32 v40, v40;
	v2 =	vadd.f32 v48, v2  }
0x286: {  	v59 =	vld.idx.msk [tilespmem:v44+s15+$0x0], $0xffff;
	v8 =	vmul.f32 v57, v57;
	v38 =	vor.u32 v14, v35;
	v4 =	vadd.f32 v61, v4  }
0x287: {  	v44 =	vld.idx.msk [tilespmem:v45+s18+$0x0], $0xffff;
	v14 =	vor.u32 v30, v35;
	v48 =	vmul.f32 v41, v41;
	v2 =	vadd.f32 v53, v2  }
0x288: {  	v15 =	vor.u32 v34, v35;
	v13 =	vld [tilespmem:$0x1FED0];
	v53 =	vmul.f32 v42, v42;
	v4 =	vadd.f32 v8, v4  }
0x289: {  	v2 =	vadd.f32 v48, v2;
	v8 =	vmul.f32 v58, v58;
	v11 =	vor.u32 v60, v35;
	v60 =	vld.idx.msk [tilespmem:v45+s15+$0x0], $0xffff  }
0x28a: {  	v16 =	vor.u32 v32, v35;
	v21 =	vor.u32 v21, v35;
	v17 =	vor.u32 v17, v35;
	v61 =	vld.idx.msk [tilespmem:v50+s15+$0x0], $0xffff  }
0x28b: {  	v18 =	vmul.f32 v43, v43;
	v45 =	vld.idx.msk [tilespmem:v50+s18+$0x0], $0xffff;
	v4 =	vadd.f32 v8, v4;
	v8 =	vadd.f32 v53, v2  }
0x28c: {  	v19 =	vor.u32 v19, v35;
	v20 =	vor.u32 v20, v35;
	v48 =	vld.idx.msk [tilespmem:v14+s18+$0x0], $0xffff;
	v53 =	vmul.f32 v59, v59  }
0x28d: {  	v22 =	vor.u32 v22, v35;
	v2 =	vld.idx.msk [tilespmem:v14+s15+$0x0], $0xffff;
	v14 =	vmul.f32 v44, v44;
	v8 =	vadd.f32 v18, v8  }
0x28e: {  	v24 =	vor.u32 v24, v35;
	v50 =	vld.idx.msk [tilespmem:v15+s18+$0x0], $0xffff;
	v23 =	vadd.f32 v53, v4;
	v18 =	vmul.f32 v60, v60  }
0x28f: {  	v25 =	vor.u32 v25, v35;
	v12 =	vmul.f32 v5, v12;
	v4 =	vld.idx.msk [tilespmem:v15+s15+$0x0], $0xffff;
	v14 =	vadd.f32 v14, v8  }
0x290: {  	v53 =	vld.idx.msk [tilespmem:v16+s18+$0x0], $0xffff;
	v15 =	vmul.f32 v45, v45;
	v18 =	vadd.f32 v18, v23;
	v23 =	vmul.f32 v61, v61  }
0x291: {  	v26 =	vor.u32 v26, v35;
	v12 =	vadd.f32 $0.0e+00, v12;
	v8 =	vld.idx.msk [tilespmem:v16+s15+$0x0], $0xffff;
	v16 =	vmul.f32 v48, v48  }
0x292: {  	v5 =	vld.idx.msk [tilespmem:v19+s18+$0x0], $0xffff;
	v14 =	vadd.f32 v15, v14;
	v15 =	vmul.f32 v2, v2;
	v18 =	vadd.f32 v23, v18  }
0x293: {  	v13 =	vor.u32 v13, v35;
	v35 =	vld.idx.msk [tilespmem:v19+s15+$0x0], $0xffff;
	v19 =	vmul.f32 v6, v9;
	v23 =	vmul.f32 v50, v50  }
0x294: {  	v6 =	vld.idx.msk [tilespmem:v21+s18+$0x0], $0xffff;
	v14 =	vadd.f32 v16, v14;
	v16 =	vmul.f32 v4, v4;
	v15 =	vadd.f32 v15, v18  }
0x295: {  	v9 =	vld.idx.msk [tilespmem:v21+s15+$0x0], $0xffff;
	v12 =	vadd.f32 v19, v12;
	v19 =	vmul.f32 v53, v53;
	v18 =	vmul.f32 v7, v10  }
0x296: {  	v7 =	vld.idx.msk [tilespmem:v24+s18+$0x0], $0xffff;
	v14 =	vadd.f32 v23, v14;
	v15 =	vadd.f32 v16, v15;
	v16 =	vmul.f32 v8, v8  }
0x297: {  	v21 =	vmul.f32 v5, v5;
	v10 =	vld.idx.msk [tilespmem:v24+s15+$0x0], $0xffff;
	v12 =	vadd.f32 v18, v12;
	v18 =	vmul.f32 v62, v3  }
0x298: {  	v3 =	vld.idx.msk [tilespmem:v26+s18+$0x0], $0xffff;
	v14 =	vadd.f32 v19, v14;
	v15 =	vadd.f32 v16, v15;
	v16 =	vmul.f32 v35, v35  }
0x299: {  	v23 =	vmul.f32 v6, v6;
	v62 =	vld.idx.msk [tilespmem:v26+s15+$0x0], $0xffff;
	v19 =	vmul.f32 v51, v0;
	v18 =	vadd.f32 v18, v12  }
0x29a: {  	v0 =	vld.idx.msk [tilespmem:v25+s18+$0x0], $0xffff;
	v14 =	vadd.f32 v21, v14;
	v15 =	vadd.f32 v16, v15;
	v16 =	vmul.f32 v9, v9  }
0x29b: {  	v12 =	vld.idx.msk [tilespmem:v25+s15+$0x0], $0xffff;
	v21 =	vmul.f32 v7, v7;
	v18 =	vadd.f32 v19, v18;
	v19 =	vmul.f32 v49, v1  }
0x29c: {  	v1 =	vld.idx.msk [tilespmem:v22+s18+$0x0], $0xffff;
	v14 =	vadd.f32 v23, v14;
	v15 =	vadd.f32 v16, v15;
	v16 =	vmul.f32 v10, v10  }
0x29d: {  	v49 =	vld.idx.msk [tilespmem:v22+s15+$0x0], $0xffff;
	v22 =	vmul.f32 v3, v3;
	v18 =	vadd.f32 v19, v18;
	v19 =	vmul.f32 v47, v63  }
0x29e: {  	v47 =	vld.idx.msk [tilespmem:v20+s18+$0x0], $0xffff;
	v14 =	vadd.f32 v21, v14;
	v15 =	vadd.f32 v16, v15;
	v16 =	vmul.f32 v62, v62  }
0x29f: {  	v51 =	vld.idx.msk [tilespmem:v20+s15+$0x0], $0xffff;
	v20 =	vmul.f32 v0, v0;
	v18 =	vadd.f32 v19, v18;
	v19 =	vmul.f32 v46, v54  }
0x2a0: {  	v46 =	vld.idx.msk [tilespmem:v17+s18+$0x0], $0xffff;
	v14 =	vadd.f32 v22, v14;
	v15 =	vadd.f32 v16, v15;
	v16 =	vmul.f32 v12, v12  }
0x2a1: {  	v54 =	vld.idx.msk [tilespmem:v17+s15+$0x0], $0xffff;
	v17 =	vadd.f32 v19, v18;
	v18 =	vmul.f32 v39, v55;
	v19 =	vmul.f32 v1, v1  }
0x2a2: {  	v55 =	vld.idx.msk [tilespmem:v13+s18+$0x0], $0xffff;
	v14 =	vadd.f32 v20, v14;
	v15 =	vadd.f32 v16, v15;
	v16 =	vmul.f32 v49, v49  }
0x2a3: {  	v13 =	vld.idx.msk [tilespmem:v13+s15+$0x0], $0xffff;
	v20 =	vmul.f32 v47, v47;
	v17 =	vadd.f32 v18, v17;
	v18 =	vmul.f32 v40, v56  }
0x2a4: {  	v21 =	vld.idx.msk [tilespmem:v11+s18+$0x0], $0xffff;
	v14 =	vadd.f32 v19, v14;
	v15 =	vadd.f32 v16, v15;
	v16 =	vmul.f32 v51, v51  }
0x2a5: {  	v11 =	vld.idx.msk [tilespmem:v11+s15+$0x0], $0xffff;
	v19 =	vmul.f32 v46, v46;
	v17 =	vadd.f32 v18, v17;
	v18 =	vmul.f32 v41, v57  }
0x2a6: {  	v22 =	vld.idx.msk [tilespmem:v52+s18+$0x0], $0xffff;
	v14 =	vadd.f32 v20, v14;
	v15 =	vadd.f32 v16, v15;
	v16 =	vmul.f32 v54, v54  }
0x2a7: {  	v20 =	vld.idx.msk [tilespmem:v52+s15+$0x0], $0xffff;
	v23 =	vmul.f32 v55, v55;
	v17 =	vadd.f32 v18, v17;
	v18 =	vmul.f32 v42, v58  }
0x2a8: {  	v24 =	vld.idx.msk [tilespmem:v38+s18+$0x0], $0xffff;
	v14 =	vadd.f32 v19, v14;
	v15 =	vadd.f32 v16, v15;
	v16 =	vmul.f32 v13, v13  }
0x2a9: {  	v25 =	vmul.f32 v21, v21;
	v19 =	vld.idx.msk [tilespmem:v38+s15+$0x0], $0xffff;
	v17 =	vadd.f32 v18, v17;
	v18 =	vmul.f32 v43, v59  }
0x2aa: {  	v26 =	vld.idx.msk [tilespmem:v37+s18+$0x0], $0xffff;
	v14 =	vadd.f32 v23, v14;
	v15 =	vadd.f32 v16, v15;
	v16 =	vmul.f32 v11, v11  }
0x2ab: {  	v23 =	vld.idx.msk [tilespmem:v37+s15+$0x0], $0xffff;
	v59 =	vmul.f32 v22, v22;
	v17 =	vadd.f32 v18, v17;
	v18 =	vmul.f32 v44, v60  }
0x2ac: {  	v60 =	vld.idx.msk [tilespmem:v36+s18+$0x0], $0xffff;
	v14 =	vadd.f32 v25, v14;
	v15 =	vadd.f32 v16, v15;
	v16 =	vmul.f32 v20, v20  }
0x2ad: {  	v25 =	vld.idx.msk [tilespmem:v36+s15+$0x0], $0xffff;
	v17 =	vadd.f32 v18, v17;
	v18 =	vmul.f32 v45, v61;
	v61 =	vmul.f32 v24, v24  }
0x2ae: {  	v14 =	vadd.f32 v59, v14;
	v15 =	vadd.f32 v16, v15;
	v16 =	vmul.f32 v19, v19  }
0x2af: {  	v2 =	vmul.f32 v48, v2;
	v17 =	vadd.f32 v18, v17;
	v18 =	vmul.f32 v26, v26  }
0x2b0: {  	v14 =	vadd.f32 v61, v14;
	v15 =	vadd.f32 v16, v15;
	v16 =	vmul.f32 v23, v23  }
0x2b1: {  	v4 =	vmul.f32 v50, v4;
	v2 =	vadd.f32 v2, v17;
	v17 =	vmul.f32 v60, v60  }
0x2b2: {  	v14 =	vadd.f32 v18, v14;
	v15 =	vadd.f32 v16, v15;
	v16 =	vmul.f32 v25, v25  }
0x2b3: {  	v63 =	vmul.f32 v53, v8;
	v2 =	vadd.f32 v4, v2  }
0x2b4: {  	v14 =	vadd.f32 v17, v14;
	v36 =	vadd.f32 v16, v15  }
0x2b5: {  	v37 =	vmul.f32 v5, v35;
	v2 =	vadd.f32 v63, v2  }
0x2b6: {  	v41 =	vmax.f32 v14, $9.999999960e-13;
	v40 =	vmax.f32 v36, $9.999999960e-13  }
0x2b7: {  	v42 =	vmul.f32 v6, v9;
	v2 =	vadd.f32 v37, v2;
	v5 =	vmul.f32 v41, v40  }
0x2b8: {  	v43 =	vmul.f32 v7, v10  }
0x2b9: {  	v2 =	vadd.f32 v42, v2;
	v44 =	vshra.s32 v5, $0x1;
	v5 =	vmul.f32 $5.000000000e-01, v5  }
0x2ba: {  	v4 =	vsub.s32 $0x5F3759DF, v44  }
0x2bb: {  	v3 =	vmul.f32 v3, v62;
	v2 =	vadd.f32 v43, v2;
	v45 =	vmul.f32 v4, v5;
	_ =	sdelay $0x1  }
0x2bc: {  	v0 =	vmul.f32 v0, v12;
	v2 =	vadd.f32 v3, v2;
	v48 =	vmul.f32 v4, v45;
	_ =	sdelay $0x1  }
0x2bd: {  	v1 =	vmul.f32 v1, v49;
	v0 =	vadd.f32 v0, v2;
	v49 =	vsub.f32 $1.500000000e+00, v48;
	_ =	sdelay $0x1  }
0x2be: {  	v50 =	vmul.f32 v47, v51;
	v0 =	vadd.f32 v1, v0;
	v2 =	vmul.f32 v4, v49;
	_ =	sdelay $0x1  }
0x2bf: {  	v51 =	vmul.f32 v46, v54;
	v0 =	vadd.f32 v50, v0;
	v52 =	vmul.f32 v2, v5;
	_ =	sdelay $0x1  }
0x2c0: {  	v53 =	vmul.f32 v55, v13;
	v0 =	vadd.f32 v51, v0;
	v3 =	vmul.f32 v52, v2;
	_ =	sdelay $0x1  }
0x2c1: {  	v54 =	vmul.f32 v21, v11;
	v0 =	vadd.f32 v53, v0;
	v3 =	vsub.f32 $1.500000000e+00, v3;
	_ =	sdelay $0x1  }
0x2c2: {  	v55 =	vmul.f32 v22, v20;
	v0 =	vadd.f32 v54, v0;
	v2 =	vmul.f32 v3, v2;
	_ =	sdelay $0x1  }
0x2c3: {  	v56 =	vmul.f32 v24, v19;
	v0 =	vadd.f32 v55, v0;
	v3 =	vmul.f32 v2, v5;
	_ =	sdelay $0x1  }
0x2c4: {  	v57 =	vmul.f32 v26, v23;
	v0 =	vadd.f32 v56, v0;
	v3 =	vmul.f32 v3, v2;
	_ =	sdelay $0x1  }
0x2c5: {  	v58 =	vmul.f32 v60, v25;
	v0 =	vadd.f32 v57, v0;
	v3 =	vsub.f32 $1.500000000e+00, v3  }
0x2c6: {  	v60 =	vld [tilespmem:$0x1FE00]  }
0x2c7: {  	v0 =	vadd.f32 v58, v0;
	v59 =	vmul.f32 v3, v2  }
0x2c8: {  	v61 =	vld [tilespmem:$0x1FE10]  }
0x2c9: {  	v0 =	vmul.f32 v59, v0;
	_ =	sdelay $0x1  }
0x2ca: {  	v0 =	vmul.f32 v0, v60;
	_ =	sdelay $0x1  }
0x2cb: {  	v0 =	vadd.f32 v0, v61;
	_ =	sdelay $0x1  }
0x2cc: {  	v0 =	vsub.f32 $0.0e+00, v0;
	_ =	sdelay $0x1  }
0x2cd: {  	v0 =	vmul.f32 $1.442695020e+00, v0;
	_ =	sdelay $0x1  }
0x2ce: {  	(erf) = vpow2.f32 v0;
	_ =	sdelay $0x3  }
0x2cf: {  	v22 =	vld [tilespmem:$0x1FE70]  }
0x2d0: {  	v20 =	vld [tilespmem:$0x1FE60]  }
0x2d1: {  	v24 =	vld [tilespmem:$0x1FE80]  }
0x2d2: {  	v19 =	vld [tilespmem:$0x1FE50]  }
0x2d3: {  	v63 =	vld [tilespmem:$0x1FFA0]  }
0x2d4: {  	p0 =	sne.s32 s22, $0x1F0;
	v26 =	vld [tilespmem:$0x1FEA0];
	v0 =	vpop (erf)  }
.Ltmp1:
0x2d5: {  	v18 =	vld [tilespmem:$0x1FE40];
	v0 =	vadd.f32 $1.000000000e+00, v0;
	(pc) =	sbr.rel @p0 .LBB2_4-.Ltmp1, $4  }
0x2d6: {  	v62 =	vmov s22;
	v17 =	vld [tilespmem:$0x1FE30]  }
0x2d7: {  	v25 =	vld [tilespmem:$0x1FE90];
	(erf) = vrcp.f32 v0;
	v0 =	vshll.u32 v62, $0x5  }
0x2d8: {  	v16 =	vld [tilespmem:$0x1FE20];
	v0 =	vor.u32 v63, v0  }
0x2d9: {  	s22 =	sadd.s32 $0x10, s22;
	v14 =	vld [tilespmem:$0x1FEB0];
	v35 =	vand.u32 $0x3F80, v0  }
0x2da: {  	_ =	sdelay $0x2  }
0x2db: {  	v0 =	vor.u32 v16, v35;
	_ =	sdelay $0x1  }
0x2dc: {  	v1 =	vor.u32 v14, v35  }
0x2dd: {  	s21 =	sadd.s32 $0x10, s21;
	v61 =	vld [tilespmem:$0x1FF60];
	v2 =	vpop (erf)  }
0x2de: {  	v63 =	vld [tilespmem:$0x1FF70];
	v3 =	vor.u32 v17, v35;
	[tilespmem:s21+$0x0] =	vst v2  }
0x2df: {  	v14 =	vld.idx.msk [tilespmem:v0+s18+$0x0], $0xffff  }
0x2e0: {  	v15 =	vld.idx.msk [tilespmem:v0+s15+$0x0], $0xffff;
	v0 =	vor.u32 v18, v35  }
0x2e1: {  	v16 =	vld.idx.msk [tilespmem:v1+s15+$0x0], $0xffff  }
0x2e2: {  	v17 =	vld.idx.msk [tilespmem:v1+s18+$0x0], $0xffff;
	v1 =	vor.u32 v19, v35  }
0x2e3: {  	v18 =	vld.idx.msk [tilespmem:v3+s15+$0x0], $0xffff  }
0x2e4: {  	v2 =	vor.u32 v20, v35;
	v19 =	vld.idx.msk [tilespmem:v3+s18+$0x0], $0xffff  }
0x2e5: {  	v20 =	vld.idx.msk [tilespmem:v0+s15+$0x0], $0xffff  }
0x2e6: {  	v21 =	vld.idx.msk [tilespmem:v0+s18+$0x0], $0xffff;
	v0 =	vor.u32 v22, v35  }
0x2e7: {  	v22 =	vld.idx.msk [tilespmem:v1+s15+$0x0], $0xffff  }
0x2e8: {  	v23 =	vld.idx.msk [tilespmem:v1+s18+$0x0], $0xffff;
	v1 =	vor.u32 v24, v35  }
0x2e9: {  	v49 =	vld.idx.msk [tilespmem:v2+s15+$0x0], $0xffff;
	v3 =	vmul.f32 v15, v15;
	v4 =	vmul.f32 v16, v16  }
0x2ea: {  	v5 =	vmul.f32 v14, v14;
	v6 =	vmul.f32 v17, v17;
	v24 =	vld.idx.msk [tilespmem:v2+s18+$0x0], $0xffff;
	v2 =	vor.u32 v25, v35  }
0x2eb: {  	v3 =	vadd.f32 v3, v4;
	v4 =	vmul.f32 v18, v18;
	v48 =	vld.idx.msk [tilespmem:v0+s15+$0x0], $0xffff  }
0x2ec: {  	v7 =	vmul.f32 v19, v19;
	v5 =	vadd.f32 v5, v6;
	v50 =	vld.idx.msk [tilespmem:v0+s18+$0x0], $0xffff;
	v0 =	vor.u32 v26, v35  }
0x2ed: {  	v3 =	vadd.f32 v4, v3;
	v4 =	vmul.f32 v20, v20;
	v44 =	vld.idx.msk [tilespmem:v1+s15+$0x0], $0xffff  }
0x2ee: {  	v6 =	vmul.f32 v21, v21;
	v5 =	vadd.f32 v7, v5;
	v46 =	vld.idx.msk [tilespmem:v1+s18+$0x0], $0xffff  }
0x2ef: {  	v1 =	vor.u32 v31, v35;
	v13 =	vld.idx.msk [tilespmem:v2+s15+$0x0], $0xffff;
	v3 =	vadd.f32 v4, v3;
	v4 =	vmul.f32 v22, v22  }
0x2f0: {  	v7 =	vmul.f32 v23, v23;
	v43 =	vld.idx.msk [tilespmem:v2+s18+$0x0], $0xffff;
	v5 =	vadd.f32 v6, v5  }
0x2f1: {  	v2 =	vor.u32 v29, v35;
	v3 =	vadd.f32 v4, v3;
	v4 =	vmul.f32 v49, v49;
	v40 =	vld.idx.msk [tilespmem:v0+s15+$0x0], $0xffff  }
0x2f2: {  	v6 =	vmul.f32 v24, v24;
	v5 =	vadd.f32 v7, v5;
	v41 =	vld.idx.msk [tilespmem:v0+s18+$0x0], $0xffff  }
0x2f3: {  	v57 =	vmovc v27;
	v0 =	vor.u32 v27, v35;
	v27 =	vld [tilespmem:$0x1FF30];
	v3 =	vadd.f32 v4, v3;
	v4 =	vmul.f32 v48, v48  }
0x2f4: {  	v7 =	vmul.f32 v50, v50;
	v5 =	vadd.f32 v6, v5;
	v37 =	vld.idx.msk [tilespmem:v1+s15+$0x0], $0xffff  }
0x2f5: {  	v39 =	vld.idx.msk [tilespmem:v1+s18+$0x0], $0xffff;
	v3 =	vadd.f32 v4, v3;
	v4 =	vmul.f32 v44, v44  }
0x2f6: {  	v6 =	vmul.f32 v46, v46;
	v1 =	vor.u32 v28, v35;
	v11 =	vld.idx.msk [tilespmem:v2+s15+$0x0], $0xffff;
	v5 =	vadd.f32 v7, v5  }
0x2f7: {  	v12 =	vld.idx.msk [tilespmem:v2+s18+$0x0], $0xffff;
	v3 =	vadd.f32 v4, v3;
	v4 =	vmul.f32 v13, v13  }
0x2f8: {  	v53 =	vmovc v28;
	v28 =	vld [tilespmem:$0x1FF80];
	v7 =	vmul.f32 v43, v43;
	v5 =	vadd.f32 v6, v5;
	v6 =	vor.u32 v33, v35  }
0x2f9: {  	v8 =	vld.idx.msk [tilespmem:v0+s15+$0x0], $0xffff;
	v2 =	vadd.f32 v4, v3;
	v3 =	vmul.f32 v40, v40  }
0x2fa: {  	v10 =	vld.idx.msk [tilespmem:v0+s18+$0x0], $0xffff;
	v4 =	vmul.f32 v41, v41;
	v5 =	vadd.f32 v7, v5;
	v7 =	vor.u32 v30, v35  }
0x2fb: {  	v9 =	vld.idx.msk [tilespmem:v1+s18+$0x0], $0xffff;
	v0 =	vadd.f32 v3, v2;
	v2 =	vmul.f32 v37, v37  }
0x2fc: {  	v31 =	vor.u32 v34, v35;
	v3 =	vmul.f32 v39, v39;
	v5 =	vadd.f32 v4, v5;
	v4 =	vld.idx.msk [tilespmem:v1+s15+$0x0], $0xffff  }
0x2fd: {  	v45 =	vor.u32 v61, v35;
	v1 =	vmul.f32 v11, v11;
	v0 =	vadd.f32 v2, v0;
	v2 =	vld.idx.msk [tilespmem:v6+s15+$0x0], $0xffff  }
0x2fe: {  	v56 =	vmovc v29;
	v29 =	vmov v33;
	v33 =	vmul.f32 v12, v12;
	v3 =	vadd.f32 v3, v5;
	v5 =	vld.idx.msk [tilespmem:v6+s18+$0x0], $0xffff  }
0x2ff: {  	v36 =	vor.u32 v32, v35;
	v6 =	vmul.f32 v8, v8;
	v1 =	vadd.f32 v1, v0;
	v0 =	vld.idx.msk [tilespmem:v7+s15+$0x0], $0xffff  }
0x300: {  	v26 =	vadd.f32 v33, v3;
	v3 =	vld.idx.msk [tilespmem:v7+s18+$0x0], $0xffff  }
0x301: {  	v38 =	vmul.f32 v10, v10;
	v7 =	vadd.f32 v6, v1;
	v1 =	vld.idx.msk [tilespmem:v31+s18+$0x0], $0xffff  }
0x302: {  	v51 =	vor.u32 v63, v35;
	v42 =	vmul.f32 v4, v4;
	v6 =	vld.idx.msk [tilespmem:v31+s15+$0x0], $0xffff  }
0x303: {  	v26 =	vadd.f32 v38, v26;
	v38 =	vld.idx.msk [tilespmem:v45+s15+$0x0], $0xffff  }
0x304: {  	v58 =	vmov v34;
	v52 =	vor.u32 v28, v35;
	v34 =	vadd.f32 v42, v7;
	v7 =	vld.idx.msk [tilespmem:v36+s15+$0x0], $0xffff  }
0x305: {  	v36 =	vld.idx.msk [tilespmem:v36+s18+$0x0], $0xffff  }
0x306: {  	v47 =	vmul.f32 v9, v9;
	v42 =	vld.idx.msk [tilespmem:v45+s18+$0x0], $0xffff  }
0x307: {  	v16 =	vmul.f32 v17, v16;
	v45 =	vld.idx.msk [tilespmem:v51+s18+$0x0], $0xffff  }
0x308: {  	v14 =	vmul.f32 v14, v15;
	v60 =	vmul.f32 v5, v5;
	v26 =	vadd.f32 v47, v26;
	v47 =	vld.idx.msk [tilespmem:v51+s15+$0x0], $0xffff  }
0x309: {  	v15 =	vadd.f32 $0.0e+00, v16;
	v55 =	vmul.f32 v2, v2;
	v51 =	vmul.f32 v21, v20;
	v21 =	vld.idx.msk [tilespmem:v52+s15+$0x0], $0xffff  }
0x30a: {  	v54 =	vmovc v30;
	v18 =	vmul.f32 v19, v18;
	v30 =	vmul.f32 v3, v3;
	v26 =	vadd.f32 v60, v26;
	v60 =	vld [tilespmem:$0x1FF50]  }
0x30b: {  	v14 =	vadd.f32 v14, v15;
	v62 =	vmul.f32 v0, v0;
	v17 =	vadd.f32 v55, v34;
	v55 =	vld [tilespmem:$0x1FF90]  }
0x30c: {  	v31 =	vadd.f32 v30, v26;
	v26 =	vld.idx.msk [tilespmem:v52+s18+$0x0], $0xffff  }
0x30d: {  	v14 =	vadd.f32 v18, v14;
	v16 =	vadd.f32 v62, v17;
	v17 =	vmul.f32 v1, v1;
	v52 =	vld [tilespmem:$0x1FF20]  }
0x30e: {  	v59 =	vmovc v32;
	v22 =	vmul.f32 v23, v22;
	v18 =	vor.u32 v27, v35;
	v32 =	vmul.f32 v6, v6  }
0x30f: {  	v27 =	vld [tilespmem:$0x1FEC0];
	v14 =	vadd.f32 v51, v14;
	v34 =	vmul.f32 v36, v36;
	v17 =	vadd.f32 v17, v31  }
0x310: {  	v24 =	vmul.f32 v24, v49;
	v16 =	vadd.f32 v32, v16;
	v32 =	vld [tilespmem:$0x1FED0];
	v15 =	vor.u32 v60, v35  }
0x311: {  	v14 =	vadd.f32 v22, v14;
	v62 =	vmul.f32 v42, v42;
	v17 =	vadd.f32 v34, v17;
	v34 =	vld [tilespmem:$0x1FEE0]  }
0x312: {  	v33 =	vmul.f32 v7, v7;
	v20 =	vor.u32 v55, v35;
	v22 =	vor.u32 v52, v35;
	v52 =	vld [tilespmem:$0x1FF10]  }
0x313: {  	v17 =	vadd.f32 v62, v17;
	v62 =	vmul.f32 v50, v48;
	v50 =	vld.idx.msk [tilespmem:v18+s15+$0x0], $0xffff  }
0x314: {  	v14 =	vadd.f32 v24, v14;
	v60 =	vmul.f32 v38, v38;
	v16 =	vadd.f32 v33, v16;
	v18 =	vld.idx.msk [tilespmem:v18+s18+$0x0], $0xffff  }
0x315: {  	v44 =	vmul.f32 v46, v44;
	v13 =	vmul.f32 v43, v13;
	v23 =	vld.idx.msk [tilespmem:v15+s15+$0x0], $0xffff  }
0x316: {  	v31 =	vmul.f32 v47, v47;
	v16 =	vadd.f32 v60, v16;
	v15 =	vld.idx.msk [tilespmem:v15+s18+$0x0], $0xffff;
	v14 =	vadd.f32 v62, v14  }
0x317: {  	v30 =	vmul.f32 v45, v45;
	v55 =	vmul.f32 v21, v21;
	v49 =	vld.idx.msk [tilespmem:v20+s15+$0x0], $0xffff  }
0x318: {  	v48 =	vor.u32 v27, v35;
	v16 =	vadd.f32 v31, v16;
	v20 =	vld.idx.msk [tilespmem:v20+s18+$0x0], $0xffff;
	v14 =	vadd.f32 v44, v14  }
0x319: {  	v40 =	vmul.f32 v41, v40;
	v60 =	vmul.f32 v26, v26;
	v17 =	vadd.f32 v30, v17;
	v46 =	vld.idx.msk [tilespmem:v22+s18+$0x0], $0xffff  }
0x31a: {  	v33 =	vor.u32 v32, v35;
	v16 =	vadd.f32 v55, v16;
	v55 =	vld [tilespmem:$0x1FEF0];
	v13 =	vadd.f32 v13, v14  }
0x31b: {  	v37 =	vmul.f32 v39, v37;
	v22 =	vld.idx.msk [tilespmem:v22+s15+$0x0], $0xffff;
	v30 =	vmul.f32 v23, v23  }
0x31c: {  	v17 =	vadd.f32 v60, v17;
	v31 =	vmul.f32 v15, v15;
	v13 =	vadd.f32 v40, v13;
	v40 =	vld [tilespmem:$0x1FF00]  }
0x31d: {  	v60 =	vor.u32 v34, v35;
	v43 =	vld.idx.msk [tilespmem:v48+s15+$0x0], $0xffff;
	v62 =	vmul.f32 v49, v49;
	v16 =	vadd.f32 v30, v16  }
0x31e: {  	v11 =	vmul.f32 v12, v11;
	v48 =	vld.idx.msk [tilespmem:v48+s18+$0x0], $0xffff;
	v17 =	vadd.f32 v31, v17;
	v30 =	vmul.f32 v20, v20  }
0x31f: {  	v41 =	vld.idx.msk [tilespmem:v33+s15+$0x0], $0xffff;
	v31 =	vmul.f32 v50, v50;
	v14 =	vor.u32 v55, v35;
	v16 =	vadd.f32 v62, v16  }
0x320: {  	v8 =	vmul.f32 v10, v8;
	v32 =	vmul.f32 v18, v18;
	v17 =	vadd.f32 v30, v17;
	v62 =	vld [tilespmem:$0x1FF40]  }
0x321: {  	v24 =	vld.idx.msk [tilespmem:v33+s18+$0x0], $0xffff;
	v34 =	vmul.f32 v22, v22;
	v16 =	vadd.f32 v31, v16;
	v40 =	vor.u32 v40, v35  }
0x322: {  	v44 =	vor.u32 v52, v35;
	v33 =	vmul.f32 v46, v46;
	v19 =	vld.idx.msk [tilespmem:v60+s15+$0x0], $0xffff;
	v17 =	vadd.f32 v32, v17  }
0x323: {  	v39 =	vld.idx.msk [tilespmem:v60+s18+$0x0], $0xffff;
	v51 =	vmul.f32 v43, v43;
	v13 =	vadd.f32 v37, v13;
	v16 =	vadd.f32 v34, v16  }
0x324: {  	v55 =	vmul.f32 v48, v48;
	v30 =	vmul.f32 v41, v41;
	v12 =	vld.idx.msk [tilespmem:v14+s15+$0x0], $0xffff;
	v17 =	vadd.f32 v33, v17  }
0x325: {  	v11 =	vadd.f32 v11, v13;
	v14 =	vld.idx.msk [tilespmem:v14+s18+$0x0], $0xffff;
	v31 =	vor.u32 v62, v35;
	v16 =	vadd.f32 v51, v16  }
0x326: {  	v4 =	vmul.f32 v9, v4;
	v34 =	vmul.f32 v24, v24;
	v17 =	vadd.f32 v55, v17;
	v10 =	vld.idx.msk [tilespmem:v40+s15+$0x0], $0xffff  }
0x327: {  	v52 =	vmul.f32 v19, v19;
	v8 =	vadd.f32 v8, v11;
	v13 =	vadd.f32 v30, v16;
	v16 =	vld.idx.msk [tilespmem:v40+s18+$0x0], $0xffff  }
0x328: {  	v2 =	vmul.f32 v5, v2;
	v9 =	vld.idx.msk [tilespmem:v44+s15+$0x0], $0xffff;
	v51 =	vmul.f32 v39, v39;
	v17 =	vadd.f32 v34, v17  }
0x329: {  	v4 =	vadd.f32 v4, v8;
	v55 =	vmul.f32 v12, v12;
	v11 =	vadd.f32 v52, v13;
	v13 =	vld.idx.msk [tilespmem:v44+s18+$0x0], $0xffff  }
0x32a: {  	v0 =	vmul.f32 v3, v0;
	v8 =	vmul.f32 v14, v14;
	v17 =	vadd.f32 v51, v17;
	v35 =	vld.idx.msk [tilespmem:v31+s15+$0x0], $0xffff  }
0x32b: {  	v2 =	vadd.f32 v2, v4;
	v5 =	vld.idx.msk [tilespmem:v31+s18+$0x0], $0xffff;
	v11 =	vadd.f32 v55, v11;
	v60 =	vmul.f32 v10, v10  }
0x32c: {  	v8 =	vadd.f32 v8, v17;
	v4 =	vmul.f32 v16, v16  }
0x32d: {  	v1 =	vmul.f32 v1, v6;
	v0 =	vadd.f32 v0, v2;
	v3 =	vadd.f32 v60, v11  }
0x32e: {  	v11 =	vmul.f32 v9, v9;
	v4 =	vadd.f32 v4, v8;
	v8 =	vmul.f32 v13, v13  }
0x32f: {  	v0 =	vadd.f32 v1, v0;
	v1 =	vmul.f32 v36, v7;
	v6 =	vmul.f32 v35, v35  }
0x330: {  	v2 =	vadd.f32 v11, v3;
	v3 =	vmul.f32 v5, v5;
	v4 =	vadd.f32 v8, v4  }
0x331: {  	v0 =	vadd.f32 v1, v0;
	v1 =	vmul.f32 v42, v38  }
0x332: {  	v2 =	vadd.f32 v6, v2;
	v3 =	vadd.f32 v3, v4  }
0x333: {  	v0 =	vadd.f32 v1, v0  }
0x334: {  	v1 =	vmul.f32 v45, v47;
	v2 =	vmax.f32 v2, $9.999999960e-13;
	v3 =	vmax.f32 v3, $9.999999960e-13  }
0x335: {  	v2 =	vmul.f32 v3, v2  }
0x336: {  	v0 =	vadd.f32 v1, v0  }
0x337: {  	v3 =	vmul.f32 v26, v21;
	v1 =	vshra.s32 v2, $0x1;
	v2 =	vmul.f32 $5.000000000e-01, v2  }
0x338: {  	v1 =	vsub.s32 $0x5F3759DF, v1  }
0x339: {  	v0 =	vadd.f32 v3, v0;
	v3 =	vmul.f32 v15, v23;
	v4 =	vmul.f32 v1, v2;
	_ =	sdelay $0x1  }
0x33a: {  	v0 =	vadd.f32 v3, v0;
	v3 =	vmul.f32 v20, v49;
	v4 =	vmul.f32 v1, v4;
	_ =	sdelay $0x1  }
0x33b: {  	v0 =	vadd.f32 v3, v0;
	v3 =	vmul.f32 v18, v50;
	v4 =	vsub.f32 $1.500000000e+00, v4;
	_ =	sdelay $0x1  }
0x33c: {  	v0 =	vadd.f32 v3, v0;
	v3 =	vmul.f32 v46, v22;
	v1 =	vmul.f32 v1, v4;
	_ =	sdelay $0x1  }
0x33d: {  	v0 =	vadd.f32 v3, v0;
	v3 =	vmul.f32 v48, v43;
	v4 =	vmul.f32 v1, v2;
	_ =	sdelay $0x1  }
0x33e: {  	v0 =	vadd.f32 v3, v0;
	v3 =	vmul.f32 v24, v41;
	v4 =	vmul.f32 v4, v1;
	_ =	sdelay $0x1  }
0x33f: {  	v0 =	vadd.f32 v3, v0;
	v3 =	vmul.f32 v39, v19;
	v4 =	vsub.f32 $1.500000000e+00, v4;
	_ =	sdelay $0x1  }
0x340: {  	v0 =	vadd.f32 v3, v0;
	v3 =	vmul.f32 v14, v12;
	v1 =	vmul.f32 v4, v1;
	_ =	sdelay $0x1  }
0x341: {  	v0 =	vadd.f32 v3, v0;
	v3 =	vmul.f32 v16, v10;
	v2 =	vmul.f32 v1, v2;
	_ =	sdelay $0x1  }
0x342: {  	v0 =	vadd.f32 v3, v0;
	v3 =	vmul.f32 v13, v9;
	v2 =	vmul.f32 v2, v1;
	_ =	sdelay $0x1  }
0x343: {  	v0 =	vadd.f32 v3, v0;
	v3 =	vmul.f32 v5, v35;
	v2 =	vsub.f32 $1.500000000e+00, v2;
	_ =	sdelay $0x1  }
0x344: {  	v0 =	vadd.f32 v3, v0;
	v1 =	vmul.f32 v2, v1;
	_ =	sdelay $0x1  }
0x345: {  	v0 =	vmul.f32 v1, v0;
	v1 =	vld [tilespmem:$0x1FE00];
	_ =	sdelay $0x4  }
0x346: {  	v0 =	vmul.f32 v0, v1;
	v1 =	vld [tilespmem:$0x1FE10];
	_ =	sdelay $0x4  }
0x347: {  	v0 =	vadd.f32 v0, v1;
	_ =	sdelay $0x1  }
0x348: {  	v0 =	vsub.f32 $0.0e+00, v0;
	_ =	sdelay $0x1  }
0x349: {  	v0 =	vmul.f32 $1.442695020e+00, v0;
	_ =	sdelay $0x1  }
0x34a: {  	(erf) = vpow2.f32 v0;
	_ =	sdelay $0x8  }
0x34b: {  	v0 =	vpop (erf)  }
0x34c: {  	v0 =	vadd.f32 $1.000000000e+00, v0;
	_ =	sdelay $0x1  }
0x34d: {  	(erf) = vrcp.f32 v0;
	_ =	sdelay $0x8  }
0x34e: {  	s0 =	sadd.s32 $0x10, s21;
	v0 =	vpop (erf)  }
0x34f: {  	s30 =	rddreg [dreg:$0x9];
	s1 =	simm.s32 $0x8500;
	[tilespmem:s0+$0x0] =	vst v0  }
0x350: {  	[hbm4b:s30+s3] =	stream.linear.scatter [tilespmem:s1], [sflag:$0x3], $0x200, $0x38;
	[tilespmem:$0x8700] =	vst v63  }
0x351: {  	_ =	swait.ge [sflag:s11], $0x200  }
0x352: {  	s20 =	sadd.s32 $0x1, s20;
	s31 =	rddreg [dreg:$0xa]  }
0x353: {  	p0 =	sne.s32 s20, s31  }
.Ltmp2:
0x354: {  	_ = 	snop;
	(pc) =	sbr.rel @p0 .LBB2_1-.Ltmp2, $3  }
0x355: {  	_ =	sdelay $0x1  }
0x356: {  	[sflag:s11] =	ssyncset.done $0x0;
	v7 =	vld [tilespmem:$0x1FFA0]  }
0x357: {  	v21 =	vmovc v54;
	v15 =	vmov v53;
	v39 =	vmov v29;
	v0 =	vmov v28;
	v8 =	vld [tilespmem:$0x1FFE0];
	[sflag:s11] =	ssyncadd.s32 $0xFFFFFE00  }
0x358: {  	_ =	sfence.sel $0x180000  }
0x359: {  	[bflag:$0x0] =	sbarrier.arrive $0xFFFF  }
0x35a: {  	_ =	strace $0x90000047  }
0x35b: {  	s0 =	stileid.u32;
	[bflag:$0x2] =	sbarrier.arrive $0xFFFF  }
0x35c: {  	p0 =	sne.s32 s0, $0x0;
	s0 =	rddreg [dreg:$0x6]  }
0x35d: {  	s0 =	sadd.s32 @!p0 $0x100000, s0  }
0x35e: {  	[sflag:s0] =	ssyncadd.tile.s32 @!p0 $0x1;
	_ =	shalt  }
.Lfunc_end2:
_tile_overlayer_lowered:
.L_overlay_start_2:
0x35f: {  	(tag) =	ssettag $0x2  }
0x360: {  	s0 =	rddreg [dreg:$0x0];
	s2 =	stileid.u32  }
0x361: {  	s1 =	rddreg [dreg:$0x1];
	p0 =	sne.s32 s2, $0x0  }
0x362: {  	s3 =	rddreg [dreg:$0x2];
	[bflag:$0x3] =	sbarrier.arrive $0xFFFF;
	s2 =	simm.s32 @!p0 $0x1C03  }
0x363: {  	[timem:s3], [sflag:s2] =	dma.local @!p0 [hbm:s0], s1  }
0x364: {  	s0 =	simm.s32 @!p0 $0x3  }
0x365: {  	_ =	swait.ge @!p0 [sflag:s0], s1  }
0x366: {  	s1 =	ssub.s32 @!p0 $0x0, s1;
	[sflag:s0] =	ssyncset.done @!p0 $0x0  }
0x367: {  	[sflag:s0] =	ssyncadd.s32 @!p0 s1  }
0x368: {  	[bflag:$0x3] =	sbarrier.arrive $0xFFFF  }
0x369: {  	_ =	shalt  }

</sc_bundles>
